<compile_context>
chip_gen: v7x
topology: tpu7x:2x2x1
jax: 0.10.2.dev20260603
libtpu: 0.0.44.dev20260713+nightly
codegen_flags: <defaults>
</compile_context>

<pallas_src>
import functools
import math

import jax
import jax.numpy as jnp
from jax import lax
from jax.experimental import pallas as pl
from jax.experimental.pallas import tpu as pltpu
from jax.experimental.pallas import tpu_sc as plsc

D_MODEL = 128
LANES = 16
NUM_CORES = 2
NUM_SUBCORES = 16
NUM_WORKERS = NUM_CORES * NUM_SUBCORES
SCALE = math.sqrt(float(D_MODEL))


@functools.partial(jax.jit, static_argnames=("seq", "batch"))
def _run(x2d, table, pe2d, *, seq, batch):
    spw = seq // NUM_WORKERS
    rpw = spw * batch
    n_idx_rows = rpw // D_MODEL
    n_chunks = 4
    crows = rpw // n_chunks
    cs = spw // n_chunks

    mesh = plsc.VectorSubcoreMesh(
        core_axis_name="c", subcore_axis_name="s",
        num_cores=NUM_CORES, num_subcores=NUM_SUBCORES)

    @functools.partial(
        pl.kernel,
        out_type=jax.ShapeDtypeStruct((seq * batch, D_MODEL), jnp.float32),
        mesh=mesh,
        scratch_types=[
            pltpu.VMEM((n_idx_rows, D_MODEL), jnp.int32),
            pltpu.VMEM((rpw, D_MODEL), jnp.float32),
            pltpu.VMEM((spw, D_MODEL), jnp.float32),
            [pltpu.SemaphoreType.DMA] * n_chunks,
            pltpu.SemaphoreType.DMA,
            pltpu.SemaphoreType.DMA,
        ],
    )
    def run(x_hbm, table_hbm, pe_hbm, out_hbm, idx_v, rows_v, pe_v,
            gsems, st_sem, pe_sem):
        wid = lax.axis_index("s") * NUM_CORES + lax.axis_index("c")
        base = wid * spw

        pltpu.sync_copy(x_hbm.at[pl.ds(wid * n_idx_rows, n_idx_rows)], idx_v)
        pe_cp = pltpu.async_copy(pe_hbm.at[pl.ds(base, spw)], pe_v, pe_sem)
        gathers = [
            pltpu.async_copy(
                table_hbm.at[idx_v.at[c * crows // D_MODEL,
                                      pl.ds(c * crows % D_MODEL, crows)]],
                rows_v.at[pl.ds(c * crows, crows)], gsems[c])
            for c in range(n_chunks)
        ]
        pe_cp.wait()

        stores = []
        for c in range(n_chunks):
            gathers[c].wait()

            @pl.loop(c * cs, (c + 1) * cs)
            def _(s):
                pv = [pe_v[s, pl.ds(j * LANES, LANES)]
                      for j in range(D_MODEL // LANES)]
                for b in range(batch):
                    r = s * batch + b
                    for j in range(D_MODEL // LANES):
                        sl = pl.ds(j * LANES, LANES)
                        rows_v[r, sl] = rows_v[r, sl] * SCALE + pv[j]

            stores.append(pltpu.async_copy(
                rows_v.at[pl.ds(c * crows, crows)],
                out_hbm.at[pl.ds(wid * rpw + c * crows, crows)], st_sem))
        for st in stores:
            st.wait()

    return run(x2d, table, pe2d)


def kernel(x, table, pe):
    seq, batch = x.shape
    x2d = x.reshape(seq * batch // D_MODEL, D_MODEL)
    pe2d = pe.reshape(pe.shape[0], D_MODEL)
    out = _run(x2d, table, pe2d, seq=seq, batch=batch)
    return out.reshape(seq, batch, D_MODEL)

# --- scband reference (transcript-rebuilt; emitter-appended) ---
"""Pipeline reference for scband-embeddings-with-positional-encoding-76476187673332 (READ-ONLY COPY).

The authoritative reference and input builder live on the scoring server;
editing this copy changes nothing except your own understanding.
"""

import math
import jax, jax.numpy as jnp
import numpy as np

D_MODEL = 128
N_VOCAB = 100000
MAX_LEN = 8192
SEQ = 2048
BATCH = 4


def get_positional_encoding(d_model, max_len):
    enc = np.zeros((max_len, d_model), dtype=np.float32)
    pos = np.arange(max_len, dtype=np.float32)[:, None]
    two_i = np.arange(0, d_model, 2, dtype=np.float32)
    div = np.exp(two_i * -(math.log(10000.0) / d_model))
    enc[:, 0::2] = np.sin(pos * div)
    enc[:, 1::2] = np.cos(pos * div)
    # shape [max_len, 1, d_model] so it broadcasts over batch dim
    return jnp.asarray(enc[:, None, :])


def setup_inputs(seed: int = 0) -> dict:
    key = jax.random.key(seed)
    k1, k2 = jax.random.split(key)
    x = jax.random.randint(k1, (SEQ, BATCH), 0, N_VOCAB, dtype=jnp.int32)
    # learned embedding table (nn.Embedding weight), default normal init
    table = jax.random.normal(k2, (N_VOCAB, D_MODEL), dtype=jnp.float32)
    pe = get_positional_encoding(D_MODEL, MAX_LEN)
    return {"x": x, "table": table, "pe": pe}


def reference(x, table, pe):
    # x: int[seq_len, batch] -> embedding gather -> [seq_len, batch, d_model]
    emb = jnp.take(table, x, axis=0) * math.sqrt(D_MODEL)
    out = emb + pe[: x.shape[0]]
    return out

if __name__ == "__main__":
    import jax
    _d = setup_inputs()
    print(jax.jit(kernel)(*tuple(_d.values())))

</pallas_src>

<mosaic_0001>
#map = affine_map<(d0, d1) -> (0, 0)>
module attributes {stable_mosaic.version = 14 : i64} {
  func.func @run(%arg0: i32, %arg1: i32, %arg2: memref<64x128xi32, #tpu.memory_space<hbm>>, %arg3: memref<100000x128xf32, #tpu.memory_space<hbm>>, %arg4: memref<8192x128xf32, #tpu.memory_space<hbm>>, %arg5: memref<8192x128xf32, #tpu.memory_space<hbm>>, %arg6: memref<2x128xi32, #tpu.memory_space<vmem>>, %arg7: memref<256x128xf32, #tpu.memory_space<vmem>>, %arg8: memref<64x128xf32, #tpu.memory_space<vmem>>, %arg9: memref<!tpu.dma_semaphore, #tpu.memory_space<semaphore_mem>>, %arg10: memref<!tpu.dma_semaphore, #tpu.memory_space<semaphore_mem>>, %arg11: memref<!tpu.dma_semaphore, #tpu.memory_space<semaphore_mem>>, %arg12: memref<!tpu.dma_semaphore, #tpu.memory_space<semaphore_mem>>, %arg13: memref<!tpu.dma_semaphore, #tpu.memory_space<semaphore_mem>>, %arg14: memref<!tpu.dma_semaphore, #tpu.memory_space<semaphore_mem>>) attributes {dimension_semantics = [#tpu.dimension_semantics<core_parallel>, #tpu.dimension_semantics<subcore_parallel>], iteration_bounds = array<i64: 2, 16>, scalar_prefetch = 0 : i64, scratch_operands = 9 : i64, tpu.core_type = #tpu.core_type<sc_vector_subcore>, window_params = [{transform_indices = #map}, {transform_indices = #map}, {transform_indices = #map}, {transform_indices = #map}]} {
    %mul3A = arith.constant 2 : i32
    %mul3A_0 = arith.muli %arg1, %mul3A : i32
    %add3A = arith.addi %mul3A_0, %arg0 : i32
    %mul3A_1 = arith.constant 64 : i32
    %mul3A_2 = arith.muli %add3A, %mul3A_1 : i32
    %mul3A_3 = arith.constant 2 : i32
    %mul3A_4 = arith.muli %add3A, %mul3A_3 : i32
    "tpu.region"() ({
      %run_scoped3A = tpu.sem_alloc : memref<!tpu.dma_semaphore, #tpu.memory_space<semaphore_mem>>
      %dma_start3A_206 = arith.constant 0 : i32
      %dma_start3A_207 = tpu.memref_slice %arg2[%mul3A_4, %dma_start3A_206] : memref<64x128xi32, #tpu.memory_space<hbm>> -> memref<2x128xi32, #tpu.memory_space<hbm>>
      %dma_start3A_208 = arith.constant 0 : i32
      %dma_start3A_209 = tpu.memref_slice %arg2[%mul3A_4, %dma_start3A_208] : memref<64x128xi32, #tpu.memory_space<hbm>> -> memref<2x128xi32, #tpu.memory_space<hbm>>
      tpu.enqueue_dma source(%dma_start3A_209 : memref<2x128xi32, #tpu.memory_space<hbm>>) target(%arg6 : memref<2x128xi32, #tpu.memory_space<vmem>>) target_semaphore(%run_scoped3A : memref<!tpu.dma_semaphore, #tpu.memory_space<semaphore_mem>>)
      %dma_wait3A_210 = arith.constant 0 : i32
      %dma_wait3A_211 = tpu.memref_slice %arg2[%mul3A_4, %dma_wait3A_210] : memref<64x128xi32, #tpu.memory_space<hbm>> -> memref<2x128xi32, #tpu.memory_space<hbm>>
      %dma_wait3A_212 = arith.constant 0 : i32
      %dma_wait3A_213 = tpu.memref_slice %arg2[%mul3A_4, %dma_wait3A_212] : memref<64x128xi32, #tpu.memory_space<hbm>> -> memref<2x128xi32, #tpu.memory_space<hbm>>
      tpu.wait_dma2 semaphore(%run_scoped3A : memref<!tpu.dma_semaphore, #tpu.memory_space<semaphore_mem>>) src(%dma_wait3A_213 : memref<2x128xi32, #tpu.memory_space<hbm>>) dst(%arg6 : memref<2x128xi32, #tpu.memory_space<vmem>>)
      tpu.yield
    }) : () -> ()
    %dma_start3A = arith.constant 0 : i32
    %dma_start3A_5 = tpu.memref_slice %arg4[%mul3A_2, %dma_start3A] : memref<8192x128xf32, #tpu.memory_space<hbm>> -> memref<64x128xf32, #tpu.memory_space<hbm>>
    %dma_start3A_6 = arith.constant 0 : i32
    %dma_start3A_7 = tpu.memref_slice %arg4[%mul3A_2, %dma_start3A_6] : memref<8192x128xf32, #tpu.memory_space<hbm>> -> memref<64x128xf32, #tpu.memory_space<hbm>>
    tpu.enqueue_dma source(%dma_start3A_7 : memref<64x128xf32, #tpu.memory_space<hbm>>) target(%arg8 : memref<64x128xf32, #tpu.memory_space<vmem>>) target_semaphore(%arg14 : memref<!tpu.dma_semaphore, #tpu.memory_space<semaphore_mem>>)
    %dma_start3A_8 = arith.constant 0 : i32
    %dma_start3A_9 = arith.constant 0 : i32
    %dma_start3A_10 = arith.constant 0 : i32
    %dma_start3A_11 = tpu.memref_slice %arg7[%dma_start3A_9, %dma_start3A_10] : memref<256x128xf32, #tpu.memory_space<vmem>> -> memref<64x128xf32, #tpu.memory_space<vmem>>
    %dma_start3A_12 = arith.constant 0 : i32
    %dma_start3A_13 = tpu.memref_slice %arg6[%dma_start3A_8, %dma_start3A_12] : memref<2x128xi32, #tpu.memory_space<vmem>> -> memref<1x64xi32, #tpu.memory_space<vmem>>
    %dma_start3A_14 = tpu.memref_squeeze %dma_start3A_13 : memref<1x64xi32, #tpu.memory_space<vmem>> -> memref<64xi32, #tpu.memory_space<vmem>>
    %dma_start3A_15 = arith.constant 0 : i32
    %dma_start3A_16 = arith.constant 0 : i32
    %dma_start3A_17 = tpu.memref_slice %arg3[%dma_start3A_15, %dma_start3A_16] : memref<100000x128xf32, #tpu.memory_space<hbm>> -> memref<100000x128xf32, #tpu.memory_space<hbm>>
    tpu.enqueue_indirect_dma source(%dma_start3A_17 : memref<100000x128xf32, #tpu.memory_space<hbm>>) target(%dma_start3A_11 : memref<64x128xf32, #tpu.memory_space<vmem>>) offsets(%dma_start3A_14 : memref<64xi32, #tpu.memory_space<vmem>>) semaphore(%arg9 : memref<!tpu.dma_semaphore, #tpu.memory_space<semaphore_mem>>)
    %dma_start3A_18 = arith.constant 0 : i32
    %dma_start3A_19 = arith.constant 64 : i32
    %dma_start3A_20 = arith.constant 0 : i32
    %dma_start3A_21 = tpu.memref_slice %arg7[%dma_start3A_19, %dma_start3A_20] : memref<256x128xf32, #tpu.memory_space<vmem>> -> memref<64x128xf32, #tpu.memory_space<vmem>>
    %dma_start3A_22 = arith.constant 64 : i32
    %dma_start3A_23 = tpu.memref_slice %arg6[%dma_start3A_18, %dma_start3A_22] : memref<2x128xi32, #tpu.memory_space<vmem>> -> memref<1x64xi32, #tpu.memory_space<vmem>>
    %dma_start3A_24 = tpu.memref_squeeze %dma_start3A_23 : memref<1x64xi32, #tpu.memory_space<vmem>> -> memref<64xi32, #tpu.memory_space<vmem>>
    %dma_start3A_25 = arith.constant 0 : i32
    %dma_start3A_26 = arith.constant 0 : i32
    %dma_start3A_27 = tpu.memref_slice %arg3[%dma_start3A_25, %dma_start3A_26] : memref<100000x128xf32, #tpu.memory_space<hbm>> -> memref<100000x128xf32, #tpu.memory_space<hbm>>
    tpu.enqueue_indirect_dma source(%dma_start3A_27 : memref<100000x128xf32, #tpu.memory_space<hbm>>) target(%dma_start3A_21 : memref<64x128xf32, #tpu.memory_space<vmem>>) offsets(%dma_start3A_24 : memref<64xi32, #tpu.memory_space<vmem>>) semaphore(%arg10 : memref<!tpu.dma_semaphore, #tpu.memory_space<semaphore_mem>>)
    %dma_start3A_28 = arith.constant 1 : i32
    %dma_start3A_29 = arith.constant 128 : i32
    %dma_start3A_30 = arith.constant 0 : i32
    %dma_start3A_31 = tpu.memref_slice %arg7[%dma_start3A_29, %dma_start3A_30] : memref<256x128xf32, #tpu.memory_space<vmem>> -> memref<64x128xf32, #tpu.memory_space<vmem>>
    %dma_start3A_32 = arith.constant 0 : i32
    %dma_start3A_33 = tpu.memref_slice %arg6[%dma_start3A_28, %dma_start3A_32] : memref<2x128xi32, #tpu.memory_space<vmem>> -> memref<1x64xi32, #tpu.memory_space<vmem>>
    %dma_start3A_34 = tpu.memref_squeeze %dma_start3A_33 : memref<1x64xi32, #tpu.memory_space<vmem>> -> memref<64xi32, #tpu.memory_space<vmem>>
    %dma_start3A_35 = arith.constant 0 : i32
    %dma_start3A_36 = arith.constant 0 : i32
    %dma_start3A_37 = tpu.memref_slice %arg3[%dma_start3A_35, %dma_start3A_36] : memref<100000x128xf32, #tpu.memory_space<hbm>> -> memref<100000x128xf32, #tpu.memory_space<hbm>>
    tpu.enqueue_indirect_dma source(%dma_start3A_37 : memref<100000x128xf32, #tpu.memory_space<hbm>>) target(%dma_start3A_31 : memref<64x128xf32, #tpu.memory_space<vmem>>) offsets(%dma_start3A_34 : memref<64xi32, #tpu.memory_space<vmem>>) semaphore(%arg11 : memref<!tpu.dma_semaphore, #tpu.memory_space<semaphore_mem>>)
    %dma_start3A_38 = arith.constant 1 : i32
    %dma_start3A_39 = arith.constant 192 : i32
    %dma_start3A_40 = arith.constant 0 : i32
    %dma_start3A_41 = tpu.memref_slice %arg7[%dma_start3A_39, %dma_start3A_40] : memref<256x128xf32, #tpu.memory_space<vmem>> -> memref<64x128xf32, #tpu.memory_space<vmem>>
    %dma_start3A_42 = arith.constant 64 : i32
    %dma_start3A_43 = tpu.memref_slice %arg6[%dma_start3A_38, %dma_start3A_42] : memref<2x128xi32, #tpu.memory_space<vmem>> -> memref<1x64xi32, #tpu.memory_space<vmem>>
    %dma_start3A_44 = tpu.memref_squeeze %dma_start3A_43 : memref<1x64xi32, #tpu.memory_space<vmem>> -> memref<64xi32, #tpu.memory_space<vmem>>
    %dma_start3A_45 = arith.constant 0 : i32
    %dma_start3A_46 = arith.constant 0 : i32
    %dma_start3A_47 = tpu.memref_slice %arg3[%dma_start3A_45, %dma_start3A_46] : memref<100000x128xf32, #tpu.memory_space<hbm>> -> memref<100000x128xf32, #tpu.memory_space<hbm>>
    tpu.enqueue_indirect_dma source(%dma_start3A_47 : memref<100000x128xf32, #tpu.memory_space<hbm>>) target(%dma_start3A_41 : memref<64x128xf32, #tpu.memory_space<vmem>>) offsets(%dma_start3A_44 : memref<64xi32, #tpu.memory_space<vmem>>) semaphore(%arg12 : memref<!tpu.dma_semaphore, #tpu.memory_space<semaphore_mem>>)
    %dma_wait3A = arith.constant 0 : i32
    %dma_wait3A_48 = tpu.memref_slice %arg4[%mul3A_2, %dma_wait3A] : memref<8192x128xf32, #tpu.memory_space<hbm>> -> memref<64x128xf32, #tpu.memory_space<hbm>>
    %dma_wait3A_49 = arith.constant 0 : i32
    %dma_wait3A_50 = tpu.memref_slice %arg4[%mul3A_2, %dma_wait3A_49] : memref<8192x128xf32, #tpu.memory_space<hbm>> -> memref<64x128xf32, #tpu.memory_space<hbm>>
    tpu.wait_dma2 semaphore(%arg14 : memref<!tpu.dma_semaphore, #tpu.memory_space<semaphore_mem>>) src(%dma_wait3A_50 : memref<64x128xf32, #tpu.memory_space<hbm>>) dst(%arg8 : memref<64x128xf32, #tpu.memory_space<vmem>>)
    %dma_wait3A_51 = arith.constant 0 : i32
    %dma_wait3A_52 = arith.constant 0 : i32
    %dma_wait3A_53 = arith.constant 0 : i32
    %dma_wait3A_54 = tpu.memref_slice %arg7[%dma_wait3A_52, %dma_wait3A_53] : memref<256x128xf32, #tpu.memory_space<vmem>> -> memref<64x128xf32, #tpu.memory_space<vmem>>
    %dma_wait3A_55 = arith.constant 0 : i32
    %dma_wait3A_56 = tpu.memref_slice %arg6[%dma_wait3A_51, %dma_wait3A_55] : memref<2x128xi32, #tpu.memory_space<vmem>> -> memref<1x64xi32, #tpu.memory_space<vmem>>
    %dma_wait3A_57 = tpu.memref_squeeze %dma_wait3A_56 : memref<1x64xi32, #tpu.memory_space<vmem>> -> memref<64xi32, #tpu.memory_space<vmem>>
    %dma_wait3A_58 = arith.constant 0 : i32
    %dma_wait3A_59 = arith.constant 0 : i32
    %dma_wait3A_60 = tpu.memref_slice %arg3[%dma_wait3A_58, %dma_wait3A_59] : memref<100000x128xf32, #tpu.memory_space<hbm>> -> memref<100000x128xf32, #tpu.memory_space<hbm>>
    tpu.wait_indirect_dma semaphore(%arg9 : memref<!tpu.dma_semaphore, #tpu.memory_space<semaphore_mem>>) src(%dma_wait3A_60 : memref<100000x128xf32, #tpu.memory_space<hbm>>) dst(%dma_wait3A_54 : memref<64x128xf32, #tpu.memory_space<vmem>>)
    %scan3A = arith.constant 0 : i32
    %scan3A_61 = arith.constant 16 : i32
    %scan3A_62 = arith.addi %scan3A, %scan3A_61 : i32
    %scan3A_63 = arith.constant 1 : i32
    scf.for %scan3A_206 = %scan3A to %scan3A_62 step %scan3A_63  : i32 {
      %mul3A_207 = arith.constant 1 : i32
      %mul3A_208 = arith.muli %scan3A_206, %mul3A_207 : i32
      %add3A_209 = arith.constant 0 : i32
      %add3A_210 = arith.addi %add3A_209, %mul3A_208 : i32
      %get3A = arith.index_cast %add3A_210 : i32 to index
      %get3A_211 = arith.constant 0 : index
      %get3A_212 = tpu.vector_load %arg8[%get3A, %get3A_211] {strides = array<i32>} : memref<64x128xf32, #tpu.memory_space<vmem>>, vector<1x16xf32>,
      %get3A_213 = vector.shape_cast %get3A_212 : vector<1x16xf32> to vector<16xf32>
      %get3A_214 = arith.index_cast %add3A_210 : i32 to index
      %get3A_215 = arith.constant 16 : index
      %get3A_216 = tpu.vector_load %arg8[%get3A_214, %get3A_215] {strides = array<i32>} : memref<64x128xf32, #tpu.memory_space<vmem>>, vector<1x16xf32>,
      %get3A_217 = vector.shape_cast %get3A_216 : vector<1x16xf32> to vector<16xf32>
      %get3A_218 = arith.index_cast %add3A_210 : i32 to index
      %get3A_219 = arith.constant 32 : index
      %get3A_220 = tpu.vector_load %arg8[%get3A_218, %get3A_219] {strides = array<i32>} : memref<64x128xf32, #tpu.memory_space<vmem>>, vector<1x16xf32>,
      %get3A_221 = vector.shape_cast %get3A_220 : vector<1x16xf32> to vector<16xf32>
      %get3A_222 = arith.index_cast %add3A_210 : i32 to index
      %get3A_223 = arith.constant 48 : index
      %get3A_224 = tpu.vector_load %arg8[%get3A_222, %get3A_223] {strides = array<i32>} : memref<64x128xf32, #tpu.memory_space<vmem>>, vector<1x16xf32>,
      %get3A_225 = vector.shape_cast %get3A_224 : vector<1x16xf32> to vector<16xf32>
      %get3A_226 = arith.index_cast %add3A_210 : i32 to index
      %get3A_227 = arith.constant 64 : index
      %get3A_228 = tpu.vector_load %arg8[%get3A_226, %get3A_227] {strides = array<i32>} : memref<64x128xf32, #tpu.memory_space<vmem>>, vector<1x16xf32>,
      %get3A_229 = vector.shape_cast %get3A_228 : vector<1x16xf32> to vector<16xf32>
      %get3A_230 = arith.index_cast %add3A_210 : i32 to index
      %get3A_231 = arith.constant 80 : index
      %get3A_232 = tpu.vector_load %arg8[%get3A_230, %get3A_231] {strides = array<i32>} : memref<64x128xf32, #tpu.memory_space<vmem>>, vector<1x16xf32>,
      %get3A_233 = vector.shape_cast %get3A_232 : vector<1x16xf32> to vector<16xf32>
      %get3A_234 = arith.index_cast %add3A_210 : i32 to index
      %get3A_235 = arith.constant 96 : index
      %get3A_236 = tpu.vector_load %arg8[%get3A_234, %get3A_235] {strides = array<i32>} : memref<64x128xf32, #tpu.memory_space<vmem>>, vector<1x16xf32>,
      %get3A_237 = vector.shape_cast %get3A_236 : vector<1x16xf32> to vector<16xf32>
      %get3A_238 = arith.index_cast %add3A_210 : i32 to index
      %get3A_239 = arith.constant 112 : index
      %get3A_240 = tpu.vector_load %arg8[%get3A_238, %get3A_239] {strides = array<i32>} : memref<64x128xf32, #tpu.memory_space<vmem>>, vector<1x16xf32>,
      %get3A_241 = vector.shape_cast %get3A_240 : vector<1x16xf32> to vector<16xf32>
      %mul3A_242 = arith.constant 4 : i32
      %mul3A_243 = arith.muli %add3A_210, %mul3A_242 : i32
      %add3A_244 = arith.constant 0 : i32
      %add3A_245 = arith.addi %mul3A_243, %add3A_244 : i32
      %get3A_246 = arith.index_cast %add3A_245 : i32 to index
      %get3A_247 = arith.constant 0 : index
      %get3A_248 = tpu.vector_load %arg7[%get3A_246, %get3A_247] {strides = array<i32>} : memref<256x128xf32, #tpu.memory_space<vmem>>, vector<1x16xf32>,
      %get3A_249 = vector.shape_cast %get3A_248 : vector<1x16xf32> to vector<16xf32>
      %mul3A_250 = arith.constant 11.3137083 : f32
      %mul3A_251 = vector.broadcast %mul3A_250 : f32 to vector<16xf32>
      %mul3A_252 = arith.mulf %get3A_249, %mul3A_251 : vector<16xf32>
      %add3A_253 = arith.addf %mul3A_252, %get3A_213 : vector<16xf32>
      %swap3A = arith.index_cast %add3A_245 : i32 to index
      %swap3A_254 = arith.constant 0 : index
      %swap3A_255 = tpu.vector_load %arg7[%swap3A, %swap3A_254] {strides = array<i32>} : memref<256x128xf32, #tpu.memory_space<vmem>>, vector<1x16xf32>,
      %swap3A_256 = vector.shape_cast %swap3A_255 : vector<1x16xf32> to vector<16xf32>
      %swap3A_257 = vector.shape_cast %add3A_253 : vector<16xf32> to vector<1x16xf32>
      tpu.vector_store %arg7[%swap3A, %swap3A_254], %swap3A_257 {strides = array<i32>} : memref<256x128xf32, #tpu.memory_space<vmem>>, vector<1x16xf32>,
      %get3A_258 = arith.index_cast %add3A_245 : i32 to index
      %get3A_259 = arith.constant 16 : index
      %get3A_260 = tpu.vector_load %arg7[%get3A_258, %get3A_259] {strides = array<i32>} : memref<256x128xf32, #tpu.memory_space<vmem>>, vector<1x16xf32>,
      %get3A_261 = vector.shape_cast %get3A_260 : vector<1x16xf32> to vector<16xf32>
      %mul3A_262 = arith.constant 11.3137083 : f32
      %mul3A_263 = vector.broadcast %mul3A_262 : f32 to vector<16xf32>
      %mul3A_264 = arith.mulf %get3A_261, %mul3A_263 : vector<16xf32>
      %add3A_265 = arith.addf %mul3A_264, %get3A_217 : vector<16xf32>
      %swap3A_266 = arith.index_cast %add3A_245 : i32 to index
      %swap3A_267 = arith.constant 16 : index
      %swap3A_268 = tpu.vector_load %arg7[%swap3A_266, %swap3A_267] {strides = array<i32>} : memref<256x128xf32, #tpu.memory_space<vmem>>, vector<1x16xf32>,
      %swap3A_269 = vector.shape_cast %swap3A_268 : vector<1x16xf32> to vector<16xf32>
      %swap3A_270 = vector.shape_cast %add3A_265 : vector<16xf32> to vector<1x16xf32>
      tpu.vector_store %arg7[%swap3A_266, %swap3A_267], %swap3A_270 {strides = array<i32>} : memref<256x128xf32, #tpu.memory_space<vmem>>, vector<1x16xf32>,
      %get3A_271 = arith.index_cast %add3A_245 : i32 to index
      %get3A_272 = arith.constant 32 : index
      %get3A_273 = tpu.vector_load %arg7[%get3A_271, %get3A_272] {strides = array<i32>} : memref<256x128xf32, #tpu.memory_space<vmem>>, vector<1x16xf32>,
      %get3A_274 = vector.shape_cast %get3A_273 : vector<1x16xf32> to vector<16xf32>
      %mul3A_275 = arith.constant 11.3137083 : f32
      %mul3A_276 = vector.broadcast %mul3A_275 : f32 to vector<16xf32>
      %mul3A_277 = arith.mulf %get3A_274, %mul3A_276 : vector<16xf32>
      %add3A_278 = arith.addf %mul3A_277, %get3A_221 : vector<16xf32>
      %swap3A_279 = arith.index_cast %add3A_245 : i32 to index
      %swap3A_280 = arith.constant 32 : index
      %swap3A_281 = tpu.vector_load %arg7[%swap3A_279, %swap3A_280] {strides = array<i32>} : memref<256x128xf32, #tpu.memory_space<vmem>>, vector<1x16xf32>,
      %swap3A_282 = vector.shape_cast %swap3A_281 : vector<1x16xf32> to vector<16xf32>
      %swap3A_283 = vector.shape_cast %add3A_278 : vector<16xf32> to vector<1x16xf32>
      tpu.vector_store %arg7[%swap3A_279, %swap3A_280], %swap3A_283 {strides = array<i32>} : memref<256x128xf32, #tpu.memory_space<vmem>>, vector<1x16xf32>,
      %get3A_284 = arith.index_cast %add3A_245 : i32 to index
      %get3A_285 = arith.constant 48 : index
      %get3A_286 = tpu.vector_load %arg7[%get3A_284, %get3A_285] {strides = array<i32>} : memref<256x128xf32, #tpu.memory_space<vmem>>, vector<1x16xf32>,
      %get3A_287 = vector.shape_cast %get3A_286 : vector<1x16xf32> to vector<16xf32>
      %mul3A_288 = arith.constant 11.3137083 : f32
      %mul3A_289 = vector.broadcast %mul3A_288 : f32 to vector<16xf32>
      %mul3A_290 = arith.mulf %get3A_287, %mul3A_289 : vector<16xf32>
      %add3A_291 = arith.addf %mul3A_290, %get3A_225 : vector<16xf32>
      %swap3A_292 = arith.index_cast %add3A_245 : i32 to index
      %swap3A_293 = arith.constant 48 : index
      %swap3A_294 = tpu.vector_load %arg7[%swap3A_292, %swap3A_293] {strides = array<i32>} : memref<256x128xf32, #tpu.memory_space<vmem>>, vector<1x16xf32>,
      %swap3A_295 = vector.shape_cast %swap3A_294 : vector<1x16xf32> to vector<16xf32>
      %swap3A_296 = vector.shape_cast %add3A_291 : vector<16xf32> to vector<1x16xf32>
      tpu.vector_store %arg7[%swap3A_292, %swap3A_293], %swap3A_296 {strides = array<i32>} : memref<256x128xf32, #tpu.memory_space<vmem>>, vector<1x16xf32>,
      %get3A_297 = arith.index_cast %add3A_245 : i32 to index
      %get3A_298 = arith.constant 64 : index
      %get3A_299 = tpu.vector_load %arg7[%get3A_297, %get3A_298] {strides = array<i32>} : memref<256x128xf32, #tpu.memory_space<vmem>>, vector<1x16xf32>,
      %get3A_300 = vector.shape_cast %get3A_299 : vector<1x16xf32> to vector<16xf32>
      %mul3A_301 = arith.constant 11.3137083 : f32
      %mul3A_302 = vector.broadcast %mul3A_301 : f32 to vector<16xf32>
      %mul3A_303 = arith.mulf %get3A_300, %mul3A_302 : vector<16xf32>
      %add3A_304 = arith.addf %mul3A_303, %get3A_229 : vector<16xf32>
      %swap3A_305 = arith.index_cast %add3A_245 : i32 to index
      %swap3A_306 = arith.constant 64 : index
      %swap3A_307 = tpu.vector_load %arg7[%swap3A_305, %swap3A_306] {strides = array<i32>} : memref<256x128xf32, #tpu.memory_space<vmem>>, vector<1x16xf32>,
      %swap3A_308 = vector.shape_cast %swap3A_307 : vector<1x16xf32> to vector<16xf32>
      %swap3A_309 = vector.shape_cast %add3A_304 : vector<16xf32> to vector<1x16xf32>
      tpu.vector_store %arg7[%swap3A_305, %swap3A_306], %swap3A_309 {strides = array<i32>} : memref<256x128xf32, #tpu.memory_space<vmem>>, vector<1x16xf32>,
      %get3A_310 = arith.index_cast %add3A_245 : i32 to index
      %get3A_311 = arith.constant 80 : index
      %get3A_312 = tpu.vector_load %arg7[%get3A_310, %get3A_311] {strides = array<i32>} : memref<256x128xf32, #tpu.memory_space<vmem>>, vector<1x16xf32>,
      %get3A_313 = vector.shape_cast %get3A_312 : vector<1x16xf32> to vector<16xf32>
      %mul3A_314 = arith.constant 11.3137083 : f32
      %mul3A_315 = vector.broadcast %mul3A_314 : f32 to vector<16xf32>
      %mul3A_316 = arith.mulf %get3A_313, %mul3A_315 : vector<16xf32>
      %add3A_317 = arith.addf %mul3A_316, %get3A_233 : vector<16xf32>
      %swap3A_318 = arith.index_cast %add3A_245 : i32 to index
      %swap3A_319 = arith.constant 80 : index
      %swap3A_320 = tpu.vector_load %arg7[%swap3A_318, %swap3A_319] {strides = array<i32>} : memref<256x128xf32, #tpu.memory_space<vmem>>, vector<1x16xf32>,
      %swap3A_321 = vector.shape_cast %swap3A_320 : vector<1x16xf32> to vector<16xf32>
      %swap3A_322 = vector.shape_cast %add3A_317 : vector<16xf32> to vector<1x16xf32>
      tpu.vector_store %arg7[%swap3A_318, %swap3A_319], %swap3A_322 {strides = array<i32>} : memref<256x128xf32, #tpu.memory_space<vmem>>, vector<1x16xf32>,
      %get3A_323 = arith.index_cast %add3A_245 : i32 to index
      %get3A_324 = arith.constant 96 : index
      %get3A_325 = tpu.vector_load %arg7[%get3A_323, %get3A_324] {strides = array<i32>} : memref<256x128xf32, #tpu.memory_space<vmem>>, vector<1x16xf32>,
      %get3A_326 = vector.shape_cast %get3A_325 : vector<1x16xf32> to vector<16xf32>
      %mul3A_327 = arith.constant 11.3137083 : f32
      %mul3A_328 = vector.broadcast %mul3A_327 : f32 to vector<16xf32>
      %mul3A_329 = arith.mulf %get3A_326, %mul3A_328 : vector<16xf32>
      %add3A_330 = arith.addf %mul3A_329, %get3A_237 : vector<16xf32>
      %swap3A_331 = arith.index_cast %add3A_245 : i32 to index
      %swap3A_332 = arith.constant 96 : index
      %swap3A_333 = tpu.vector_load %arg7[%swap3A_331, %swap3A_332] {strides = array<i32>} : memref<256x128xf32, #tpu.memory_space<vmem>>, vector<1x16xf32>,
      %swap3A_334 = vector.shape_cast %swap3A_333 : vector<1x16xf32> to vector<16xf32>
      %swap3A_335 = vector.shape_cast %add3A_330 : vector<16xf32> to vector<1x16xf32>
      tpu.vector_store %arg7[%swap3A_331, %swap3A_332], %swap3A_335 {strides = array<i32>} : memref<256x128xf32, #tpu.memory_space<vmem>>, vector<1x16xf32>,
      %get3A_336 = arith.index_cast %add3A_245 : i32 to index
      %get3A_337 = arith.constant 112 : index
      %get3A_338 = tpu.vector_load %arg7[%get3A_336, %get3A_337] {strides = array<i32>} : memref<256x128xf32, #tpu.memory_space<vmem>>, vector<1x16xf32>,
      %get3A_339 = vector.shape_cast %get3A_338 : vector<1x16xf32> to vector<16xf32>
      %mul3A_340 = arith.constant 11.3137083 : f32
      %mul3A_341 = vector.broadcast %mul3A_340 : f32 to vector<16xf32>
      %mul3A_342 = arith.mulf %get3A_339, %mul3A_341 : vector<16xf32>
      %add3A_343 = arith.addf %mul3A_342, %get3A_241 : vector<16xf32>
      %swap3A_344 = arith.index_cast %add3A_245 : i32 to index
      %swap3A_345 = arith.constant 112 : index
      %swap3A_346 = tpu.vector_load %arg7[%swap3A_344, %swap3A_345] {strides = array<i32>} : memref<256x128xf32, #tpu.memory_space<vmem>>, vector<1x16xf32>,
      %swap3A_347 = vector.shape_cast %swap3A_346 : vector<1x16xf32> to vector<16xf32>
      %swap3A_348 = vector.shape_cast %add3A_343 : vector<16xf32> to vector<1x16xf32>
      tpu.vector_store %arg7[%swap3A_344, %swap3A_345], %swap3A_348 {strides = array<i32>} : memref<256x128xf32, #tpu.memory_space<vmem>>, vector<1x16xf32>,
      %mul3A_349 = arith.constant 4 : i32
      %mul3A_350 = arith.muli %add3A_210, %mul3A_349 : i32
      %add3A_351 = arith.constant 1 : i32
      %add3A_352 = arith.addi %mul3A_350, %add3A_351 : i32
      %get3A_353 = arith.index_cast %add3A_352 : i32 to index
      %get3A_354 = arith.constant 0 : index
      %get3A_355 = tpu.vector_load %arg7[%get3A_353, %get3A_354] {strides = array<i32>} : memref<256x128xf32, #tpu.memory_space<vmem>>, vector<1x16xf32>,
      %get3A_356 = vector.shape_cast %get3A_355 : vector<1x16xf32> to vector<16xf32>
      %mul3A_357 = arith.constant 11.3137083 : f32
      %mul3A_358 = vector.broadcast %mul3A_357 : f32 to vector<16xf32>
      %mul3A_359 = arith.mulf %get3A_356, %mul3A_358 : vector<16xf32>
      %add3A_360 = arith.addf %mul3A_359, %get3A_213 : vector<16xf32>
      %swap3A_361 = arith.index_cast %add3A_352 : i32 to index
      %swap3A_362 = arith.constant 0 : index
      %swap3A_363 = tpu.vector_load %arg7[%swap3A_361, %swap3A_362] {strides = array<i32>} : memref<256x128xf32, #tpu.memory_space<vmem>>, vector<1x16xf32>,
      %swap3A_364 = vector.shape_cast %swap3A_363 : vector<1x16xf32> to vector<16xf32>
      %swap3A_365 = vector.shape_cast %add3A_360 : vector<16xf32> to vector<1x16xf32>
      tpu.vector_store %arg7[%swap3A_361, %swap3A_362], %swap3A_365 {strides = array<i32>} : memref<256x128xf32, #tpu.memory_space<vmem>>, vector<1x16xf32>,
      %get3A_366 = arith.index_cast %add3A_352 : i32 to index
      %get3A_367 = arith.constant 16 : index
      %get3A_368 = tpu.vector_load %arg7[%get3A_366, %get3A_367] {strides = array<i32>} : memref<256x128xf32, #tpu.memory_space<vmem>>, vector<1x16xf32>,
      %get3A_369 = vector.shape_cast %get3A_368 : vector<1x16xf32> to vector<16xf32>
      %mul3A_370 = arith.constant 11.3137083 : f32
      %mul3A_371 = vector.broadcast %mul3A_370 : f32 to vector<16xf32>
      %mul3A_372 = arith.mulf %get3A_369, %mul3A_371 : vector<16xf32>
      %add3A_373 = arith.addf %mul3A_372, %get3A_217 : vector<16xf32>
      %swap3A_374 = arith.index_cast %add3A_352 : i32 to index
      %swap3A_375 = arith.constant 16 : index
      %swap3A_376 = tpu.vector_load %arg7[%swap3A_374, %swap3A_375] {strides = array<i32>} : memref<256x128xf32, #tpu.memory_space<vmem>>, vector<1x16xf32>,
      %swap3A_377 = vector.shape_cast %swap3A_376 : vector<1x16xf32> to vector<16xf32>
      %swap3A_378 = vector.shape_cast %add3A_373 : vector<16xf32> to vector<1x16xf32>
      tpu.vector_store %arg7[%swap3A_374, %swap3A_375], %swap3A_378 {strides = array<i32>} : memref<256x128xf32, #tpu.memory_space<vmem>>, vector<1x16xf32>,
      %get3A_379 = arith.index_cast %add3A_352 : i32 to index
      %get3A_380 = arith.constant 32 : index
      %get3A_381 = tpu.vector_load %arg7[%get3A_379, %get3A_380] {strides = array<i32>} : memref<256x128xf32, #tpu.memory_space<vmem>>, vector<1x16xf32>,
      %get3A_382 = vector.shape_cast %get3A_381 : vector<1x16xf32> to vector<16xf32>
      %mul3A_383 = arith.constant 11.3137083 : f32
      %mul3A_384 = vector.broadcast %mul3A_383 : f32 to vector<16xf32>
      %mul3A_385 = arith.mulf %get3A_382, %mul3A_384 : vector<16xf32>
      %add3A_386 = arith.addf %mul3A_385, %get3A_221 : vector<16xf32>
      %swap3A_387 = arith.index_cast %add3A_352 : i32 to index
      %swap3A_388 = arith.constant 32 : index
      %swap3A_389 = tpu.vector_load %arg7[%swap3A_387, %swap3A_388] {strides = array<i32>} : memref<256x128xf32, #tpu.memory_space<vmem>>, vector<1x16xf32>,
      %swap3A_390 = vector.shape_cast %swap3A_389 : vector<1x16xf32> to vector<16xf32>
      %swap3A_391 = vector.shape_cast %add3A_386 : vector<16xf32> to vector<1x16xf32>
      tpu.vector_store %arg7[%swap3A_387, %swap3A_388], %swap3A_391 {strides = array<i32>} : memref<256x128xf32, #tpu.memory_space<vmem>>, vector<1x16xf32>,
      %get3A_392 = arith.index_cast %add3A_352 : i32 to index
      %get3A_393 = arith.constant 48 : index
      %get3A_394 = tpu.vector_load %arg7[%get3A_392, %get3A_393] {strides = array<i32>} : memref<256x128xf32, #tpu.memory_space<vmem>>, vector<1x16xf32>,
      %get3A_395 = vector.shape_cast %get3A_394 : vector<1x16xf32> to vector<16xf32>
      %mul3A_396 = arith.constant 11.3137083 : f32
      %mul3A_397 = vector.broadcast %mul3A_396 : f32 to vector<16xf32>
      %mul3A_398 = arith.mulf %get3A_395, %mul3A_397 : vector<16xf32>
      %add3A_399 = arith.addf %mul3A_398, %get3A_225 : vector<16xf32>
      %swap3A_400 = arith.index_cast %add3A_352 : i32 to index
      %swap3A_401 = arith.constant 48 : index
      %swap3A_402 = tpu.vector_load %arg7[%swap3A_400, %swap3A_401] {strides = array<i32>} : memref<256x128xf32, #tpu.memory_space<vmem>>, vector<1x16xf32>,
      %swap3A_403 = vector.shape_cast %swap3A_402 : vector<1x16xf32> to vector<16xf32>
      %swap3A_404 = vector.shape_cast %add3A_399 : vector<16xf32> to vector<1x16xf32>
      tpu.vector_store %arg7[%swap3A_400, %swap3A_401], %swap3A_404 {strides = array<i32>} : memref<256x128xf32, #tpu.memory_space<vmem>>, vector<1x16xf32>,
      %get3A_405 = arith.index_cast %add3A_352 : i32 to index
      %get3A_406 = arith.constant 64 : index
      %get3A_407 = tpu.vector_load %arg7[%get3A_405, %get3A_406] {strides = array<i32>} : memref<256x128xf32, #tpu.memory_space<vmem>>, vector<1x16xf32>,
      %get3A_408 = vector.shape_cast %get3A_407 : vector<1x16xf32> to vector<16xf32>
      %mul3A_409 = arith.constant 11.3137083 : f32
      %mul3A_410 = vector.broadcast %mul3A_409 : f32 to vector<16xf32>
      %mul3A_411 = arith.mulf %get3A_408, %mul3A_410 : vector<16xf32>
      %add3A_412 = arith.addf %mul3A_411, %get3A_229 : vector<16xf32>
      %swap3A_413 = arith.index_cast %add3A_352 : i32 to index
      %swap3A_414 = arith.constant 64 : index
      %swap3A_415 = tpu.vector_load %arg7[%swap3A_413, %swap3A_414] {strides = array<i32>} : memref<256x128xf32, #tpu.memory_space<vmem>>, vector<1x16xf32>,
      %swap3A_416 = vector.shape_cast %swap3A_415 : vector<1x16xf32> to vector<16xf32>
      %swap3A_417 = vector.shape_cast %add3A_412 : vector<16xf32> to vector<1x16xf32>
      tpu.vector_store %arg7[%swap3A_413, %swap3A_414], %swap3A_417 {strides = array<i32>} : memref<256x128xf32, #tpu.memory_space<vmem>>, vector<1x16xf32>,
      %get3A_418 = arith.index_cast %add3A_352 : i32 to index
      %get3A_419 = arith.constant 80 : index
      %get3A_420 = tpu.vector_load %arg7[%get3A_418, %get3A_419] {strides = array<i32>} : memref<256x128xf32, #tpu.memory_space<vmem>>, vector<1x16xf32>,
      %get3A_421 = vector.shape_cast %get3A_420 : vector<1x16xf32> to vector<16xf32>
      %mul3A_422 = arith.constant 11.3137083 : f32
      %mul3A_423 = vector.broadcast %mul3A_422 : f32 to vector<16xf32>
      %mul3A_424 = arith.mulf %get3A_421, %mul3A_423 : vector<16xf32>
      %add3A_425 = arith.addf %mul3A_424, %get3A_233 : vector<16xf32>
      %swap3A_426 = arith.index_cast %add3A_352 : i32 to index
      %swap3A_427 = arith.constant 80 : index
      %swap3A_428 = tpu.vector_load %arg7[%swap3A_426, %swap3A_427] {strides = array<i32>} : memref<256x128xf32, #tpu.memory_space<vmem>>, vector<1x16xf32>,
      %swap3A_429 = vector.shape_cast %swap3A_428 : vector<1x16xf32> to vector<16xf32>
      %swap3A_430 = vector.shape_cast %add3A_425 : vector<16xf32> to vector<1x16xf32>
      tpu.vector_store %arg7[%swap3A_426, %swap3A_427], %swap3A_430 {strides = array<i32>} : memref<256x128xf32, #tpu.memory_space<vmem>>, vector<1x16xf32>,
      %get3A_431 = arith.index_cast %add3A_352 : i32 to index
      %get3A_432 = arith.constant 96 : index
      %get3A_433 = tpu.vector_load %arg7[%get3A_431, %get3A_432] {strides = array<i32>} : memref<256x128xf32, #tpu.memory_space<vmem>>, vector<1x16xf32>,
      %get3A_434 = vector.shape_cast %get3A_433 : vector<1x16xf32> to vector<16xf32>
      %mul3A_435 = arith.constant 11.3137083 : f32
      %mul3A_436 = vector.broadcast %mul3A_435 : f32 to vector<16xf32>
      %mul3A_437 = arith.mulf %get3A_434, %mul3A_436 : vector<16xf32>
      %add3A_438 = arith.addf %mul3A_437, %get3A_237 : vector<16xf32>
      %swap3A_439 = arith.index_cast %add3A_352 : i32 to index
      %swap3A_440 = arith.constant 96 : index
      %swap3A_441 = tpu.vector_load %arg7[%swap3A_439, %swap3A_440] {strides = array<i32>} : memref<256x128xf32, #tpu.memory_space<vmem>>, vector<1x16xf32>,
      %swap3A_442 = vector.shape_cast %swap3A_441 : vector<1x16xf32> to vector<16xf32>
      %swap3A_443 = vector.shape_cast %add3A_438 : vector<16xf32> to vector<1x16xf32>
      tpu.vector_store %arg7[%swap3A_439, %swap3A_440], %swap3A_443 {strides = array<i32>} : memref<256x128xf32, #tpu.memory_space<vmem>>, vector<1x16xf32>,
      %get3A_444 = arith.index_cast %add3A_352 : i32 to index
      %get3A_445 = arith.constant 112 : index
      %get3A_446 = tpu.vector_load %arg7[%get3A_444, %get3A_445] {strides = array<i32>} : memref<256x128xf32, #tpu.memory_space<vmem>>, vector<1x16xf32>,
      %get3A_447 = vector.shape_cast %get3A_446 : vector<1x16xf32> to vector<16xf32>
      %mul3A_448 = arith.constant 11.3137083 : f32
      %mul3A_449 = vector.broadcast %mul3A_448 : f32 to vector<16xf32>
      %mul3A_450 = arith.mulf %get3A_447, %mul3A_449 : vector<16xf32>
      %add3A_451 = arith.addf %mul3A_450, %get3A_241 : vector<16xf32>
      %swap3A_452 = arith.index_cast %add3A_352 : i32 to index
      %swap3A_453 = arith.constant 112 : index
      %swap3A_454 = tpu.vector_load %arg7[%swap3A_452, %swap3A_453] {strides = array<i32>} : memref<256x128xf32, #tpu.memory_space<vmem>>, vector<1x16xf32>,
      %swap3A_455 = vector.shape_cast %swap3A_454 : vector<1x16xf32> to vector<16xf32>
      %swap3A_456 = vector.shape_cast %add3A_451 : vector<16xf32> to vector<1x16xf32>
      tpu.vector_store %arg7[%swap3A_452, %swap3A_453], %swap3A_456 {strides = array<i32>} : memref<256x128xf32, #tpu.memory_space<vmem>>, vector<1x16xf32>,
      %mul3A_457 = arith.constant 4 : i32
      %mul3A_458 = arith.muli %add3A_210, %mul3A_457 : i32
      %add3A_459 = arith.constant 2 : i32
      %add3A_460 = arith.addi %mul3A_458, %add3A_459 : i32
      %get3A_461 = arith.index_cast %add3A_460 : i32 to index
      %get3A_462 = arith.constant 0 : index
      %get3A_463 = tpu.vector_load %arg7[%get3A_461, %get3A_462] {strides = array<i32>} : memref<256x128xf32, #tpu.memory_space<vmem>>, vector<1x16xf32>,
      %get3A_464 = vector.shape_cast %get3A_463 : vector<1x16xf32> to vector<16xf32>
      %mul3A_465 = arith.constant 11.3137083 : f32
      %mul3A_466 = vector.broadcast %mul3A_465 : f32 to vector<16xf32>
      %mul3A_467 = arith.mulf %get3A_464, %mul3A_466 : vector<16xf32>
      %add3A_468 = arith.addf %mul3A_467, %get3A_213 : vector<16xf32>
      %swap3A_469 = arith.index_cast %add3A_460 : i32 to index
      %swap3A_470 = arith.constant 0 : index
      %swap3A_471 = tpu.vector_load %arg7[%swap3A_469, %swap3A_470] {strides = array<i32>} : memref<256x128xf32, #tpu.memory_space<vmem>>, vector<1x16xf32>,
      %swap3A_472 = vector.shape_cast %swap3A_471 : vector<1x16xf32> to vector<16xf32>
      %swap3A_473 = vector.shape_cast %add3A_468 : vector<16xf32> to vector<1x16xf32>
      tpu.vector_store %arg7[%swap3A_469, %swap3A_470], %swap3A_473 {strides = array<i32>} : memref<256x128xf32, #tpu.memory_space<vmem>>, vector<1x16xf32>,
      %get3A_474 = arith.index_cast %add3A_460 : i32 to index
      %get3A_475 = arith.constant 16 : index
      %get3A_476 = tpu.vector_load %arg7[%get3A_474, %get3A_475] {strides = array<i32>} : memref<256x128xf32, #tpu.memory_space<vmem>>, vector<1x16xf32>,
      %get3A_477 = vector.shape_cast %get3A_476 : vector<1x16xf32> to vector<16xf32>
      %mul3A_478 = arith.constant 11.3137083 : f32
      %mul3A_479 = vector.broadcast %mul3A_478 : f32 to vector<16xf32>
      %mul3A_480 = arith.mulf %get3A_477, %mul3A_479 : vector<16xf32>
      %add3A_481 = arith.addf %mul3A_480, %get3A_217 : vector<16xf32>
      %swap3A_482 = arith.index_cast %add3A_460 : i32 to index
      %swap3A_483 = arith.constant 16 : index
      %swap3A_484 = tpu.vector_load %arg7[%swap3A_482, %swap3A_483] {strides = array<i32>} : memref<256x128xf32, #tpu.memory_space<vmem>>, vector<1x16xf32>,
      %swap3A_485 = vector.shape_cast %swap3A_484 : vector<1x16xf32> to vector<16xf32>
      %swap3A_486 = vector.shape_cast %add3A_481 : vector<16xf32> to vector<1x16xf32>
      tpu.vector_store %arg7[%swap3A_482, %swap3A_483], %swap3A_486 {strides = array<i32>} : memref<256x128xf32, #tpu.memory_space<vmem>>, vector<1x16xf32>,
      %get3A_487 = arith.index_cast %add3A_460 : i32 to index
      %get3A_488 = arith.constant 32 : index
      %get3A_489 = tpu.vector_load %arg7[%get3A_487, %get3A_488] {strides = array<i32>} : memref<256x128xf32, #tpu.memory_space<vmem>>, vector<1x16xf32>,
      %get3A_490 = vector.shape_cast %get3A_489 : vector<1x16xf32> to vector<16xf32>
      %mul3A_491 = arith.constant 11.3137083 : f32
      %mul3A_492 = vector.broadcast %mul3A_491 : f32 to vector<16xf32>
      %mul3A_493 = arith.mulf %get3A_490, %mul3A_492 : vector<16xf32>
      %add3A_494 = arith.addf %mul3A_493, %get3A_221 : vector<16xf32>
      %swap3A_495 = arith.index_cast %add3A_460 : i32 to index
      %swap3A_496 = arith.constant 32 : index
      %swap3A_497 = tpu.vector_load %arg7[%swap3A_495, %swap3A_496] {strides = array<i32>} : memref<256x128xf32, #tpu.memory_space<vmem>>, vector<1x16xf32>,
      %swap3A_498 = vector.shape_cast %swap3A_497 : vector<1x16xf32> to vector<16xf32>
      %swap3A_499 = vector.shape_cast %add3A_494 : vector<16xf32> to vector<1x16xf32>
      tpu.vector_store %arg7[%swap3A_495, %swap3A_496], %swap3A_499 {strides = array<i32>} : memref<256x128xf32, #tpu.memory_space<vmem>>, vector<1x16xf32>,
      %get3A_500 = arith.index_cast %add3A_460 : i32 to index
      %get3A_501 = arith.constant 48 : index
      %get3A_502 = tpu.vector_load %arg7[%get3A_500, %get3A_501] {strides = array<i32>} : memref<256x128xf32, #tpu.memory_space<vmem>>, vector<1x16xf32>,
      %get3A_503 = vector.shape_cast %get3A_502 : vector<1x16xf32> to vector<16xf32>
      %mul3A_504 = arith.constant 11.3137083 : f32
      %mul3A_505 = vector.broadcast %mul3A_504 : f32 to vector<16xf32>
      %mul3A_506 = arith.mulf %get3A_503, %mul3A_505 : vector<16xf32>
      %add3A_507 = arith.addf %mul3A_506, %get3A_225 : vector<16xf32>
      %swap3A_508 = arith.index_cast %add3A_460 : i32 to index
      %swap3A_509 = arith.constant 48 : index
      %swap3A_510 = tpu.vector_load %arg7[%swap3A_508, %swap3A_509] {strides = array<i32>} : memref<256x128xf32, #tpu.memory_space<vmem>>, vector<1x16xf32>,
      %swap3A_511 = vector.shape_cast %swap3A_510 : vector<1x16xf32> to vector<16xf32>
      %swap3A_512 = vector.shape_cast %add3A_507 : vector<16xf32> to vector<1x16xf32>
      tpu.vector_store %arg7[%swap3A_508, %swap3A_509], %swap3A_512 {strides = array<i32>} : memref<256x128xf32, #tpu.memory_space<vmem>>, vector<1x16xf32>,
      %get3A_513 = arith.index_cast %add3A_460 : i32 to index
      %get3A_514 = arith.constant 64 : index
      %get3A_515 = tpu.vector_load %arg7[%get3A_513, %get3A_514] {strides = array<i32>} : memref<256x128xf32, #tpu.memory_space<vmem>>, vector<1x16xf32>,
      %get3A_516 = vector.shape_cast %get3A_515 : vector<1x16xf32> to vector<16xf32>
      %mul3A_517 = arith.constant 11.3137083 : f32
      %mul3A_518 = vector.broadcast %mul3A_517 : f32 to vector<16xf32>
      %mul3A_519 = arith.mulf %get3A_516, %mul3A_518 : vector<16xf32>
      %add3A_520 = arith.addf %mul3A_519, %get3A_229 : vector<16xf32>
      %swap3A_521 = arith.index_cast %add3A_460 : i32 to index
      %swap3A_522 = arith.constant 64 : index
      %swap3A_523 = tpu.vector_load %arg7[%swap3A_521, %swap3A_522] {strides = array<i32>} : memref<256x128xf32, #tpu.memory_space<vmem>>, vector<1x16xf32>,
      %swap3A_524 = vector.shape_cast %swap3A_523 : vector<1x16xf32> to vector<16xf32>
      %swap3A_525 = vector.shape_cast %add3A_520 : vector<16xf32> to vector<1x16xf32>
      tpu.vector_store %arg7[%swap3A_521, %swap3A_522], %swap3A_525 {strides = array<i32>} : memref<256x128xf32, #tpu.memory_space<vmem>>, vector<1x16xf32>,
      %get3A_526 = arith.index_cast %add3A_460 : i32 to index
      %get3A_527 = arith.constant 80 : index
      %get3A_528 = tpu.vector_load %arg7[%get3A_526, %get3A_527] {strides = array<i32>} : memref<256x128xf32, #tpu.memory_space<vmem>>, vector<1x16xf32>,
      %get3A_529 = vector.shape_cast %get3A_528 : vector<1x16xf32> to vector<16xf32>
      %mul3A_530 = arith.constant 11.3137083 : f32
      %mul3A_531 = vector.broadcast %mul3A_530 : f32 to vector<16xf32>
      %mul3A_532 = arith.mulf %get3A_529, %mul3A_531 : vector<16xf32>
      %add3A_533 = arith.addf %mul3A_532, %get3A_233 : vector<16xf32>
      %swap3A_534 = arith.index_cast %add3A_460 : i32 to index
      %swap3A_535 = arith.constant 80 : index
      %swap3A_536 = tpu.vector_load %arg7[%swap3A_534, %swap3A_535] {strides = array<i32>} : memref<256x128xf32, #tpu.memory_space<vmem>>, vector<1x16xf32>,
      %swap3A_537 = vector.shape_cast %swap3A_536 : vector<1x16xf32> to vector<16xf32>
      %swap3A_538 = vector.shape_cast %add3A_533 : vector<16xf32> to vector<1x16xf32>
      tpu.vector_store %arg7[%swap3A_534, %swap3A_535], %swap3A_538 {strides = array<i32>} : memref<256x128xf32, #tpu.memory_space<vmem>>, vector<1x16xf32>,
      %get3A_539 = arith.index_cast %add3A_460 : i32 to index
      %get3A_540 = arith.constant 96 : index
      %get3A_541 = tpu.vector_load %arg7[%get3A_539, %get3A_540] {strides = array<i32>} : memref<256x128xf32, #tpu.memory_space<vmem>>, vector<1x16xf32>,
      %get3A_542 = vector.shape_cast %get3A_541 : vector<1x16xf32> to vector<16xf32>
      %mul3A_543 = arith.constant 11.3137083 : f32
      %mul3A_544 = vector.broadcast %mul3A_543 : f32 to vector<16xf32>
      %mul3A_545 = arith.mulf %get3A_542, %mul3A_544 : vector<16xf32>
      %add3A_546 = arith.addf %mul3A_545, %get3A_237 : vector<16xf32>
      %swap3A_547 = arith.index_cast %add3A_460 : i32 to index
      %swap3A_548 = arith.constant 96 : index
      %swap3A_549 = tpu.vector_load %arg7[%swap3A_547, %swap3A_548] {strides = array<i32>} : memref<256x128xf32, #tpu.memory_space<vmem>>, vector<1x16xf32>,
      %swap3A_550 = vector.shape_cast %swap3A_549 : vector<1x16xf32> to vector<16xf32>
      %swap3A_551 = vector.shape_cast %add3A_546 : vector<16xf32> to vector<1x16xf32>
      tpu.vector_store %arg7[%swap3A_547, %swap3A_548], %swap3A_551 {strides = array<i32>} : memref<256x128xf32, #tpu.memory_space<vmem>>, vector<1x16xf32>,
      %get3A_552 = arith.index_cast %add3A_460 : i32 to index
      %get3A_553 = arith.constant 112 : index
      %get3A_554 = tpu.vector_load %arg7[%get3A_552, %get3A_553] {strides = array<i32>} : memref<256x128xf32, #tpu.memory_space<vmem>>, vector<1x16xf32>,
      %get3A_555 = vector.shape_cast %get3A_554 : vector<1x16xf32> to vector<16xf32>
      %mul3A_556 = arith.constant 11.3137083 : f32
      %mul3A_557 = vector.broadcast %mul3A_556 : f32 to vector<16xf32>
      %mul3A_558 = arith.mulf %get3A_555, %mul3A_557 : vector<16xf32>
      %add3A_559 = arith.addf %mul3A_558, %get3A_241 : vector<16xf32>
      %swap3A_560 = arith.index_cast %add3A_460 : i32 to index
      %swap3A_561 = arith.constant 112 : index
      %swap3A_562 = tpu.vector_load %arg7[%swap3A_560, %swap3A_561] {strides = array<i32>} : memref<256x128xf32, #tpu.memory_space<vmem>>, vector<1x16xf32>,
      %swap3A_563 = vector.shape_cast %swap3A_562 : vector<1x16xf32> to vector<16xf32>
      %swap3A_564 = vector.shape_cast %add3A_559 : vector<16xf32> to vector<1x16xf32>
      tpu.vector_store %arg7[%swap3A_560, %swap3A_561], %swap3A_564 {strides = array<i32>} : memref<256x128xf32, #tpu.memory_space<vmem>>, vector<1x16xf32>,
      %mul3A_565 = arith.constant 4 : i32
      %mul3A_566 = arith.muli %add3A_210, %mul3A_565 : i32
      %add3A_567 = arith.constant 3 : i32
      %add3A_568 = arith.addi %mul3A_566, %add3A_567 : i32
      %get3A_569 = arith.index_cast %add3A_568 : i32 to index
      %get3A_570 = arith.constant 0 : index
      %get3A_571 = tpu.vector_load %arg7[%get3A_569, %get3A_570] {strides = array<i32>} : memref<256x128xf32, #tpu.memory_space<vmem>>, vector<1x16xf32>,
      %get3A_572 = vector.shape_cast %get3A_571 : vector<1x16xf32> to vector<16xf32>
      %mul3A_573 = arith.constant 11.3137083 : f32
      %mul3A_574 = vector.broadcast %mul3A_573 : f32 to vector<16xf32>
      %mul3A_575 = arith.mulf %get3A_572, %mul3A_574 : vector<16xf32>
      %add3A_576 = arith.addf %mul3A_575, %get3A_213 : vector<16xf32>
      %swap3A_577 = arith.index_cast %add3A_568 : i32 to index
      %swap3A_578 = arith.constant 0 : index
      %swap3A_579 = tpu.vector_load %arg7[%swap3A_577, %swap3A_578] {strides = array<i32>} : memref<256x128xf32, #tpu.memory_space<vmem>>, vector<1x16xf32>,
      %swap3A_580 = vector.shape_cast %swap3A_579 : vector<1x16xf32> to vector<16xf32>
      %swap3A_581 = vector.shape_cast %add3A_576 : vector<16xf32> to vector<1x16xf32>
      tpu.vector_store %arg7[%swap3A_577, %swap3A_578], %swap3A_581 {strides = array<i32>} : memref<256x128xf32, #tpu.memory_space<vmem>>, vector<1x16xf32>,
      %get3A_582 = arith.index_cast %add3A_568 : i32 to index
      %get3A_583 = arith.constant 16 : index
      %get3A_584 = tpu.vector_load %arg7[%get3A_582, %get3A_583] {strides = array<i32>} : memref<256x128xf32, #tpu.memory_space<vmem>>, vector<1x16xf32>,
      %get3A_585 = vector.shape_cast %get3A_584 : vector<1x16xf32> to vector<16xf32>
      %mul3A_586 = arith.constant 11.3137083 : f32
      %mul3A_587 = vector.broadcast %mul3A_586 : f32 to vector<16xf32>
      %mul3A_588 = arith.mulf %get3A_585, %mul3A_587 : vector<16xf32>
      %add3A_589 = arith.addf %mul3A_588, %get3A_217 : vector<16xf32>
      %swap3A_590 = arith.index_cast %add3A_568 : i32 to index
      %swap3A_591 = arith.constant 16 : index
      %swap3A_592 = tpu.vector_load %arg7[%swap3A_590, %swap3A_591] {strides = array<i32>} : memref<256x128xf32, #tpu.memory_space<vmem>>, vector<1x16xf32>,
      %swap3A_593 = vector.shape_cast %swap3A_592 : vector<1x16xf32> to vector<16xf32>
      %swap3A_594 = vector.shape_cast %add3A_589 : vector<16xf32> to vector<1x16xf32>
      tpu.vector_store %arg7[%swap3A_590, %swap3A_591], %swap3A_594 {strides = array<i32>} : memref<256x128xf32, #tpu.memory_space<vmem>>, vector<1x16xf32>,
      %get3A_595 = arith.index_cast %add3A_568 : i32 to index
      %get3A_596 = arith.constant 32 : index
      %get3A_597 = tpu.vector_load %arg7[%get3A_595, %get3A_596] {strides = array<i32>} : memref<256x128xf32, #tpu.memory_space<vmem>>, vector<1x16xf32>,
      %get3A_598 = vector.shape_cast %get3A_597 : vector<1x16xf32> to vector<16xf32>
      %mul3A_599 = arith.constant 11.3137083 : f32
      %mul3A_600 = vector.broadcast %mul3A_599 : f32 to vector<16xf32>
      %mul3A_601 = arith.mulf %get3A_598, %mul3A_600 : vector<16xf32>
      %add3A_602 = arith.addf %mul3A_601, %get3A_221 : vector<16xf32>
      %swap3A_603 = arith.index_cast %add3A_568 : i32 to index
      %swap3A_604 = arith.constant 32 : index
      %swap3A_605 = tpu.vector_load %arg7[%swap3A_603, %swap3A_604] {strides = array<i32>} : memref<256x128xf32, #tpu.memory_space<vmem>>, vector<1x16xf32>,
      %swap3A_606 = vector.shape_cast %swap3A_605 : vector<1x16xf32> to vector<16xf32>
      %swap3A_607 = vector.shape_cast %add3A_602 : vector<16xf32> to vector<1x16xf32>
      tpu.vector_store %arg7[%swap3A_603, %swap3A_604], %swap3A_607 {strides = array<i32>} : memref<256x128xf32, #tpu.memory_space<vmem>>, vector<1x16xf32>,
      %get3A_608 = arith.index_cast %add3A_568 : i32 to index
      %get3A_609 = arith.constant 48 : index
      %get3A_610 = tpu.vector_load %arg7[%get3A_608, %get3A_609] {strides = array<i32>} : memref<256x128xf32, #tpu.memory_space<vmem>>, vector<1x16xf32>,
      %get3A_611 = vector.shape_cast %get3A_610 : vector<1x16xf32> to vector<16xf32>
      %mul3A_612 = arith.constant 11.3137083 : f32
      %mul3A_613 = vector.broadcast %mul3A_612 : f32 to vector<16xf32>
      %mul3A_614 = arith.mulf %get3A_611, %mul3A_613 : vector<16xf32>
      %add3A_615 = arith.addf %mul3A_614, %get3A_225 : vector<16xf32>
      %swap3A_616 = arith.index_cast %add3A_568 : i32 to index
      %swap3A_617 = arith.constant 48 : index
      %swap3A_618 = tpu.vector_load %arg7[%swap3A_616, %swap3A_617] {strides = array<i32>} : memref<256x128xf32, #tpu.memory_space<vmem>>, vector<1x16xf32>,
      %swap3A_619 = vector.shape_cast %swap3A_618 : vector<1x16xf32> to vector<16xf32>
      %swap3A_620 = vector.shape_cast %add3A_615 : vector<16xf32> to vector<1x16xf32>
      tpu.vector_store %arg7[%swap3A_616, %swap3A_617], %swap3A_620 {strides = array<i32>} : memref<256x128xf32, #tpu.memory_space<vmem>>, vector<1x16xf32>,
      %get3A_621 = arith.index_cast %add3A_568 : i32 to index
      %get3A_622 = arith.constant 64 : index
      %get3A_623 = tpu.vector_load %arg7[%get3A_621, %get3A_622] {strides = array<i32>} : memref<256x128xf32, #tpu.memory_space<vmem>>, vector<1x16xf32>,
      %get3A_624 = vector.shape_cast %get3A_623 : vector<1x16xf32> to vector<16xf32>
      %mul3A_625 = arith.constant 11.3137083 : f32
      %mul3A_626 = vector.broadcast %mul3A_625 : f32 to vector<16xf32>
      %mul3A_627 = arith.mulf %get3A_624, %mul3A_626 : vector<16xf32>
      %add3A_628 = arith.addf %mul3A_627, %get3A_229 : vector<16xf32>
      %swap3A_629 = arith.index_cast %add3A_568 : i32 to index
      %swap3A_630 = arith.constant 64 : index
      %swap3A_631 = tpu.vector_load %arg7[%swap3A_629, %swap3A_630] {strides = array<i32>} : memref<256x128xf32, #tpu.memory_space<vmem>>, vector<1x16xf32>,
      %swap3A_632 = vector.shape_cast %swap3A_631 : vector<1x16xf32> to vector<16xf32>
      %swap3A_633 = vector.shape_cast %add3A_628 : vector<16xf32> to vector<1x16xf32>
      tpu.vector_store %arg7[%swap3A_629, %swap3A_630], %swap3A_633 {strides = array<i32>} : memref<256x128xf32, #tpu.memory_space<vmem>>, vector<1x16xf32>,
      %get3A_634 = arith.index_cast %add3A_568 : i32 to index
      %get3A_635 = arith.constant 80 : index
      %get3A_636 = tpu.vector_load %arg7[%get3A_634, %get3A_635] {strides = array<i32>} : memref<256x128xf32, #tpu.memory_space<vmem>>, vector<1x16xf32>,
      %get3A_637 = vector.shape_cast %get3A_636 : vector<1x16xf32> to vector<16xf32>
      %mul3A_638 = arith.constant 11.3137083 : f32
      %mul3A_639 = vector.broadcast %mul3A_638 : f32 to vector<16xf32>
      %mul3A_640 = arith.mulf %get3A_637, %mul3A_639 : vector<16xf32>
      %add3A_641 = arith.addf %mul3A_640, %get3A_233 : vector<16xf32>
      %swap3A_642 = arith.index_cast %add3A_568 : i32 to index
      %swap3A_643 = arith.constant 80 : index
      %swap3A_644 = tpu.vector_load %arg7[%swap3A_642, %swap3A_643] {strides = array<i32>} : memref<256x128xf32, #tpu.memory_space<vmem>>, vector<1x16xf32>,
      %swap3A_645 = vector.shape_cast %swap3A_644 : vector<1x16xf32> to vector<16xf32>
      %swap3A_646 = vector.shape_cast %add3A_641 : vector<16xf32> to vector<1x16xf32>
      tpu.vector_store %arg7[%swap3A_642, %swap3A_643], %swap3A_646 {strides = array<i32>} : memref<256x128xf32, #tpu.memory_space<vmem>>, vector<1x16xf32>,
      %get3A_647 = arith.index_cast %add3A_568 : i32 to index
      %get3A_648 = arith.constant 96 : index
      %get3A_649 = tpu.vector_load %arg7[%get3A_647, %get3A_648] {strides = array<i32>} : memref<256x128xf32, #tpu.memory_space<vmem>>, vector<1x16xf32>,
      %get3A_650 = vector.shape_cast %get3A_649 : vector<1x16xf32> to vector<16xf32>
      %mul3A_651 = arith.constant 11.3137083 : f32
      %mul3A_652 = vector.broadcast %mul3A_651 : f32 to vector<16xf32>
      %mul3A_653 = arith.mulf %get3A_650, %mul3A_652 : vector<16xf32>
      %add3A_654 = arith.addf %mul3A_653, %get3A_237 : vector<16xf32>
      %swap3A_655 = arith.index_cast %add3A_568 : i32 to index
      %swap3A_656 = arith.constant 96 : index
      %swap3A_657 = tpu.vector_load %arg7[%swap3A_655, %swap3A_656] {strides = array<i32>} : memref<256x128xf32, #tpu.memory_space<vmem>>, vector<1x16xf32>,
      %swap3A_658 = vector.shape_cast %swap3A_657 : vector<1x16xf32> to vector<16xf32>
      %swap3A_659 = vector.shape_cast %add3A_654 : vector<16xf32> to vector<1x16xf32>
      tpu.vector_store %arg7[%swap3A_655, %swap3A_656], %swap3A_659 {strides = array<i32>} : memref<256x128xf32, #tpu.memory_space<vmem>>, vector<1x16xf32>,
      %get3A_660 = arith.index_cast %add3A_568 : i32 to index
      %get3A_661 = arith.constant 112 : index
      %get3A_662 = tpu.vector_load %arg7[%get3A_660, %get3A_661] {strides = array<i32>} : memref<256x128xf32, #tpu.memory_space<vmem>>, vector<1x16xf32>,
      %get3A_663 = vector.shape_cast %get3A_662 : vector<1x16xf32> to vector<16xf32>
      %mul3A_664 = arith.constant 11.3137083 : f32
      %mul3A_665 = vector.broadcast %mul3A_664 : f32 to vector<16xf32>
      %mul3A_666 = arith.mulf %get3A_663, %mul3A_665 : vector<16xf32>
      %add3A_667 = arith.addf %mul3A_666, %get3A_241 : vector<16xf32>
      %swap3A_668 = arith.index_cast %add3A_568 : i32 to index
      %swap3A_669 = arith.constant 112 : index
      %swap3A_670 = tpu.vector_load %arg7[%swap3A_668, %swap3A_669] {strides = array<i32>} : memref<256x128xf32, #tpu.memory_space<vmem>>, vector<1x16xf32>,
      %swap3A_671 = vector.shape_cast %swap3A_670 : vector<1x16xf32> to vector<16xf32>
      %swap3A_672 = vector.shape_cast %add3A_667 : vector<16xf32> to vector<1x16xf32>
      tpu.vector_store %arg7[%swap3A_668, %swap3A_669], %swap3A_672 {strides = array<i32>} : memref<256x128xf32, #tpu.memory_space<vmem>>, vector<1x16xf32>,
    }
    %scan3A_64 = arith.constant 16 : i32
    %mul3A_65 = arith.constant 256 : i32
    %mul3A_66 = arith.muli %add3A, %mul3A_65 : i32
    %add3A_67 = arith.constant 0 : i32
    %add3A_68 = arith.addi %mul3A_66, %add3A_67 : i32
    %dma_start3A_69 = arith.constant 0 : i32
    %dma_start3A_70 = arith.constant 0 : i32
    %dma_start3A_71 = tpu.memref_slice %arg7[%dma_start3A_69, %dma_start3A_70] : memref<256x128xf32, #tpu.memory_space<vmem>> -> memref<64x128xf32, #tpu.memory_space<vmem>>
    %dma_start3A_72 = arith.constant 0 : i32
    %dma_start3A_73 = tpu.memref_slice %arg5[%add3A_68, %dma_start3A_72] : memref<8192x128xf32, #tpu.memory_space<hbm>> -> memref<64x128xf32, #tpu.memory_space<hbm>>
    %dma_start3A_74 = arith.constant 0 : i32
    %dma_start3A_75 = tpu.memref_slice %arg5[%add3A_68, %dma_start3A_74] : memref<8192x128xf32, #tpu.memory_space<hbm>> -> memref<64x128xf32, #tpu.memory_space<hbm>>
    %dma_start3A_76 = arith.constant 0 : i32
    %dma_start3A_77 = arith.constant 0 : i32
    %dma_start3A_78 = tpu.memref_slice %arg7[%dma_start3A_76, %dma_start3A_77] : memref<256x128xf32, #tpu.memory_space<vmem>> -> memref<64x128xf32, #tpu.memory_space<vmem>>
    tpu.enqueue_dma source(%dma_start3A_78 : memref<64x128xf32, #tpu.memory_space<vmem>>) target(%dma_start3A_75 : memref<64x128xf32, #tpu.memory_space<hbm>>) target_semaphore(%arg13 : memref<!tpu.dma_semaphore, #tpu.memory_space<semaphore_mem>>)
    %dma_wait3A_79 = arith.constant 0 : i32
    %dma_wait3A_80 = arith.constant 64 : i32
    %dma_wait3A_81 = arith.constant 0 : i32
    %dma_wait3A_82 = tpu.memref_slice %arg7[%dma_wait3A_80, %dma_wait3A_81] : memref<256x128xf32, #tpu.memory_space<vmem>> -> memref<64x128xf32, #tpu.memory_space<vmem>>
    %dma_wait3A_83 = arith.constant 64 : i32
    %dma_wait3A_84 = tpu.memref_slice %arg6[%dma_wait3A_79, %dma_wait3A_83] : memref<2x128xi32, #tpu.memory_space<vmem>> -> memref<1x64xi32, #tpu.memory_space<vmem>>
    %dma_wait3A_85 = tpu.memref_squeeze %dma_wait3A_84 : memref<1x64xi32, #tpu.memory_space<vmem>> -> memref<64xi32, #tpu.memory_space<vmem>>
    %dma_wait3A_86 = arith.constant 0 : i32
    %dma_wait3A_87 = arith.constant 0 : i32
    %dma_wait3A_88 = tpu.memref_slice %arg3[%dma_wait3A_86, %dma_wait3A_87] : memref<100000x128xf32, #tpu.memory_space<hbm>> -> memref<100000x128xf32, #tpu.memory_space<hbm>>
    tpu.wait_indirect_dma semaphore(%arg10 : memref<!tpu.dma_semaphore, #tpu.memory_space<semaphore_mem>>) src(%dma_wait3A_88 : memref<100000x128xf32, #tpu.memory_space<hbm>>) dst(%dma_wait3A_82 : memref<64x128xf32, #tpu.memory_space<vmem>>)
    %scan3A_89 = arith.constant 0 : i32
    %scan3A_90 = arith.constant 16 : i32
    %scan3A_91 = arith.addi %scan3A_89, %scan3A_90 : i32
    %scan3A_92 = arith.constant 1 : i32
    scf.for %scan3A_206 = %scan3A_89 to %scan3A_91 step %scan3A_92  : i32 {
      %mul3A_207 = arith.constant 1 : i32
      %mul3A_208 = arith.muli %scan3A_206, %mul3A_207 : i32
      %add3A_209 = arith.constant 16 : i32
      %add3A_210 = arith.addi %add3A_209, %mul3A_208 : i32
      %get3A = arith.index_cast %add3A_210 : i32 to index
      %get3A_211 = arith.constant 0 : index
      %get3A_212 = tpu.vector_load %arg8[%get3A, %get3A_211] {strides = array<i32>} : memref<64x128xf32, #tpu.memory_space<vmem>>, vector<1x16xf32>,
      %get3A_213 = vector.shape_cast %get3A_212 : vector<1x16xf32> to vector<16xf32>
      %get3A_214 = arith.index_cast %add3A_210 : i32 to index
      %get3A_215 = arith.constant 16 : index
      %get3A_216 = tpu.vector_load %arg8[%get3A_214, %get3A_215] {strides = array<i32>} : memref<64x128xf32, #tpu.memory_space<vmem>>, vector<1x16xf32>,
      %get3A_217 = vector.shape_cast %get3A_216 : vector<1x16xf32> to vector<16xf32>
      %get3A_218 = arith.index_cast %add3A_210 : i32 to index
      %get3A_219 = arith.constant 32 : index
      %get3A_220 = tpu.vector_load %arg8[%get3A_218, %get3A_219] {strides = array<i32>} : memref<64x128xf32, #tpu.memory_space<vmem>>, vector<1x16xf32>,
      %get3A_221 = vector.shape_cast %get3A_220 : vector<1x16xf32> to vector<16xf32>
      %get3A_222 = arith.index_cast %add3A_210 : i32 to index
      %get3A_223 = arith.constant 48 : index
      %get3A_224 = tpu.vector_load %arg8[%get3A_222, %get3A_223] {strides = array<i32>} : memref<64x128xf32, #tpu.memory_space<vmem>>, vector<1x16xf32>,
      %get3A_225 = vector.shape_cast %get3A_224 : vector<1x16xf32> to vector<16xf32>
      %get3A_226 = arith.index_cast %add3A_210 : i32 to index
      %get3A_227 = arith.constant 64 : index
      %get3A_228 = tpu.vector_load %arg8[%get3A_226, %get3A_227] {strides = array<i32>} : memref<64x128xf32, #tpu.memory_space<vmem>>, vector<1x16xf32>,
      %get3A_229 = vector.shape_cast %get3A_228 : vector<1x16xf32> to vector<16xf32>
      %get3A_230 = arith.index_cast %add3A_210 : i32 to index
      %get3A_231 = arith.constant 80 : index
      %get3A_232 = tpu.vector_load %arg8[%get3A_230, %get3A_231] {strides = array<i32>} : memref<64x128xf32, #tpu.memory_space<vmem>>, vector<1x16xf32>,
      %get3A_233 = vector.shape_cast %get3A_232 : vector<1x16xf32> to vector<16xf32>
      %get3A_234 = arith.index_cast %add3A_210 : i32 to index
      %get3A_235 = arith.constant 96 : index
      %get3A_236 = tpu.vector_load %arg8[%get3A_234, %get3A_235] {strides = array<i32>} : memref<64x128xf32, #tpu.memory_space<vmem>>, vector<1x16xf32>,
      %get3A_237 = vector.shape_cast %get3A_236 : vector<1x16xf32> to vector<16xf32>
      %get3A_238 = arith.index_cast %add3A_210 : i32 to index
      %get3A_239 = arith.constant 112 : index
      %get3A_240 = tpu.vector_load %arg8[%get3A_238, %get3A_239] {strides = array<i32>} : memref<64x128xf32, #tpu.memory_space<vmem>>, vector<1x16xf32>,
      %get3A_241 = vector.shape_cast %get3A_240 : vector<1x16xf32> to vector<16xf32>
      %mul3A_242 = arith.constant 4 : i32
      %mul3A_243 = arith.muli %add3A_210, %mul3A_242 : i32
      %add3A_244 = arith.constant 0 : i32
      %add3A_245 = arith.addi %mul3A_243, %add3A_244 : i32
      %get3A_246 = arith.index_cast %add3A_245 : i32 to index
      %get3A_247 = arith.constant 0 : index
      %get3A_248 = tpu.vector_load %arg7[%get3A_246, %get3A_247] {strides = array<i32>} : memref<256x128xf32, #tpu.memory_space<vmem>>, vector<1x16xf32>,
      %get3A_249 = vector.shape_cast %get3A_248 : vector<1x16xf32> to vector<16xf32>
      %mul3A_250 = arith.constant 11.3137083 : f32
      %mul3A_251 = vector.broadcast %mul3A_250 : f32 to vector<16xf32>
      %mul3A_252 = arith.mulf %get3A_249, %mul3A_251 : vector<16xf32>
      %add3A_253 = arith.addf %mul3A_252, %get3A_213 : vector<16xf32>
      %swap3A = arith.index_cast %add3A_245 : i32 to index
      %swap3A_254 = arith.constant 0 : index
      %swap3A_255 = tpu.vector_load %arg7[%swap3A, %swap3A_254] {strides = array<i32>} : memref<256x128xf32, #tpu.memory_space<vmem>>, vector<1x16xf32>,
      %swap3A_256 = vector.shape_cast %swap3A_255 : vector<1x16xf32> to vector<16xf32>
      %swap3A_257 = vector.shape_cast %add3A_253 : vector<16xf32> to vector<1x16xf32>
      tpu.vector_store %arg7[%swap3A, %swap3A_254], %swap3A_257 {strides = array<i32>} : memref<256x128xf32, #tpu.memory_space<vmem>>, vector<1x16xf32>,
      %get3A_258 = arith.index_cast %add3A_245 : i32 to index
      %get3A_259 = arith.constant 16 : index
      %get3A_260 = tpu.vector_load %arg7[%get3A_258, %get3A_259] {strides = array<i32>} : memref<256x128xf32, #tpu.memory_space<vmem>>, vector<1x16xf32>,
      %get3A_261 = vector.shape_cast %get3A_260 : vector<1x16xf32> to vector<16xf32>
      %mul3A_262 = arith.constant 11.3137083 : f32
      %mul3A_263 = vector.broadcast %mul3A_262 : f32 to vector<16xf32>
      %mul3A_264 = arith.mulf %get3A_261, %mul3A_263 : vector<16xf32>
      %add3A_265 = arith.addf %mul3A_264, %get3A_217 : vector<16xf32>
      %swap3A_266 = arith.index_cast %add3A_245 : i32 to index
      %swap3A_267 = arith.constant 16 : index
      %swap3A_268 = tpu.vector_load %arg7[%swap3A_266, %swap3A_267] {strides = array<i32>} : memref<256x128xf32, #tpu.memory_space<vmem>>, vector<1x16xf32>,
      %swap3A_269 = vector.shape_cast %swap3A_268 : vector<1x16xf32> to vector<16xf32>
      %swap3A_270 = vector.shape_cast %add3A_265 : vector<16xf32> to vector<1x16xf32>
      tpu.vector_store %arg7[%swap3A_266, %swap3A_267], %swap3A_270 {strides = array<i32>} : memref<256x128xf32, #tpu.memory_space<vmem>>, vector<1x16xf32>,
      %get3A_271 = arith.index_cast %add3A_245 : i32 to index
      %get3A_272 = arith.constant 32 : index
      %get3A_273 = tpu.vector_load %arg7[%get3A_271, %get3A_272] {strides = array<i32>} : memref<256x128xf32, #tpu.memory_space<vmem>>, vector<1x16xf32>,
      %get3A_274 = vector.shape_cast %get3A_273 : vector<1x16xf32> to vector<16xf32>
      %mul3A_275 = arith.constant 11.3137083 : f32
      %mul3A_276 = vector.broadcast %mul3A_275 : f32 to vector<16xf32>
      %mul3A_277 = arith.mulf %get3A_274, %mul3A_276 : vector<16xf32>
      %add3A_278 = arith.addf %mul3A_277, %get3A_221 : vector<16xf32>
      %swap3A_279 = arith.index_cast %add3A_245 : i32 to index
      %swap3A_280 = arith.constant 32 : index
      %swap3A_281 = tpu.vector_load %arg7[%swap3A_279, %swap3A_280] {strides = array<i32>} : memref<256x128xf32, #tpu.memory_space<vmem>>, vector<1x16xf32>,
      %swap3A_282 = vector.shape_cast %swap3A_281 : vector<1x16xf32> to vector<16xf32>
      %swap3A_283 = vector.shape_cast %add3A_278 : vector<16xf32> to vector<1x16xf32>
      tpu.vector_store %arg7[%swap3A_279, %swap3A_280], %swap3A_283 {strides = array<i32>} : memref<256x128xf32, #tpu.memory_space<vmem>>, vector<1x16xf32>,
      %get3A_284 = arith.index_cast %add3A_245 : i32 to index
      %get3A_285 = arith.constant 48 : index
      %get3A_286 = tpu.vector_load %arg7[%get3A_284, %get3A_285] {strides = array<i32>} : memref<256x128xf32, #tpu.memory_space<vmem>>, vector<1x16xf32>,
      %get3A_287 = vector.shape_cast %get3A_286 : vector<1x16xf32> to vector<16xf32>
      %mul3A_288 = arith.constant 11.3137083 : f32
      %mul3A_289 = vector.broadcast %mul3A_288 : f32 to vector<16xf32>
      %mul3A_290 = arith.mulf %get3A_287, %mul3A_289 : vector<16xf32>
      %add3A_291 = arith.addf %mul3A_290, %get3A_225 : vector<16xf32>
      %swap3A_292 = arith.index_cast %add3A_245 : i32 to index
      %swap3A_293 = arith.constant 48 : index
      %swap3A_294 = tpu.vector_load %arg7[%swap3A_292, %swap3A_293] {strides = array<i32>} : memref<256x128xf32, #tpu.memory_space<vmem>>, vector<1x16xf32>,
      %swap3A_295 = vector.shape_cast %swap3A_294 : vector<1x16xf32> to vector<16xf32>
      %swap3A_296 = vector.shape_cast %add3A_291 : vector<16xf32> to vector<1x16xf32>
      tpu.vector_store %arg7[%swap3A_292, %swap3A_293], %swap3A_296 {strides = array<i32>} : memref<256x128xf32, #tpu.memory_space<vmem>>, vector<1x16xf32>,
      %get3A_297 = arith.index_cast %add3A_245 : i32 to index
      %get3A_298 = arith.constant 64 : index
      %get3A_299 = tpu.vector_load %arg7[%get3A_297, %get3A_298] {strides = array<i32>} : memref<256x128xf32, #tpu.memory_space<vmem>>, vector<1x16xf32>,
      %get3A_300 = vector.shape_cast %get3A_299 : vector<1x16xf32> to vector<16xf32>
      %mul3A_301 = arith.constant 11.3137083 : f32
      %mul3A_302 = vector.broadcast %mul3A_301 : f32 to vector<16xf32>
      %mul3A_303 = arith.mulf %get3A_300, %mul3A_302 : vector<16xf32>
      %add3A_304 = arith.addf %mul3A_303, %get3A_229 : vector<16xf32>
      %swap3A_305 = arith.index_cast %add3A_245 : i32 to index
      %swap3A_306 = arith.constant 64 : index
      %swap3A_307 = tpu.vector_load %arg7[%swap3A_305, %swap3A_306] {strides = array<i32>} : memref<256x128xf32, #tpu.memory_space<vmem>>, vector<1x16xf32>,
      %swap3A_308 = vector.shape_cast %swap3A_307 : vector<1x16xf32> to vector<16xf32>
      %swap3A_309 = vector.shape_cast %add3A_304 : vector<16xf32> to vector<1x16xf32>
      tpu.vector_store %arg7[%swap3A_305, %swap3A_306], %swap3A_309 {strides = array<i32>} : memref<256x128xf32, #tpu.memory_space<vmem>>, vector<1x16xf32>,
      %get3A_310 = arith.index_cast %add3A_245 : i32 to index
      %get3A_311 = arith.constant 80 : index
      %get3A_312 = tpu.vector_load %arg7[%get3A_310, %get3A_311] {strides = array<i32>} : memref<256x128xf32, #tpu.memory_space<vmem>>, vector<1x16xf32>,
      %get3A_313 = vector.shape_cast %get3A_312 : vector<1x16xf32> to vector<16xf32>
      %mul3A_314 = arith.constant 11.3137083 : f32
      %mul3A_315 = vector.broadcast %mul3A_314 : f32 to vector<16xf32>
      %mul3A_316 = arith.mulf %get3A_313, %mul3A_315 : vector<16xf32>
      %add3A_317 = arith.addf %mul3A_316, %get3A_233 : vector<16xf32>
      %swap3A_318 = arith.index_cast %add3A_245 : i32 to index
      %swap3A_319 = arith.constant 80 : index
      %swap3A_320 = tpu.vector_load %arg7[%swap3A_318, %swap3A_319] {strides = array<i32>} : memref<256x128xf32, #tpu.memory_space<vmem>>, vector<1x16xf32>,
      %swap3A_321 = vector.shape_cast %swap3A_320 : vector<1x16xf32> to vector<16xf32>
      %swap3A_322 = vector.shape_cast %add3A_317 : vector<16xf32> to vector<1x16xf32>
      tpu.vector_store %arg7[%swap3A_318, %swap3A_319], %swap3A_322 {strides = array<i32>} : memref<256x128xf32, #tpu.memory_space<vmem>>, vector<1x16xf32>,
      %get3A_323 = arith.index_cast %add3A_245 : i32 to index
      %get3A_324 = arith.constant 96 : index
      %get3A_325 = tpu.vector_load %arg7[%get3A_323, %get3A_324] {strides = array<i32>} : memref<256x128xf32, #tpu.memory_space<vmem>>, vector<1x16xf32>,
      %get3A_326 = vector.shape_cast %get3A_325 : vector<1x16xf32> to vector<16xf32>
      %mul3A_327 = arith.constant 11.3137083 : f32
      %mul3A_328 = vector.broadcast %mul3A_327 : f32 to vector<16xf32>
      %mul3A_329 = arith.mulf %get3A_326, %mul3A_328 : vector<16xf32>
      %add3A_330 = arith.addf %mul3A_329, %get3A_237 : vector<16xf32>
      %swap3A_331 = arith.index_cast %add3A_245 : i32 to index
      %swap3A_332 = arith.constant 96 : index
      %swap3A_333 = tpu.vector_load %arg7[%swap3A_331, %swap3A_332] {strides = array<i32>} : memref<256x128xf32, #tpu.memory_space<vmem>>, vector<1x16xf32>,
      %swap3A_334 = vector.shape_cast %swap3A_333 : vector<1x16xf32> to vector<16xf32>
      %swap3A_335 = vector.shape_cast %add3A_330 : vector<16xf32> to vector<1x16xf32>
      tpu.vector_store %arg7[%swap3A_331, %swap3A_332], %swap3A_335 {strides = array<i32>} : memref<256x128xf32, #tpu.memory_space<vmem>>, vector<1x16xf32>,
      %get3A_336 = arith.index_cast %add3A_245 : i32 to index
      %get3A_337 = arith.constant 112 : index
      %get3A_338 = tpu.vector_load %arg7[%get3A_336, %get3A_337] {strides = array<i32>} : memref<256x128xf32, #tpu.memory_space<vmem>>, vector<1x16xf32>,
      %get3A_339 = vector.shape_cast %get3A_338 : vector<1x16xf32> to vector<16xf32>
      %mul3A_340 = arith.constant 11.3137083 : f32
      %mul3A_341 = vector.broadcast %mul3A_340 : f32 to vector<16xf32>
      %mul3A_342 = arith.mulf %get3A_339, %mul3A_341 : vector<16xf32>
      %add3A_343 = arith.addf %mul3A_342, %get3A_241 : vector<16xf32>
      %swap3A_344 = arith.index_cast %add3A_245 : i32 to index
      %swap3A_345 = arith.constant 112 : index
      %swap3A_346 = tpu.vector_load %arg7[%swap3A_344, %swap3A_345] {strides = array<i32>} : memref<256x128xf32, #tpu.memory_space<vmem>>, vector<1x16xf32>,
      %swap3A_347 = vector.shape_cast %swap3A_346 : vector<1x16xf32> to vector<16xf32>
      %swap3A_348 = vector.shape_cast %add3A_343 : vector<16xf32> to vector<1x16xf32>
      tpu.vector_store %arg7[%swap3A_344, %swap3A_345], %swap3A_348 {strides = array<i32>} : memref<256x128xf32, #tpu.memory_space<vmem>>, vector<1x16xf32>,
      %mul3A_349 = arith.constant 4 : i32
      %mul3A_350 = arith.muli %add3A_210, %mul3A_349 : i32
      %add3A_351 = arith.constant 1 : i32
      %add3A_352 = arith.addi %mul3A_350, %add3A_351 : i32
      %get3A_353 = arith.index_cast %add3A_352 : i32 to index
      %get3A_354 = arith.constant 0 : index
      %get3A_355 = tpu.vector_load %arg7[%get3A_353, %get3A_354] {strides = array<i32>} : memref<256x128xf32, #tpu.memory_space<vmem>>, vector<1x16xf32>,
      %get3A_356 = vector.shape_cast %get3A_355 : vector<1x16xf32> to vector<16xf32>
      %mul3A_357 = arith.constant 11.3137083 : f32
      %mul3A_358 = vector.broadcast %mul3A_357 : f32 to vector<16xf32>
      %mul3A_359 = arith.mulf %get3A_356, %mul3A_358 : vector<16xf32>
      %add3A_360 = arith.addf %mul3A_359, %get3A_213 : vector<16xf32>
      %swap3A_361 = arith.index_cast %add3A_352 : i32 to index
      %swap3A_362 = arith.constant 0 : index
      %swap3A_363 = tpu.vector_load %arg7[%swap3A_361, %swap3A_362] {strides = array<i32>} : memref<256x128xf32, #tpu.memory_space<vmem>>, vector<1x16xf32>,
      %swap3A_364 = vector.shape_cast %swap3A_363 : vector<1x16xf32> to vector<16xf32>
      %swap3A_365 = vector.shape_cast %add3A_360 : vector<16xf32> to vector<1x16xf32>
      tpu.vector_store %arg7[%swap3A_361, %swap3A_362], %swap3A_365 {strides = array<i32>} : memref<256x128xf32, #tpu.memory_space<vmem>>, vector<1x16xf32>,
      %get3A_366 = arith.index_cast %add3A_352 : i32 to index
      %get3A_367 = arith.constant 16 : index
      %get3A_368 = tpu.vector_load %arg7[%get3A_366, %get3A_367] {strides = array<i32>} : memref<256x128xf32, #tpu.memory_space<vmem>>, vector<1x16xf32>,
      %get3A_369 = vector.shape_cast %get3A_368 : vector<1x16xf32> to vector<16xf32>
      %mul3A_370 = arith.constant 11.3137083 : f32
      %mul3A_371 = vector.broadcast %mul3A_370 : f32 to vector<16xf32>
      %mul3A_372 = arith.mulf %get3A_369, %mul3A_371 : vector<16xf32>
      %add3A_373 = arith.addf %mul3A_372, %get3A_217 : vector<16xf32>
      %swap3A_374 = arith.index_cast %add3A_352 : i32 to index
      %swap3A_375 = arith.constant 16 : index
      %swap3A_376 = tpu.vector_load %arg7[%swap3A_374, %swap3A_375] {strides = array<i32>} : memref<256x128xf32, #tpu.memory_space<vmem>>, vector<1x16xf32>,
      %swap3A_377 = vector.shape_cast %swap3A_376 : vector<1x16xf32> to vector<16xf32>
      %swap3A_378 = vector.shape_cast %add3A_373 : vector<16xf32> to vector<1x16xf32>
      tpu.vector_store %arg7[%swap3A_374, %swap3A_375], %swap3A_378 {strides = array<i32>} : memref<256x128xf32, #tpu.memory_space<vmem>>, vector<1x16xf32>,
      %get3A_379 = arith.index_cast %add3A_352 : i32 to index
      %get3A_380 = arith.constant 32 : index
      %get3A_381 = tpu.vector_load %arg7[%get3A_379, %get3A_380] {strides = array<i32>} : memref<256x128xf32, #tpu.memory_space<vmem>>, vector<1x16xf32>,
      %get3A_382 = vector.shape_cast %get3A_381 : vector<1x16xf32> to vector<16xf32>
      %mul3A_383 = arith.constant 11.3137083 : f32
      %mul3A_384 = vector.broadcast %mul3A_383 : f32 to vector<16xf32>
      %mul3A_385 = arith.mulf %get3A_382, %mul3A_384 : vector<16xf32>
      %add3A_386 = arith.addf %mul3A_385, %get3A_221 : vector<16xf32>
      %swap3A_387 = arith.index_cast %add3A_352 : i32 to index
      %swap3A_388 = arith.constant 32 : index
      %swap3A_389 = tpu.vector_load %arg7[%swap3A_387, %swap3A_388] {strides = array<i32>} : memref<256x128xf32, #tpu.memory_space<vmem>>, vector<1x16xf32>,
      %swap3A_390 = vector.shape_cast %swap3A_389 : vector<1x16xf32> to vector<16xf32>
      %swap3A_391 = vector.shape_cast %add3A_386 : vector<16xf32> to vector<1x16xf32>
      tpu.vector_store %arg7[%swap3A_387, %swap3A_388], %swap3A_391 {strides = array<i32>} : memref<256x128xf32, #tpu.memory_space<vmem>>, vector<1x16xf32>,
      %get3A_392 = arith.index_cast %add3A_352 : i32 to index
      %get3A_393 = arith.constant 48 : index
      %get3A_394 = tpu.vector_load %arg7[%get3A_392, %get3A_393] {strides = array<i32>} : memref<256x128xf32, #tpu.memory_space<vmem>>, vector<1x16xf32>,
      %get3A_395 = vector.shape_cast %get3A_394 : vector<1x16xf32> to vector<16xf32>
      %mul3A_396 = arith.constant 11.3137083 : f32
      %mul3A_397 = vector.broadcast %mul3A_396 : f32 to vector<16xf32>
      %mul3A_398 = arith.mulf %get3A_395, %mul3A_397 : vector<16xf32>
      %add3A_399 = arith.addf %mul3A_398, %get3A_225 : vector<16xf32>
      %swap3A_400 = arith.index_cast %add3A_352 : i32 to index
      %swap3A_401 = arith.constant 48 : index
      %swap3A_402 = tpu.vector_load %arg7[%swap3A_400, %swap3A_401] {strides = array<i32>} : memref<256x128xf32, #tpu.memory_space<vmem>>, vector<1x16xf32>,
      %swap3A_403 = vector.shape_cast %swap3A_402 : vector<1x16xf32> to vector<16xf32>
      %swap3A_404 = vector.shape_cast %add3A_399 : vector<16xf32> to vector<1x16xf32>
      tpu.vector_store %arg7[%swap3A_400, %swap3A_401], %swap3A_404 {strides = array<i32>} : memref<256x128xf32, #tpu.memory_space<vmem>>, vector<1x16xf32>,
      %get3A_405 = arith.index_cast %add3A_352 : i32 to index
      %get3A_406 = arith.constant 64 : index
      %get3A_407 = tpu.vector_load %arg7[%get3A_405, %get3A_406] {strides = array<i32>} : memref<256x128xf32, #tpu.memory_space<vmem>>, vector<1x16xf32>,
      %get3A_408 = vector.shape_cast %get3A_407 : vector<1x16xf32> to vector<16xf32>
      %mul3A_409 = arith.constant 11.3137083 : f32
      %mul3A_410 = vector.broadcast %mul3A_409 : f32 to vector<16xf32>
      %mul3A_411 = arith.mulf %get3A_408, %mul3A_410 : vector<16xf32>
      %add3A_412 = arith.addf %mul3A_411, %get3A_229 : vector<16xf32>
      %swap3A_413 = arith.index_cast %add3A_352 : i32 to index
      %swap3A_414 = arith.constant 64 : index
      %swap3A_415 = tpu.vector_load %arg7[%swap3A_413, %swap3A_414] {strides = array<i32>} : memref<256x128xf32, #tpu.memory_space<vmem>>, vector<1x16xf32>,
      %swap3A_416 = vector.shape_cast %swap3A_415 : vector<1x16xf32> to vector<16xf32>
      %swap3A_417 = vector.shape_cast %add3A_412 : vector<16xf32> to vector<1x16xf32>
      tpu.vector_store %arg7[%swap3A_413, %swap3A_414], %swap3A_417 {strides = array<i32>} : memref<256x128xf32, #tpu.memory_space<vmem>>, vector<1x16xf32>,
      %get3A_418 = arith.index_cast %add3A_352 : i32 to index
      %get3A_419 = arith.constant 80 : index
      %get3A_420 = tpu.vector_load %arg7[%get3A_418, %get3A_419] {strides = array<i32>} : memref<256x128xf32, #tpu.memory_space<vmem>>, vector<1x16xf32>,
      %get3A_421 = vector.shape_cast %get3A_420 : vector<1x16xf32> to vector<16xf32>
      %mul3A_422 = arith.constant 11.3137083 : f32
      %mul3A_423 = vector.broadcast %mul3A_422 : f32 to vector<16xf32>
      %mul3A_424 = arith.mulf %get3A_421, %mul3A_423 : vector<16xf32>
      %add3A_425 = arith.addf %mul3A_424, %get3A_233 : vector<16xf32>
      %swap3A_426 = arith.index_cast %add3A_352 : i32 to index
      %swap3A_427 = arith.constant 80 : index
      %swap3A_428 = tpu.vector_load %arg7[%swap3A_426, %swap3A_427] {strides = array<i32>} : memref<256x128xf32, #tpu.memory_space<vmem>>, vector<1x16xf32>,
      %swap3A_429 = vector.shape_cast %swap3A_428 : vector<1x16xf32> to vector<16xf32>
      %swap3A_430 = vector.shape_cast %add3A_425 : vector<16xf32> to vector<1x16xf32>
      tpu.vector_store %arg7[%swap3A_426, %swap3A_427], %swap3A_430 {strides = array<i32>} : memref<256x128xf32, #tpu.memory_space<vmem>>, vector<1x16xf32>,
      %get3A_431 = arith.index_cast %add3A_352 : i32 to index
      %get3A_432 = arith.constant 96 : index
      %get3A_433 = tpu.vector_load %arg7[%get3A_431, %get3A_432] {strides = array<i32>} : memref<256x128xf32, #tpu.memory_space<vmem>>, vector<1x16xf32>,
      %get3A_434 = vector.shape_cast %get3A_433 : vector<1x16xf32> to vector<16xf32>
      %mul3A_435 = arith.constant 11.3137083 : f32
      %mul3A_436 = vector.broadcast %mul3A_435 : f32 to vector<16xf32>
      %mul3A_437 = arith.mulf %get3A_434, %mul3A_436 : vector<16xf32>
      %add3A_438 = arith.addf %mul3A_437, %get3A_237 : vector<16xf32>
      %swap3A_439 = arith.index_cast %add3A_352 : i32 to index
      %swap3A_440 = arith.constant 96 : index
      %swap3A_441 = tpu.vector_load %arg7[%swap3A_439, %swap3A_440] {strides = array<i32>} : memref<256x128xf32, #tpu.memory_space<vmem>>, vector<1x16xf32>,
      %swap3A_442 = vector.shape_cast %swap3A_441 : vector<1x16xf32> to vector<16xf32>
      %swap3A_443 = vector.shape_cast %add3A_438 : vector<16xf32> to vector<1x16xf32>
      tpu.vector_store %arg7[%swap3A_439, %swap3A_440], %swap3A_443 {strides = array<i32>} : memref<256x128xf32, #tpu.memory_space<vmem>>, vector<1x16xf32>,
      %get3A_444 = arith.index_cast %add3A_352 : i32 to index
      %get3A_445 = arith.constant 112 : index
      %get3A_446 = tpu.vector_load %arg7[%get3A_444, %get3A_445] {strides = array<i32>} : memref<256x128xf32, #tpu.memory_space<vmem>>, vector<1x16xf32>,
      %get3A_447 = vector.shape_cast %get3A_446 : vector<1x16xf32> to vector<16xf32>
      %mul3A_448 = arith.constant 11.3137083 : f32
      %mul3A_449 = vector.broadcast %mul3A_448 : f32 to vector<16xf32>
      %mul3A_450 = arith.mulf %get3A_447, %mul3A_449 : vector<16xf32>
      %add3A_451 = arith.addf %mul3A_450, %get3A_241 : vector<16xf32>
      %swap3A_452 = arith.index_cast %add3A_352 : i32 to index
      %swap3A_453 = arith.constant 112 : index
      %swap3A_454 = tpu.vector_load %arg7[%swap3A_452, %swap3A_453] {strides = array<i32>} : memref<256x128xf32, #tpu.memory_space<vmem>>, vector<1x16xf32>,
      %swap3A_455 = vector.shape_cast %swap3A_454 : vector<1x16xf32> to vector<16xf32>
      %swap3A_456 = vector.shape_cast %add3A_451 : vector<16xf32> to vector<1x16xf32>
      tpu.vector_store %arg7[%swap3A_452, %swap3A_453], %swap3A_456 {strides = array<i32>} : memref<256x128xf32, #tpu.memory_space<vmem>>, vector<1x16xf32>,
      %mul3A_457 = arith.constant 4 : i32
      %mul3A_458 = arith.muli %add3A_210, %mul3A_457 : i32
      %add3A_459 = arith.constant 2 : i32
      %add3A_460 = arith.addi %mul3A_458, %add3A_459 : i32
      %get3A_461 = arith.index_cast %add3A_460 : i32 to index
      %get3A_462 = arith.constant 0 : index
      %get3A_463 = tpu.vector_load %arg7[%get3A_461, %get3A_462] {strides = array<i32>} : memref<256x128xf32, #tpu.memory_space<vmem>>, vector<1x16xf32>,
      %get3A_464 = vector.shape_cast %get3A_463 : vector<1x16xf32> to vector<16xf32>
      %mul3A_465 = arith.constant 11.3137083 : f32
      %mul3A_466 = vector.broadcast %mul3A_465 : f32 to vector<16xf32>
      %mul3A_467 = arith.mulf %get3A_464, %mul3A_466 : vector<16xf32>
      %add3A_468 = arith.addf %mul3A_467, %get3A_213 : vector<16xf32>
      %swap3A_469 = arith.index_cast %add3A_460 : i32 to index
      %swap3A_470 = arith.constant 0 : index
      %swap3A_471 = tpu.vector_load %arg7[%swap3A_469, %swap3A_470] {strides = array<i32>} : memref<256x128xf32, #tpu.memory_space<vmem>>, vector<1x16xf32>,
      %swap3A_472 = vector.shape_cast %swap3A_471 : vector<1x16xf32> to vector<16xf32>
      %swap3A_473 = vector.shape_cast %add3A_468 : vector<16xf32> to vector<1x16xf32>
      tpu.vector_store %arg7[%swap3A_469, %swap3A_470], %swap3A_473 {strides = array<i32>} : memref<256x128xf32, #tpu.memory_space<vmem>>, vector<1x16xf32>,
      %get3A_474 = arith.index_cast %add3A_460 : i32 to index
      %get3A_475 = arith.constant 16 : index
      %get3A_476 = tpu.vector_load %arg7[%get3A_474, %get3A_475] {strides = array<i32>} : memref<256x128xf32, #tpu.memory_space<vmem>>, vector<1x16xf32>,
      %get3A_477 = vector.shape_cast %get3A_476 : vector<1x16xf32> to vector<16xf32>
      %mul3A_478 = arith.constant 11.3137083 : f32
      %mul3A_479 = vector.broadcast %mul3A_478 : f32 to vector<16xf32>
      %mul3A_480 = arith.mulf %get3A_477, %mul3A_479 : vector<16xf32>
      %add3A_481 = arith.addf %mul3A_480, %get3A_217 : vector<16xf32>
      %swap3A_482 = arith.index_cast %add3A_460 : i32 to index
      %swap3A_483 = arith.constant 16 : index
      %swap3A_484 = tpu.vector_load %arg7[%swap3A_482, %swap3A_483] {strides = array<i32>} : memref<256x128xf32, #tpu.memory_space<vmem>>, vector<1x16xf32>,
      %swap3A_485 = vector.shape_cast %swap3A_484 : vector<1x16xf32> to vector<16xf32>
      %swap3A_486 = vector.shape_cast %add3A_481 : vector<16xf32> to vector<1x16xf32>
      tpu.vector_store %arg7[%swap3A_482, %swap3A_483], %swap3A_486 {strides = array<i32>} : memref<256x128xf32, #tpu.memory_space<vmem>>, vector<1x16xf32>,
      %get3A_487 = arith.index_cast %add3A_460 : i32 to index
      %get3A_488 = arith.constant 32 : index
      %get3A_489 = tpu.vector_load %arg7[%get3A_487, %get3A_488] {strides = array<i32>} : memref<256x128xf32, #tpu.memory_space<vmem>>, vector<1x16xf32>,
      %get3A_490 = vector.shape_cast %get3A_489 : vector<1x16xf32> to vector<16xf32>
      %mul3A_491 = arith.constant 11.3137083 : f32
      %mul3A_492 = vector.broadcast %mul3A_491 : f32 to vector<16xf32>
      %mul3A_493 = arith.mulf %get3A_490, %mul3A_492 : vector<16xf32>
      %add3A_494 = arith.addf %mul3A_493, %get3A_221 : vector<16xf32>
      %swap3A_495 = arith.index_cast %add3A_460 : i32 to index
      %swap3A_496 = arith.constant 32 : index
      %swap3A_497 = tpu.vector_load %arg7[%swap3A_495, %swap3A_496] {strides = array<i32>} : memref<256x128xf32, #tpu.memory_space<vmem>>, vector<1x16xf32>,
      %swap3A_498 = vector.shape_cast %swap3A_497 : vector<1x16xf32> to vector<16xf32>
      %swap3A_499 = vector.shape_cast %add3A_494 : vector<16xf32> to vector<1x16xf32>
      tpu.vector_store %arg7[%swap3A_495, %swap3A_496], %swap3A_499 {strides = array<i32>} : memref<256x128xf32, #tpu.memory_space<vmem>>, vector<1x16xf32>,
      %get3A_500 = arith.index_cast %add3A_460 : i32 to index
      %get3A_501 = arith.constant 48 : index
      %get3A_502 = tpu.vector_load %arg7[%get3A_500, %get3A_501] {strides = array<i32>} : memref<256x128xf32, #tpu.memory_space<vmem>>, vector<1x16xf32>,
      %get3A_503 = vector.shape_cast %get3A_502 : vector<1x16xf32> to vector<16xf32>
      %mul3A_504 = arith.constant 11.3137083 : f32
      %mul3A_505 = vector.broadcast %mul3A_504 : f32 to vector<16xf32>
      %mul3A_506 = arith.mulf %get3A_503, %mul3A_505 : vector<16xf32>
      %add3A_507 = arith.addf %mul3A_506, %get3A_225 : vector<16xf32>
      %swap3A_508 = arith.index_cast %add3A_460 : i32 to index
      %swap3A_509 = arith.constant 48 : index
      %swap3A_510 = tpu.vector_load %arg7[%swap3A_508, %swap3A_509] {strides = array<i32>} : memref<256x128xf32, #tpu.memory_space<vmem>>, vector<1x16xf32>,
      %swap3A_511 = vector.shape_cast %swap3A_510 : vector<1x16xf32> to vector<16xf32>
      %swap3A_512 = vector.shape_cast %add3A_507 : vector<16xf32> to vector<1x16xf32>
      tpu.vector_store %arg7[%swap3A_508, %swap3A_509], %swap3A_512 {strides = array<i32>} : memref<256x128xf32, #tpu.memory_space<vmem>>, vector<1x16xf32>,
      %get3A_513 = arith.index_cast %add3A_460 : i32 to index
      %get3A_514 = arith.constant 64 : index
      %get3A_515 = tpu.vector_load %arg7[%get3A_513, %get3A_514] {strides = array<i32>} : memref<256x128xf32, #tpu.memory_space<vmem>>, vector<1x16xf32>,
      %get3A_516 = vector.shape_cast %get3A_515 : vector<1x16xf32> to vector<16xf32>
      %mul3A_517 = arith.constant 11.3137083 : f32
      %mul3A_518 = vector.broadcast %mul3A_517 : f32 to vector<16xf32>
      %mul3A_519 = arith.mulf %get3A_516, %mul3A_518 : vector<16xf32>
      %add3A_520 = arith.addf %mul3A_519, %get3A_229 : vector<16xf32>
      %swap3A_521 = arith.index_cast %add3A_460 : i32 to index
      %swap3A_522 = arith.constant 64 : index
      %swap3A_523 = tpu.vector_load %arg7[%swap3A_521, %swap3A_522] {strides = array<i32>} : memref<256x128xf32, #tpu.memory_space<vmem>>, vector<1x16xf32>,
      %swap3A_524 = vector.shape_cast %swap3A_523 : vector<1x16xf32> to vector<16xf32>
      %swap3A_525 = vector.shape_cast %add3A_520 : vector<16xf32> to vector<1x16xf32>
      tpu.vector_store %arg7[%swap3A_521, %swap3A_522], %swap3A_525 {strides = array<i32>} : memref<256x128xf32, #tpu.memory_space<vmem>>, vector<1x16xf32>,
      %get3A_526 = arith.index_cast %add3A_460 : i32 to index
      %get3A_527 = arith.constant 80 : index
      %get3A_528 = tpu.vector_load %arg7[%get3A_526, %get3A_527] {strides = array<i32>} : memref<256x128xf32, #tpu.memory_space<vmem>>, vector<1x16xf32>,
      %get3A_529 = vector.shape_cast %get3A_528 : vector<1x16xf32> to vector<16xf32>
      %mul3A_530 = arith.constant 11.3137083 : f32
      %mul3A_531 = vector.broadcast %mul3A_530 : f32 to vector<16xf32>
      %mul3A_532 = arith.mulf %get3A_529, %mul3A_531 : vector<16xf32>
      %add3A_533 = arith.addf %mul3A_532, %get3A_233 : vector<16xf32>
      %swap3A_534 = arith.index_cast %add3A_460 : i32 to index
      %swap3A_535 = arith.constant 80 : index
      %swap3A_536 = tpu.vector_load %arg7[%swap3A_534, %swap3A_535] {strides = array<i32>} : memref<256x128xf32, #tpu.memory_space<vmem>>, vector<1x16xf32>,
      %swap3A_537 = vector.shape_cast %swap3A_536 : vector<1x16xf32> to vector<16xf32>
      %swap3A_538 = vector.shape_cast %add3A_533 : vector<16xf32> to vector<1x16xf32>
      tpu.vector_store %arg7[%swap3A_534, %swap3A_535], %swap3A_538 {strides = array<i32>} : memref<256x128xf32, #tpu.memory_space<vmem>>, vector<1x16xf32>,
      %get3A_539 = arith.index_cast %add3A_460 : i32 to index
      %get3A_540 = arith.constant 96 : index
      %get3A_541 = tpu.vector_load %arg7[%get3A_539, %get3A_540] {strides = array<i32>} : memref<256x128xf32, #tpu.memory_space<vmem>>, vector<1x16xf32>,
      %get3A_542 = vector.shape_cast %get3A_541 : vector<1x16xf32> to vector<16xf32>
      %mul3A_543 = arith.constant 11.3137083 : f32
      %mul3A_544 = vector.broadcast %mul3A_543 : f32 to vector<16xf32>
      %mul3A_545 = arith.mulf %get3A_542, %mul3A_544 : vector<16xf32>
      %add3A_546 = arith.addf %mul3A_545, %get3A_237 : vector<16xf32>
      %swap3A_547 = arith.index_cast %add3A_460 : i32 to index
      %swap3A_548 = arith.constant 96 : index
      %swap3A_549 = tpu.vector_load %arg7[%swap3A_547, %swap3A_548] {strides = array<i32>} : memref<256x128xf32, #tpu.memory_space<vmem>>, vector<1x16xf32>,
      %swap3A_550 = vector.shape_cast %swap3A_549 : vector<1x16xf32> to vector<16xf32>
      %swap3A_551 = vector.shape_cast %add3A_546 : vector<16xf32> to vector<1x16xf32>
      tpu.vector_store %arg7[%swap3A_547, %swap3A_548], %swap3A_551 {strides = array<i32>} : memref<256x128xf32, #tpu.memory_space<vmem>>, vector<1x16xf32>,
      %get3A_552 = arith.index_cast %add3A_460 : i32 to index
      %get3A_553 = arith.constant 112 : index
      %get3A_554 = tpu.vector_load %arg7[%get3A_552, %get3A_553] {strides = array<i32>} : memref<256x128xf32, #tpu.memory_space<vmem>>, vector<1x16xf32>,
      %get3A_555 = vector.shape_cast %get3A_554 : vector<1x16xf32> to vector<16xf32>
      %mul3A_556 = arith.constant 11.3137083 : f32
      %mul3A_557 = vector.broadcast %mul3A_556 : f32 to vector<16xf32>
      %mul3A_558 = arith.mulf %get3A_555, %mul3A_557 : vector<16xf32>
      %add3A_559 = arith.addf %mul3A_558, %get3A_241 : vector<16xf32>
      %swap3A_560 = arith.index_cast %add3A_460 : i32 to index
      %swap3A_561 = arith.constant 112 : index
      %swap3A_562 = tpu.vector_load %arg7[%swap3A_560, %swap3A_561] {strides = array<i32>} : memref<256x128xf32, #tpu.memory_space<vmem>>, vector<1x16xf32>,
      %swap3A_563 = vector.shape_cast %swap3A_562 : vector<1x16xf32> to vector<16xf32>
      %swap3A_564 = vector.shape_cast %add3A_559 : vector<16xf32> to vector<1x16xf32>
      tpu.vector_store %arg7[%swap3A_560, %swap3A_561], %swap3A_564 {strides = array<i32>} : memref<256x128xf32, #tpu.memory_space<vmem>>, vector<1x16xf32>,
      %mul3A_565 = arith.constant 4 : i32
      %mul3A_566 = arith.muli %add3A_210, %mul3A_565 : i32
      %add3A_567 = arith.constant 3 : i32
      %add3A_568 = arith.addi %mul3A_566, %add3A_567 : i32
      %get3A_569 = arith.index_cast %add3A_568 : i32 to index
      %get3A_570 = arith.constant 0 : index
      %get3A_571 = tpu.vector_load %arg7[%get3A_569, %get3A_570] {strides = array<i32>} : memref<256x128xf32, #tpu.memory_space<vmem>>, vector<1x16xf32>,
      %get3A_572 = vector.shape_cast %get3A_571 : vector<1x16xf32> to vector<16xf32>
      %mul3A_573 = arith.constant 11.3137083 : f32
      %mul3A_574 = vector.broadcast %mul3A_573 : f32 to vector<16xf32>
      %mul3A_575 = arith.mulf %get3A_572, %mul3A_574 : vector<16xf32>
      %add3A_576 = arith.addf %mul3A_575, %get3A_213 : vector<16xf32>
      %swap3A_577 = arith.index_cast %add3A_568 : i32 to index
      %swap3A_578 = arith.constant 0 : index
      %swap3A_579 = tpu.vector_load %arg7[%swap3A_577, %swap3A_578] {strides = array<i32>} : memref<256x128xf32, #tpu.memory_space<vmem>>, vector<1x16xf32>,
      %swap3A_580 = vector.shape_cast %swap3A_579 : vector<1x16xf32> to vector<16xf32>
      %swap3A_581 = vector.shape_cast %add3A_576 : vector<16xf32> to vector<1x16xf32>
      tpu.vector_store %arg7[%swap3A_577, %swap3A_578], %swap3A_581 {strides = array<i32>} : memref<256x128xf32, #tpu.memory_space<vmem>>, vector<1x16xf32>,
      %get3A_582 = arith.index_cast %add3A_568 : i32 to index
      %get3A_583 = arith.constant 16 : index
      %get3A_584 = tpu.vector_load %arg7[%get3A_582, %get3A_583] {strides = array<i32>} : memref<256x128xf32, #tpu.memory_space<vmem>>, vector<1x16xf32>,
      %get3A_585 = vector.shape_cast %get3A_584 : vector<1x16xf32> to vector<16xf32>
      %mul3A_586 = arith.constant 11.3137083 : f32
      %mul3A_587 = vector.broadcast %mul3A_586 : f32 to vector<16xf32>
      %mul3A_588 = arith.mulf %get3A_585, %mul3A_587 : vector<16xf32>
      %add3A_589 = arith.addf %mul3A_588, %get3A_217 : vector<16xf32>
      %swap3A_590 = arith.index_cast %add3A_568 : i32 to index
      %swap3A_591 = arith.constant 16 : index
      %swap3A_592 = tpu.vector_load %arg7[%swap3A_590, %swap3A_591] {strides = array<i32>} : memref<256x128xf32, #tpu.memory_space<vmem>>, vector<1x16xf32>,
      %swap3A_593 = vector.shape_cast %swap3A_592 : vector<1x16xf32> to vector<16xf32>
      %swap3A_594 = vector.shape_cast %add3A_589 : vector<16xf32> to vector<1x16xf32>
      tpu.vector_store %arg7[%swap3A_590, %swap3A_591], %swap3A_594 {strides = array<i32>} : memref<256x128xf32, #tpu.memory_space<vmem>>, vector<1x16xf32>,
      %get3A_595 = arith.index_cast %add3A_568 : i32 to index
      %get3A_596 = arith.constant 32 : index
      %get3A_597 = tpu.vector_load %arg7[%get3A_595, %get3A_596] {strides = array<i32>} : memref<256x128xf32, #tpu.memory_space<vmem>>, vector<1x16xf32>,
      %get3A_598 = vector.shape_cast %get3A_597 : vector<1x16xf32> to vector<16xf32>
      %mul3A_599 = arith.constant 11.3137083 : f32
      %mul3A_600 = vector.broadcast %mul3A_599 : f32 to vector<16xf32>
      %mul3A_601 = arith.mulf %get3A_598, %mul3A_600 : vector<16xf32>
      %add3A_602 = arith.addf %mul3A_601, %get3A_221 : vector<16xf32>
      %swap3A_603 = arith.index_cast %add3A_568 : i32 to index
      %swap3A_604 = arith.constant 32 : index
      %swap3A_605 = tpu.vector_load %arg7[%swap3A_603, %swap3A_604] {strides = array<i32>} : memref<256x128xf32, #tpu.memory_space<vmem>>, vector<1x16xf32>,
      %swap3A_606 = vector.shape_cast %swap3A_605 : vector<1x16xf32> to vector<16xf32>
      %swap3A_607 = vector.shape_cast %add3A_602 : vector<16xf32> to vector<1x16xf32>
      tpu.vector_store %arg7[%swap3A_603, %swap3A_604], %swap3A_607 {strides = array<i32>} : memref<256x128xf32, #tpu.memory_space<vmem>>, vector<1x16xf32>,
      %get3A_608 = arith.index_cast %add3A_568 : i32 to index
      %get3A_609 = arith.constant 48 : index
      %get3A_610 = tpu.vector_load %arg7[%get3A_608, %get3A_609] {strides = array<i32>} : memref<256x128xf32, #tpu.memory_space<vmem>>, vector<1x16xf32>,
      %get3A_611 = vector.shape_cast %get3A_610 : vector<1x16xf32> to vector<16xf32>
      %mul3A_612 = arith.constant 11.3137083 : f32
      %mul3A_613 = vector.broadcast %mul3A_612 : f32 to vector<16xf32>
      %mul3A_614 = arith.mulf %get3A_611, %mul3A_613 : vector<16xf32>
      %add3A_615 = arith.addf %mul3A_614, %get3A_225 : vector<16xf32>
      %swap3A_616 = arith.index_cast %add3A_568 : i32 to index
      %swap3A_617 = arith.constant 48 : index
      %swap3A_618 = tpu.vector_load %arg7[%swap3A_616, %swap3A_617] {strides = array<i32>} : memref<256x128xf32, #tpu.memory_space<vmem>>, vector<1x16xf32>,
      %swap3A_619 = vector.shape_cast %swap3A_618 : vector<1x16xf32> to vector<16xf32>
      %swap3A_620 = vector.shape_cast %add3A_615 : vector<16xf32> to vector<1x16xf32>
      tpu.vector_store %arg7[%swap3A_616, %swap3A_617], %swap3A_620 {strides = array<i32>} : memref<256x128xf32, #tpu.memory_space<vmem>>, vector<1x16xf32>,
      %get3A_621 = arith.index_cast %add3A_568 : i32 to index
      %get3A_622 = arith.constant 64 : index
      %get3A_623 = tpu.vector_load %arg7[%get3A_621, %get3A_622] {strides = array<i32>} : memref<256x128xf32, #tpu.memory_space<vmem>>, vector<1x16xf32>,
      %get3A_624 = vector.shape_cast %get3A_623 : vector<1x16xf32> to vector<16xf32>
      %mul3A_625 = arith.constant 11.3137083 : f32
      %mul3A_626 = vector.broadcast %mul3A_625 : f32 to vector<16xf32>
      %mul3A_627 = arith.mulf %get3A_624, %mul3A_626 : vector<16xf32>
      %add3A_628 = arith.addf %mul3A_627, %get3A_229 : vector<16xf32>
      %swap3A_629 = arith.index_cast %add3A_568 : i32 to index
      %swap3A_630 = arith.constant 64 : index
      %swap3A_631 = tpu.vector_load %arg7[%swap3A_629, %swap3A_630] {strides = array<i32>} : memref<256x128xf32, #tpu.memory_space<vmem>>, vector<1x16xf32>,
      %swap3A_632 = vector.shape_cast %swap3A_631 : vector<1x16xf32> to vector<16xf32>
      %swap3A_633 = vector.shape_cast %add3A_628 : vector<16xf32> to vector<1x16xf32>
      tpu.vector_store %arg7[%swap3A_629, %swap3A_630], %swap3A_633 {strides = array<i32>} : memref<256x128xf32, #tpu.memory_space<vmem>>, vector<1x16xf32>,
      %get3A_634 = arith.index_cast %add3A_568 : i32 to index
      %get3A_635 = arith.constant 80 : index
      %get3A_636 = tpu.vector_load %arg7[%get3A_634, %get3A_635] {strides = array<i32>} : memref<256x128xf32, #tpu.memory_space<vmem>>, vector<1x16xf32>,
      %get3A_637 = vector.shape_cast %get3A_636 : vector<1x16xf32> to vector<16xf32>
      %mul3A_638 = arith.constant 11.3137083 : f32
      %mul3A_639 = vector.broadcast %mul3A_638 : f32 to vector<16xf32>
      %mul3A_640 = arith.mulf %get3A_637, %mul3A_639 : vector<16xf32>
      %add3A_641 = arith.addf %mul3A_640, %get3A_233 : vector<16xf32>
      %swap3A_642 = arith.index_cast %add3A_568 : i32 to index
      %swap3A_643 = arith.constant 80 : index
      %swap3A_644 = tpu.vector_load %arg7[%swap3A_642, %swap3A_643] {strides = array<i32>} : memref<256x128xf32, #tpu.memory_space<vmem>>, vector<1x16xf32>,
      %swap3A_645 = vector.shape_cast %swap3A_644 : vector<1x16xf32> to vector<16xf32>
      %swap3A_646 = vector.shape_cast %add3A_641 : vector<16xf32> to vector<1x16xf32>
      tpu.vector_store %arg7[%swap3A_642, %swap3A_643], %swap3A_646 {strides = array<i32>} : memref<256x128xf32, #tpu.memory_space<vmem>>, vector<1x16xf32>,
      %get3A_647 = arith.index_cast %add3A_568 : i32 to index
      %get3A_648 = arith.constant 96 : index
      %get3A_649 = tpu.vector_load %arg7[%get3A_647, %get3A_648] {strides = array<i32>} : memref<256x128xf32, #tpu.memory_space<vmem>>, vector<1x16xf32>,
      %get3A_650 = vector.shape_cast %get3A_649 : vector<1x16xf32> to vector<16xf32>
      %mul3A_651 = arith.constant 11.3137083 : f32
      %mul3A_652 = vector.broadcast %mul3A_651 : f32 to vector<16xf32>
      %mul3A_653 = arith.mulf %get3A_650, %mul3A_652 : vector<16xf32>
      %add3A_654 = arith.addf %mul3A_653, %get3A_237 : vector<16xf32>
      %swap3A_655 = arith.index_cast %add3A_568 : i32 to index
      %swap3A_656 = arith.constant 96 : index
      %swap3A_657 = tpu.vector_load %arg7[%swap3A_655, %swap3A_656] {strides = array<i32>} : memref<256x128xf32, #tpu.memory_space<vmem>>, vector<1x16xf32>,
      %swap3A_658 = vector.shape_cast %swap3A_657 : vector<1x16xf32> to vector<16xf32>
      %swap3A_659 = vector.shape_cast %add3A_654 : vector<16xf32> to vector<1x16xf32>
      tpu.vector_store %arg7[%swap3A_655, %swap3A_656], %swap3A_659 {strides = array<i32>} : memref<256x128xf32, #tpu.memory_space<vmem>>, vector<1x16xf32>,
      %get3A_660 = arith.index_cast %add3A_568 : i32 to index
      %get3A_661 = arith.constant 112 : index
      %get3A_662 = tpu.vector_load %arg7[%get3A_660, %get3A_661] {strides = array<i32>} : memref<256x128xf32, #tpu.memory_space<vmem>>, vector<1x16xf32>,
      %get3A_663 = vector.shape_cast %get3A_662 : vector<1x16xf32> to vector<16xf32>
      %mul3A_664 = arith.constant 11.3137083 : f32
      %mul3A_665 = vector.broadcast %mul3A_664 : f32 to vector<16xf32>
      %mul3A_666 = arith.mulf %get3A_663, %mul3A_665 : vector<16xf32>
      %add3A_667 = arith.addf %mul3A_666, %get3A_241 : vector<16xf32>
      %swap3A_668 = arith.index_cast %add3A_568 : i32 to index
      %swap3A_669 = arith.constant 112 : index
      %swap3A_670 = tpu.vector_load %arg7[%swap3A_668, %swap3A_669] {strides = array<i32>} : memref<256x128xf32, #tpu.memory_space<vmem>>, vector<1x16xf32>,
      %swap3A_671 = vector.shape_cast %swap3A_670 : vector<1x16xf32> to vector<16xf32>
      %swap3A_672 = vector.shape_cast %add3A_667 : vector<16xf32> to vector<1x16xf32>
      tpu.vector_store %arg7[%swap3A_668, %swap3A_669], %swap3A_672 {strides = array<i32>} : memref<256x128xf32, #tpu.memory_space<vmem>>, vector<1x16xf32>,
    }
    %scan3A_93 = arith.constant 16 : i32
    %mul3A_94 = arith.constant 256 : i32
    %mul3A_95 = arith.muli %add3A, %mul3A_94 : i32
    %add3A_96 = arith.constant 64 : i32
    %add3A_97 = arith.addi %mul3A_95, %add3A_96 : i32
    %dma_start3A_98 = arith.constant 64 : i32
    %dma_start3A_99 = arith.constant 0 : i32
    %dma_start3A_100 = tpu.memref_slice %arg7[%dma_start3A_98, %dma_start3A_99] : memref<256x128xf32, #tpu.memory_space<vmem>> -> memref<64x128xf32, #tpu.memory_space<vmem>>
    %dma_start3A_101 = arith.constant 0 : i32
    %dma_start3A_102 = tpu.memref_slice %arg5[%add3A_97, %dma_start3A_101] : memref<8192x128xf32, #tpu.memory_space<hbm>> -> memref<64x128xf32, #tpu.memory_space<hbm>>
    %dma_start3A_103 = arith.constant 0 : i32
    %dma_start3A_104 = tpu.memref_slice %arg5[%add3A_97, %dma_start3A_103] : memref<8192x128xf32, #tpu.memory_space<hbm>> -> memref<64x128xf32, #tpu.memory_space<hbm>>
    %dma_start3A_105 = arith.constant 64 : i32
    %dma_start3A_106 = arith.constant 0 : i32
    %dma_start3A_107 = tpu.memref_slice %arg7[%dma_start3A_105, %dma_start3A_106] : memref<256x128xf32, #tpu.memory_space<vmem>> -> memref<64x128xf32, #tpu.memory_space<vmem>>
    tpu.enqueue_dma source(%dma_start3A_107 : memref<64x128xf32, #tpu.memory_space<vmem>>) target(%dma_start3A_104 : memref<64x128xf32, #tpu.memory_space<hbm>>) target_semaphore(%arg13 : memref<!tpu.dma_semaphore, #tpu.memory_space<semaphore_mem>>)
    %dma_wait3A_108 = arith.constant 1 : i32
    %dma_wait3A_109 = arith.constant 128 : i32
    %dma_wait3A_110 = arith.constant 0 : i32
    %dma_wait3A_111 = tpu.memref_slice %arg7[%dma_wait3A_109, %dma_wait3A_110] : memref<256x128xf32, #tpu.memory_space<vmem>> -> memref<64x128xf32, #tpu.memory_space<vmem>>
    %dma_wait3A_112 = arith.constant 0 : i32
    %dma_wait3A_113 = tpu.memref_slice %arg6[%dma_wait3A_108, %dma_wait3A_112] : memref<2x128xi32, #tpu.memory_space<vmem>> -> memref<1x64xi32, #tpu.memory_space<vmem>>
    %dma_wait3A_114 = tpu.memref_squeeze %dma_wait3A_113 : memref<1x64xi32, #tpu.memory_space<vmem>> -> memref<64xi32, #tpu.memory_space<vmem>>
    %dma_wait3A_115 = arith.constant 0 : i32
    %dma_wait3A_116 = arith.constant 0 : i32
    %dma_wait3A_117 = tpu.memref_slice %arg3[%dma_wait3A_115, %dma_wait3A_116] : memref<100000x128xf32, #tpu.memory_space<hbm>> -> memref<100000x128xf32, #tpu.memory_space<hbm>>
    tpu.wait_indirect_dma semaphore(%arg11 : memref<!tpu.dma_semaphore, #tpu.memory_space<semaphore_mem>>) src(%dma_wait3A_117 : memref<100000x128xf32, #tpu.memory_space<hbm>>) dst(%dma_wait3A_111 : memref<64x128xf32, #tpu.memory_space<vmem>>)
    %scan3A_118 = arith.constant 0 : i32
    %scan3A_119 = arith.constant 16 : i32
    %scan3A_120 = arith.addi %scan3A_118, %scan3A_119 : i32
    %scan3A_121 = arith.constant 1 : i32
    scf.for %scan3A_206 = %scan3A_118 to %scan3A_120 step %scan3A_121  : i32 {
      %mul3A_207 = arith.constant 1 : i32
      %mul3A_208 = arith.muli %scan3A_206, %mul3A_207 : i32
      %add3A_209 = arith.constant 32 : i32
      %add3A_210 = arith.addi %add3A_209, %mul3A_208 : i32
      %get3A = arith.index_cast %add3A_210 : i32 to index
      %get3A_211 = arith.constant 0 : index
      %get3A_212 = tpu.vector_load %arg8[%get3A, %get3A_211] {strides = array<i32>} : memref<64x128xf32, #tpu.memory_space<vmem>>, vector<1x16xf32>,
      %get3A_213 = vector.shape_cast %get3A_212 : vector<1x16xf32> to vector<16xf32>
      %get3A_214 = arith.index_cast %add3A_210 : i32 to index
      %get3A_215 = arith.constant 16 : index
      %get3A_216 = tpu.vector_load %arg8[%get3A_214, %get3A_215] {strides = array<i32>} : memref<64x128xf32, #tpu.memory_space<vmem>>, vector<1x16xf32>,
      %get3A_217 = vector.shape_cast %get3A_216 : vector<1x16xf32> to vector<16xf32>
      %get3A_218 = arith.index_cast %add3A_210 : i32 to index
      %get3A_219 = arith.constant 32 : index
      %get3A_220 = tpu.vector_load %arg8[%get3A_218, %get3A_219] {strides = array<i32>} : memref<64x128xf32, #tpu.memory_space<vmem>>, vector<1x16xf32>,
      %get3A_221 = vector.shape_cast %get3A_220 : vector<1x16xf32> to vector<16xf32>
      %get3A_222 = arith.index_cast %add3A_210 : i32 to index
      %get3A_223 = arith.constant 48 : index
      %get3A_224 = tpu.vector_load %arg8[%get3A_222, %get3A_223] {strides = array<i32>} : memref<64x128xf32, #tpu.memory_space<vmem>>, vector<1x16xf32>,
      %get3A_225 = vector.shape_cast %get3A_224 : vector<1x16xf32> to vector<16xf32>
      %get3A_226 = arith.index_cast %add3A_210 : i32 to index
      %get3A_227 = arith.constant 64 : index
      %get3A_228 = tpu.vector_load %arg8[%get3A_226, %get3A_227] {strides = array<i32>} : memref<64x128xf32, #tpu.memory_space<vmem>>, vector<1x16xf32>,
      %get3A_229 = vector.shape_cast %get3A_228 : vector<1x16xf32> to vector<16xf32>
      %get3A_230 = arith.index_cast %add3A_210 : i32 to index
      %get3A_231 = arith.constant 80 : index
      %get3A_232 = tpu.vector_load %arg8[%get3A_230, %get3A_231] {strides = array<i32>} : memref<64x128xf32, #tpu.memory_space<vmem>>, vector<1x16xf32>,
      %get3A_233 = vector.shape_cast %get3A_232 : vector<1x16xf32> to vector<16xf32>
      %get3A_234 = arith.index_cast %add3A_210 : i32 to index
      %get3A_235 = arith.constant 96 : index
      %get3A_236 = tpu.vector_load %arg8[%get3A_234, %get3A_235] {strides = array<i32>} : memref<64x128xf32, #tpu.memory_space<vmem>>, vector<1x16xf32>,
      %get3A_237 = vector.shape_cast %get3A_236 : vector<1x16xf32> to vector<16xf32>
      %get3A_238 = arith.index_cast %add3A_210 : i32 to index
      %get3A_239 = arith.constant 112 : index
      %get3A_240 = tpu.vector_load %arg8[%get3A_238, %get3A_239] {strides = array<i32>} : memref<64x128xf32, #tpu.memory_space<vmem>>, vector<1x16xf32>,
      %get3A_241 = vector.shape_cast %get3A_240 : vector<1x16xf32> to vector<16xf32>
      %mul3A_242 = arith.constant 4 : i32
      %mul3A_243 = arith.muli %add3A_210, %mul3A_242 : i32
      %add3A_244 = arith.constant 0 : i32
      %add3A_245 = arith.addi %mul3A_243, %add3A_244 : i32
      %get3A_246 = arith.index_cast %add3A_245 : i32 to index
      %get3A_247 = arith.constant 0 : index
      %get3A_248 = tpu.vector_load %arg7[%get3A_246, %get3A_247] {strides = array<i32>} : memref<256x128xf32, #tpu.memory_space<vmem>>, vector<1x16xf32>,
      %get3A_249 = vector.shape_cast %get3A_248 : vector<1x16xf32> to vector<16xf32>
      %mul3A_250 = arith.constant 11.3137083 : f32
      %mul3A_251 = vector.broadcast %mul3A_250 : f32 to vector<16xf32>
      %mul3A_252 = arith.mulf %get3A_249, %mul3A_251 : vector<16xf32>
      %add3A_253 = arith.addf %mul3A_252, %get3A_213 : vector<16xf32>
      %swap3A = arith.index_cast %add3A_245 : i32 to index
      %swap3A_254 = arith.constant 0 : index
      %swap3A_255 = tpu.vector_load %arg7[%swap3A, %swap3A_254] {strides = array<i32>} : memref<256x128xf32, #tpu.memory_space<vmem>>, vector<1x16xf32>,
      %swap3A_256 = vector.shape_cast %swap3A_255 : vector<1x16xf32> to vector<16xf32>
      %swap3A_257 = vector.shape_cast %add3A_253 : vector<16xf32> to vector<1x16xf32>
      tpu.vector_store %arg7[%swap3A, %swap3A_254], %swap3A_257 {strides = array<i32>} : memref<256x128xf32, #tpu.memory_space<vmem>>, vector<1x16xf32>,
      %get3A_258 = arith.index_cast %add3A_245 : i32 to index
      %get3A_259 = arith.constant 16 : index
      %get3A_260 = tpu.vector_load %arg7[%get3A_258, %get3A_259] {strides = array<i32>} : memref<256x128xf32, #tpu.memory_space<vmem>>, vector<1x16xf32>,
      %get3A_261 = vector.shape_cast %get3A_260 : vector<1x16xf32> to vector<16xf32>
      %mul3A_262 = arith.constant 11.3137083 : f32
      %mul3A_263 = vector.broadcast %mul3A_262 : f32 to vector<16xf32>
      %mul3A_264 = arith.mulf %get3A_261, %mul3A_263 : vector<16xf32>
      %add3A_265 = arith.addf %mul3A_264, %get3A_217 : vector<16xf32>
      %swap3A_266 = arith.index_cast %add3A_245 : i32 to index
      %swap3A_267 = arith.constant 16 : index
      %swap3A_268 = tpu.vector_load %arg7[%swap3A_266, %swap3A_267] {strides = array<i32>} : memref<256x128xf32, #tpu.memory_space<vmem>>, vector<1x16xf32>,
      %swap3A_269 = vector.shape_cast %swap3A_268 : vector<1x16xf32> to vector<16xf32>
      %swap3A_270 = vector.shape_cast %add3A_265 : vector<16xf32> to vector<1x16xf32>
      tpu.vector_store %arg7[%swap3A_266, %swap3A_267], %swap3A_270 {strides = array<i32>} : memref<256x128xf32, #tpu.memory_space<vmem>>, vector<1x16xf32>,
      %get3A_271 = arith.index_cast %add3A_245 : i32 to index
      %get3A_272 = arith.constant 32 : index
      %get3A_273 = tpu.vector_load %arg7[%get3A_271, %get3A_272] {strides = array<i32>} : memref<256x128xf32, #tpu.memory_space<vmem>>, vector<1x16xf32>,
      %get3A_274 = vector.shape_cast %get3A_273 : vector<1x16xf32> to vector<16xf32>
      %mul3A_275 = arith.constant 11.3137083 : f32
      %mul3A_276 = vector.broadcast %mul3A_275 : f32 to vector<16xf32>
      %mul3A_277 = arith.mulf %get3A_274, %mul3A_276 : vector<16xf32>
      %add3A_278 = arith.addf %mul3A_277, %get3A_221 : vector<16xf32>
      %swap3A_279 = arith.index_cast %add3A_245 : i32 to index
      %swap3A_280 = arith.constant 32 : index
      %swap3A_281 = tpu.vector_load %arg7[%swap3A_279, %swap3A_280] {strides = array<i32>} : memref<256x128xf32, #tpu.memory_space<vmem>>, vector<1x16xf32>,
      %swap3A_282 = vector.shape_cast %swap3A_281 : vector<1x16xf32> to vector<16xf32>
      %swap3A_283 = vector.shape_cast %add3A_278 : vector<16xf32> to vector<1x16xf32>
      tpu.vector_store %arg7[%swap3A_279, %swap3A_280], %swap3A_283 {strides = array<i32>} : memref<256x128xf32, #tpu.memory_space<vmem>>, vector<1x16xf32>,
      %get3A_284 = arith.index_cast %add3A_245 : i32 to index
      %get3A_285 = arith.constant 48 : index
      %get3A_286 = tpu.vector_load %arg7[%get3A_284, %get3A_285] {strides = array<i32>} : memref<256x128xf32, #tpu.memory_space<vmem>>, vector<1x16xf32>,
      %get3A_287 = vector.shape_cast %get3A_286 : vector<1x16xf32> to vector<16xf32>
      %mul3A_288 = arith.constant 11.3137083 : f32
      %mul3A_289 = vector.broadcast %mul3A_288 : f32 to vector<16xf32>
      %mul3A_290 = arith.mulf %get3A_287, %mul3A_289 : vector<16xf32>
      %add3A_291 = arith.addf %mul3A_290, %get3A_225 : vector<16xf32>
      %swap3A_292 = arith.index_cast %add3A_245 : i32 to index
      %swap3A_293 = arith.constant 48 : index
      %swap3A_294 = tpu.vector_load %arg7[%swap3A_292, %swap3A_293] {strides = array<i32>} : memref<256x128xf32, #tpu.memory_space<vmem>>, vector<1x16xf32>,
      %swap3A_295 = vector.shape_cast %swap3A_294 : vector<1x16xf32> to vector<16xf32>
      %swap3A_296 = vector.shape_cast %add3A_291 : vector<16xf32> to vector<1x16xf32>
      tpu.vector_store %arg7[%swap3A_292, %swap3A_293], %swap3A_296 {strides = array<i32>} : memref<256x128xf32, #tpu.memory_space<vmem>>, vector<1x16xf32>,
      %get3A_297 = arith.index_cast %add3A_245 : i32 to index
      %get3A_298 = arith.constant 64 : index
      %get3A_299 = tpu.vector_load %arg7[%get3A_297, %get3A_298] {strides = array<i32>} : memref<256x128xf32, #tpu.memory_space<vmem>>, vector<1x16xf32>,
      %get3A_300 = vector.shape_cast %get3A_299 : vector<1x16xf32> to vector<16xf32>
      %mul3A_301 = arith.constant 11.3137083 : f32
      %mul3A_302 = vector.broadcast %mul3A_301 : f32 to vector<16xf32>
      %mul3A_303 = arith.mulf %get3A_300, %mul3A_302 : vector<16xf32>
      %add3A_304 = arith.addf %mul3A_303, %get3A_229 : vector<16xf32>
      %swap3A_305 = arith.index_cast %add3A_245 : i32 to index
      %swap3A_306 = arith.constant 64 : index
      %swap3A_307 = tpu.vector_load %arg7[%swap3A_305, %swap3A_306] {strides = array<i32>} : memref<256x128xf32, #tpu.memory_space<vmem>>, vector<1x16xf32>,
      %swap3A_308 = vector.shape_cast %swap3A_307 : vector<1x16xf32> to vector<16xf32>
      %swap3A_309 = vector.shape_cast %add3A_304 : vector<16xf32> to vector<1x16xf32>
      tpu.vector_store %arg7[%swap3A_305, %swap3A_306], %swap3A_309 {strides = array<i32>} : memref<256x128xf32, #tpu.memory_space<vmem>>, vector<1x16xf32>,
      %get3A_310 = arith.index_cast %add3A_245 : i32 to index
      %get3A_311 = arith.constant 80 : index
      %get3A_312 = tpu.vector_load %arg7[%get3A_310, %get3A_311] {strides = array<i32>} : memref<256x128xf32, #tpu.memory_space<vmem>>, vector<1x16xf32>,
      %get3A_313 = vector.shape_cast %get3A_312 : vector<1x16xf32> to vector<16xf32>
      %mul3A_314 = arith.constant 11.3137083 : f32
      %mul3A_315 = vector.broadcast %mul3A_314 : f32 to vector<16xf32>
      %mul3A_316 = arith.mulf %get3A_313, %mul3A_315 : vector<16xf32>
      %add3A_317 = arith.addf %mul3A_316, %get3A_233 : vector<16xf32>
      %swap3A_318 = arith.index_cast %add3A_245 : i32 to index
      %swap3A_319 = arith.constant 80 : index
      %swap3A_320 = tpu.vector_load %arg7[%swap3A_318, %swap3A_319] {strides = array<i32>} : memref<256x128xf32, #tpu.memory_space<vmem>>, vector<1x16xf32>,
      %swap3A_321 = vector.shape_cast %swap3A_320 : vector<1x16xf32> to vector<16xf32>
      %swap3A_322 = vector.shape_cast %add3A_317 : vector<16xf32> to vector<1x16xf32>
      tpu.vector_store %arg7[%swap3A_318, %swap3A_319], %swap3A_322 {strides = array<i32>} : memref<256x128xf32, #tpu.memory_space<vmem>>, vector<1x16xf32>,
      %get3A_323 = arith.index_cast %add3A_245 : i32 to index
      %get3A_324 = arith.constant 96 : index
      %get3A_325 = tpu.vector_load %arg7[%get3A_323, %get3A_324] {strides = array<i32>} : memref<256x128xf32, #tpu.memory_space<vmem>>, vector<1x16xf32>,
      %get3A_326 = vector.shape_cast %get3A_325 : vector<1x16xf32> to vector<16xf32>
      %mul3A_327 = arith.constant 11.3137083 : f32
      %mul3A_328 = vector.broadcast %mul3A_327 : f32 to vector<16xf32>
      %mul3A_329 = arith.mulf %get3A_326, %mul3A_328 : vector<16xf32>
      %add3A_330 = arith.addf %mul3A_329, %get3A_237 : vector<16xf32>
      %swap3A_331 = arith.index_cast %add3A_245 : i32 to index
      %swap3A_332 = arith.constant 96 : index
      %swap3A_333 = tpu.vector_load %arg7[%swap3A_331, %swap3A_332] {strides = array<i32>} : memref<256x128xf32, #tpu.memory_space<vmem>>, vector<1x16xf32>,
      %swap3A_334 = vector.shape_cast %swap3A_333 : vector<1x16xf32> to vector<16xf32>
      %swap3A_335 = vector.shape_cast %add3A_330 : vector<16xf32> to vector<1x16xf32>
      tpu.vector_store %arg7[%swap3A_331, %swap3A_332], %swap3A_335 {strides = array<i32>} : memref<256x128xf32, #tpu.memory_space<vmem>>, vector<1x16xf32>,
      %get3A_336 = arith.index_cast %add3A_245 : i32 to index
      %get3A_337 = arith.constant 112 : index
      %get3A_338 = tpu.vector_load %arg7[%get3A_336, %get3A_337] {strides = array<i32>} : memref<256x128xf32, #tpu.memory_space<vmem>>, vector<1x16xf32>,
      %get3A_339 = vector.shape_cast %get3A_338 : vector<1x16xf32> to vector<16xf32>
      %mul3A_340 = arith.constant 11.3137083 : f32
      %mul3A_341 = vector.broadcast %mul3A_340 : f32 to vector<16xf32>
      %mul3A_342 = arith.mulf %get3A_339, %mul3A_341 : vector<16xf32>
      %add3A_343 = arith.addf %mul3A_342, %get3A_241 : vector<16xf32>
      %swap3A_344 = arith.index_cast %add3A_245 : i32 to index
      %swap3A_345 = arith.constant 112 : index
      %swap3A_346 = tpu.vector_load %arg7[%swap3A_344, %swap3A_345] {strides = array<i32>} : memref<256x128xf32, #tpu.memory_space<vmem>>, vector<1x16xf32>,
      %swap3A_347 = vector.shape_cast %swap3A_346 : vector<1x16xf32> to vector<16xf32>
      %swap3A_348 = vector.shape_cast %add3A_343 : vector<16xf32> to vector<1x16xf32>
      tpu.vector_store %arg7[%swap3A_344, %swap3A_345], %swap3A_348 {strides = array<i32>} : memref<256x128xf32, #tpu.memory_space<vmem>>, vector<1x16xf32>,
      %mul3A_349 = arith.constant 4 : i32
      %mul3A_350 = arith.muli %add3A_210, %mul3A_349 : i32
      %add3A_351 = arith.constant 1 : i32
      %add3A_352 = arith.addi %mul3A_350, %add3A_351 : i32
      %get3A_353 = arith.index_cast %add3A_352 : i32 to index
      %get3A_354 = arith.constant 0 : index
      %get3A_355 = tpu.vector_load %arg7[%get3A_353, %get3A_354] {strides = array<i32>} : memref<256x128xf32, #tpu.memory_space<vmem>>, vector<1x16xf32>,
      %get3A_356 = vector.shape_cast %get3A_355 : vector<1x16xf32> to vector<16xf32>
      %mul3A_357 = arith.constant 11.3137083 : f32
      %mul3A_358 = vector.broadcast %mul3A_357 : f32 to vector<16xf32>
      %mul3A_359 = arith.mulf %get3A_356, %mul3A_358 : vector<16xf32>
      %add3A_360 = arith.addf %mul3A_359, %get3A_213 : vector<16xf32>
      %swap3A_361 = arith.index_cast %add3A_352 : i32 to index
      %swap3A_362 = arith.constant 0 : index
      %swap3A_363 = tpu.vector_load %arg7[%swap3A_361, %swap3A_362] {strides = array<i32>} : memref<256x128xf32, #tpu.memory_space<vmem>>, vector<1x16xf32>,
      %swap3A_364 = vector.shape_cast %swap3A_363 : vector<1x16xf32> to vector<16xf32>
      %swap3A_365 = vector.shape_cast %add3A_360 : vector<16xf32> to vector<1x16xf32>
      tpu.vector_store %arg7[%swap3A_361, %swap3A_362], %swap3A_365 {strides = array<i32>} : memref<256x128xf32, #tpu.memory_space<vmem>>, vector<1x16xf32>,
      %get3A_366 = arith.index_cast %add3A_352 : i32 to index
      %get3A_367 = arith.constant 16 : index
      %get3A_368 = tpu.vector_load %arg7[%get3A_366, %get3A_367] {strides = array<i32>} : memref<256x128xf32, #tpu.memory_space<vmem>>, vector<1x16xf32>,
      %get3A_369 = vector.shape_cast %get3A_368 : vector<1x16xf32> to vector<16xf32>
      %mul3A_370 = arith.constant 11.3137083 : f32
      %mul3A_371 = vector.broadcast %mul3A_370 : f32 to vector<16xf32>
      %mul3A_372 = arith.mulf %get3A_369, %mul3A_371 : vector<16xf32>
      %add3A_373 = arith.addf %mul3A_372, %get3A_217 : vector<16xf32>
      %swap3A_374 = arith.index_cast %add3A_352 : i32 to index
      %swap3A_375 = arith.constant 16 : index
      %swap3A_376 = tpu.vector_load %arg7[%swap3A_374, %swap3A_375] {strides = array<i32>} : memref<256x128xf32, #tpu.memory_space<vmem>>, vector<1x16xf32>,
      %swap3A_377 = vector.shape_cast %swap3A_376 : vector<1x16xf32> to vector<16xf32>
      %swap3A_378 = vector.shape_cast %add3A_373 : vector<16xf32> to vector<1x16xf32>
      tpu.vector_store %arg7[%swap3A_374, %swap3A_375], %swap3A_378 {strides = array<i32>} : memref<256x128xf32, #tpu.memory_space<vmem>>, vector<1x16xf32>,
      %get3A_379 = arith.index_cast %add3A_352 : i32 to index
      %get3A_380 = arith.constant 32 : index
      %get3A_381 = tpu.vector_load %arg7[%get3A_379, %get3A_380] {strides = array<i32>} : memref<256x128xf32, #tpu.memory_space<vmem>>, vector<1x16xf32>,
      %get3A_382 = vector.shape_cast %get3A_381 : vector<1x16xf32> to vector<16xf32>
      %mul3A_383 = arith.constant 11.3137083 : f32
      %mul3A_384 = vector.broadcast %mul3A_383 : f32 to vector<16xf32>
      %mul3A_385 = arith.mulf %get3A_382, %mul3A_384 : vector<16xf32>
      %add3A_386 = arith.addf %mul3A_385, %get3A_221 : vector<16xf32>
      %swap3A_387 = arith.index_cast %add3A_352 : i32 to index
      %swap3A_388 = arith.constant 32 : index
      %swap3A_389 = tpu.vector_load %arg7[%swap3A_387, %swap3A_388] {strides = array<i32>} : memref<256x128xf32, #tpu.memory_space<vmem>>, vector<1x16xf32>,
      %swap3A_390 = vector.shape_cast %swap3A_389 : vector<1x16xf32> to vector<16xf32>
      %swap3A_391 = vector.shape_cast %add3A_386 : vector<16xf32> to vector<1x16xf32>
      tpu.vector_store %arg7[%swap3A_387, %swap3A_388], %swap3A_391 {strides = array<i32>} : memref<256x128xf32, #tpu.memory_space<vmem>>, vector<1x16xf32>,
      %get3A_392 = arith.index_cast %add3A_352 : i32 to index
      %get3A_393 = arith.constant 48 : index
      %get3A_394 = tpu.vector_load %arg7[%get3A_392, %get3A_393] {strides = array<i32>} : memref<256x128xf32, #tpu.memory_space<vmem>>, vector<1x16xf32>,
      %get3A_395 = vector.shape_cast %get3A_394 : vector<1x16xf32> to vector<16xf32>
      %mul3A_396 = arith.constant 11.3137083 : f32
      %mul3A_397 = vector.broadcast %mul3A_396 : f32 to vector<16xf32>
      %mul3A_398 = arith.mulf %get3A_395, %mul3A_397 : vector<16xf32>
      %add3A_399 = arith.addf %mul3A_398, %get3A_225 : vector<16xf32>
      %swap3A_400 = arith.index_cast %add3A_352 : i32 to index
      %swap3A_401 = arith.constant 48 : index
      %swap3A_402 = tpu.vector_load %arg7[%swap3A_400, %swap3A_401] {strides = array<i32>} : memref<256x128xf32, #tpu.memory_space<vmem>>, vector<1x16xf32>,
      %swap3A_403 = vector.shape_cast %swap3A_402 : vector<1x16xf32> to vector<16xf32>
      %swap3A_404 = vector.shape_cast %add3A_399 : vector<16xf32> to vector<1x16xf32>
      tpu.vector_store %arg7[%swap3A_400, %swap3A_401], %swap3A_404 {strides = array<i32>} : memref<256x128xf32, #tpu.memory_space<vmem>>, vector<1x16xf32>,
      %get3A_405 = arith.index_cast %add3A_352 : i32 to index
      %get3A_406 = arith.constant 64 : index
      %get3A_407 = tpu.vector_load %arg7[%get3A_405, %get3A_406] {strides = array<i32>} : memref<256x128xf32, #tpu.memory_space<vmem>>, vector<1x16xf32>,
      %get3A_408 = vector.shape_cast %get3A_407 : vector<1x16xf32> to vector<16xf32>
      %mul3A_409 = arith.constant 11.3137083 : f32
      %mul3A_410 = vector.broadcast %mul3A_409 : f32 to vector<16xf32>
      %mul3A_411 = arith.mulf %get3A_408, %mul3A_410 : vector<16xf32>
      %add3A_412 = arith.addf %mul3A_411, %get3A_229 : vector<16xf32>
      %swap3A_413 = arith.index_cast %add3A_352 : i32 to index
      %swap3A_414 = arith.constant 64 : index
      %swap3A_415 = tpu.vector_load %arg7[%swap3A_413, %swap3A_414] {strides = array<i32>} : memref<256x128xf32, #tpu.memory_space<vmem>>, vector<1x16xf32>,
      %swap3A_416 = vector.shape_cast %swap3A_415 : vector<1x16xf32> to vector<16xf32>
      %swap3A_417 = vector.shape_cast %add3A_412 : vector<16xf32> to vector<1x16xf32>
      tpu.vector_store %arg7[%swap3A_413, %swap3A_414], %swap3A_417 {strides = array<i32>} : memref<256x128xf32, #tpu.memory_space<vmem>>, vector<1x16xf32>,
      %get3A_418 = arith.index_cast %add3A_352 : i32 to index
      %get3A_419 = arith.constant 80 : index
      %get3A_420 = tpu.vector_load %arg7[%get3A_418, %get3A_419] {strides = array<i32>} : memref<256x128xf32, #tpu.memory_space<vmem>>, vector<1x16xf32>,
      %get3A_421 = vector.shape_cast %get3A_420 : vector<1x16xf32> to vector<16xf32>
      %mul3A_422 = arith.constant 11.3137083 : f32
      %mul3A_423 = vector.broadcast %mul3A_422 : f32 to vector<16xf32>
      %mul3A_424 = arith.mulf %get3A_421, %mul3A_423 : vector<16xf32>
      %add3A_425 = arith.addf %mul3A_424, %get3A_233 : vector<16xf32>
      %swap3A_426 = arith.index_cast %add3A_352 : i32 to index
      %swap3A_427 = arith.constant 80 : index
      %swap3A_428 = tpu.vector_load %arg7[%swap3A_426, %swap3A_427] {strides = array<i32>} : memref<256x128xf32, #tpu.memory_space<vmem>>, vector<1x16xf32>,
      %swap3A_429 = vector.shape_cast %swap3A_428 : vector<1x16xf32> to vector<16xf32>
      %swap3A_430 = vector.shape_cast %add3A_425 : vector<16xf32> to vector<1x16xf32>
      tpu.vector_store %arg7[%swap3A_426, %swap3A_427], %swap3A_430 {strides = array<i32>} : memref<256x128xf32, #tpu.memory_space<vmem>>, vector<1x16xf32>,
      %get3A_431 = arith.index_cast %add3A_352 : i32 to index
      %get3A_432 = arith.constant 96 : index
      %get3A_433 = tpu.vector_load %arg7[%get3A_431, %get3A_432] {strides = array<i32>} : memref<256x128xf32, #tpu.memory_space<vmem>>, vector<1x16xf32>,
      %get3A_434 = vector.shape_cast %get3A_433 : vector<1x16xf32> to vector<16xf32>
      %mul3A_435 = arith.constant 11.3137083 : f32
      %mul3A_436 = vector.broadcast %mul3A_435 : f32 to vector<16xf32>
      %mul3A_437 = arith.mulf %get3A_434, %mul3A_436 : vector<16xf32>
      %add3A_438 = arith.addf %mul3A_437, %get3A_237 : vector<16xf32>
      %swap3A_439 = arith.index_cast %add3A_352 : i32 to index
      %swap3A_440 = arith.constant 96 : index
      %swap3A_441 = tpu.vector_load %arg7[%swap3A_439, %swap3A_440] {strides = array<i32>} : memref<256x128xf32, #tpu.memory_space<vmem>>, vector<1x16xf32>,
      %swap3A_442 = vector.shape_cast %swap3A_441 : vector<1x16xf32> to vector<16xf32>
      %swap3A_443 = vector.shape_cast %add3A_438 : vector<16xf32> to vector<1x16xf32>
      tpu.vector_store %arg7[%swap3A_439, %swap3A_440], %swap3A_443 {strides = array<i32>} : memref<256x128xf32, #tpu.memory_space<vmem>>, vector<1x16xf32>,
      %get3A_444 = arith.index_cast %add3A_352 : i32 to index
      %get3A_445 = arith.constant 112 : index
      %get3A_446 = tpu.vector_load %arg7[%get3A_444, %get3A_445] {strides = array<i32>} : memref<256x128xf32, #tpu.memory_space<vmem>>, vector<1x16xf32>,
      %get3A_447 = vector.shape_cast %get3A_446 : vector<1x16xf32> to vector<16xf32>
      %mul3A_448 = arith.constant 11.3137083 : f32
      %mul3A_449 = vector.broadcast %mul3A_448 : f32 to vector<16xf32>
      %mul3A_450 = arith.mulf %get3A_447, %mul3A_449 : vector<16xf32>
      %add3A_451 = arith.addf %mul3A_450, %get3A_241 : vector<16xf32>
      %swap3A_452 = arith.index_cast %add3A_352 : i32 to index
      %swap3A_453 = arith.constant 112 : index
      %swap3A_454 = tpu.vector_load %arg7[%swap3A_452, %swap3A_453] {strides = array<i32>} : memref<256x128xf32, #tpu.memory_space<vmem>>, vector<1x16xf32>,
      %swap3A_455 = vector.shape_cast %swap3A_454 : vector<1x16xf32> to vector<16xf32>
      %swap3A_456 = vector.shape_cast %add3A_451 : vector<16xf32> to vector<1x16xf32>
      tpu.vector_store %arg7[%swap3A_452, %swap3A_453], %swap3A_456 {strides = array<i32>} : memref<256x128xf32, #tpu.memory_space<vmem>>, vector<1x16xf32>,
      %mul3A_457 = arith.constant 4 : i32
      %mul3A_458 = arith.muli %add3A_210, %mul3A_457 : i32
      %add3A_459 = arith.constant 2 : i32
      %add3A_460 = arith.addi %mul3A_458, %add3A_459 : i32
      %get3A_461 = arith.index_cast %add3A_460 : i32 to index
      %get3A_462 = arith.constant 0 : index
      %get3A_463 = tpu.vector_load %arg7[%get3A_461, %get3A_462] {strides = array<i32>} : memref<256x128xf32, #tpu.memory_space<vmem>>, vector<1x16xf32>,
      %get3A_464 = vector.shape_cast %get3A_463 : vector<1x16xf32> to vector<16xf32>
      %mul3A_465 = arith.constant 11.3137083 : f32
      %mul3A_466 = vector.broadcast %mul3A_465 : f32 to vector<16xf32>
      %mul3A_467 = arith.mulf %get3A_464, %mul3A_466 : vector<16xf32>
      %add3A_468 = arith.addf %mul3A_467, %get3A_213 : vector<16xf32>
      %swap3A_469 = arith.index_cast %add3A_460 : i32 to index
      %swap3A_470 = arith.constant 0 : index
      %swap3A_471 = tpu.vector_load %arg7[%swap3A_469, %swap3A_470] {strides = array<i32>} : memref<256x128xf32, #tpu.memory_space<vmem>>, vector<1x16xf32>,
      %swap3A_472 = vector.shape_cast %swap3A_471 : vector<1x16xf32> to vector<16xf32>
      %swap3A_473 = vector.shape_cast %add3A_468 : vector<16xf32> to vector<1x16xf32>
      tpu.vector_store %arg7[%swap3A_469, %swap3A_470], %swap3A_473 {strides = array<i32>} : memref<256x128xf32, #tpu.memory_space<vmem>>, vector<1x16xf32>,
      %get3A_474 = arith.index_cast %add3A_460 : i32 to index
      %get3A_475 = arith.constant 16 : index
      %get3A_476 = tpu.vector_load %arg7[%get3A_474, %get3A_475] {strides = array<i32>} : memref<256x128xf32, #tpu.memory_space<vmem>>, vector<1x16xf32>,
      %get3A_477 = vector.shape_cast %get3A_476 : vector<1x16xf32> to vector<16xf32>
      %mul3A_478 = arith.constant 11.3137083 : f32
      %mul3A_479 = vector.broadcast %mul3A_478 : f32 to vector<16xf32>
      %mul3A_480 = arith.mulf %get3A_477, %mul3A_479 : vector<16xf32>
      %add3A_481 = arith.addf %mul3A_480, %get3A_217 : vector<16xf32>
      %swap3A_482 = arith.index_cast %add3A_460 : i32 to index
      %swap3A_483 = arith.constant 16 : index
      %swap3A_484 = tpu.vector_load %arg7[%swap3A_482, %swap3A_483] {strides = array<i32>} : memref<256x128xf32, #tpu.memory_space<vmem>>, vector<1x16xf32>,
      %swap3A_485 = vector.shape_cast %swap3A_484 : vector<1x16xf32> to vector<16xf32>
      %swap3A_486 = vector.shape_cast %add3A_481 : vector<16xf32> to vector<1x16xf32>
      tpu.vector_store %arg7[%swap3A_482, %swap3A_483], %swap3A_486 {strides = array<i32>} : memref<256x128xf32, #tpu.memory_space<vmem>>, vector<1x16xf32>,
      %get3A_487 = arith.index_cast %add3A_460 : i32 to index
      %get3A_488 = arith.constant 32 : index
      %get3A_489 = tpu.vector_load %arg7[%get3A_487, %get3A_488] {strides = array<i32>} : memref<256x128xf32, #tpu.memory_space<vmem>>, vector<1x16xf32>,
      %get3A_490 = vector.shape_cast %get3A_489 : vector<1x16xf32> to vector<16xf32>
      %mul3A_491 = arith.constant 11.3137083 : f32
      %mul3A_492 = vector.broadcast %mul3A_491 : f32 to vector<16xf32>
      %mul3A_493 = arith.mulf %get3A_490, %mul3A_492 : vector<16xf32>
      %add3A_494 = arith.addf %mul3A_493, %get3A_221 : vector<16xf32>
      %swap3A_495 = arith.index_cast %add3A_460 : i32 to index
      %swap3A_496 = arith.constant 32 : index
      %swap3A_497 = tpu.vector_load %arg7[%swap3A_495, %swap3A_496] {strides = array<i32>} : memref<256x128xf32, #tpu.memory_space<vmem>>, vector<1x16xf32>,
      %swap3A_498 = vector.shape_cast %swap3A_497 : vector<1x16xf32> to vector<16xf32>
      %swap3A_499 = vector.shape_cast %add3A_494 : vector<16xf32> to vector<1x16xf32>
      tpu.vector_store %arg7[%swap3A_495, %swap3A_496], %swap3A_499 {strides = array<i32>} : memref<256x128xf32, #tpu.memory_space<vmem>>, vector<1x16xf32>,
      %get3A_500 = arith.index_cast %add3A_460 : i32 to index
      %get3A_501 = arith.constant 48 : index
      %get3A_502 = tpu.vector_load %arg7[%get3A_500, %get3A_501] {strides = array<i32>} : memref<256x128xf32, #tpu.memory_space<vmem>>, vector<1x16xf32>,
      %get3A_503 = vector.shape_cast %get3A_502 : vector<1x16xf32> to vector<16xf32>
      %mul3A_504 = arith.constant 11.3137083 : f32
      %mul3A_505 = vector.broadcast %mul3A_504 : f32 to vector<16xf32>
      %mul3A_506 = arith.mulf %get3A_503, %mul3A_505 : vector<16xf32>
      %add3A_507 = arith.addf %mul3A_506, %get3A_225 : vector<16xf32>
      %swap3A_508 = arith.index_cast %add3A_460 : i32 to index
      %swap3A_509 = arith.constant 48 : index
      %swap3A_510 = tpu.vector_load %arg7[%swap3A_508, %swap3A_509] {strides = array<i32>} : memref<256x128xf32, #tpu.memory_space<vmem>>, vector<1x16xf32>,
      %swap3A_511 = vector.shape_cast %swap3A_510 : vector<1x16xf32> to vector<16xf32>
      %swap3A_512 = vector.shape_cast %add3A_507 : vector<16xf32> to vector<1x16xf32>
      tpu.vector_store %arg7[%swap3A_508, %swap3A_509], %swap3A_512 {strides = array<i32>} : memref<256x128xf32, #tpu.memory_space<vmem>>, vector<1x16xf32>,
      %get3A_513 = arith.index_cast %add3A_460 : i32 to index
      %get3A_514 = arith.constant 64 : index
      %get3A_515 = tpu.vector_load %arg7[%get3A_513, %get3A_514] {strides = array<i32>} : memref<256x128xf32, #tpu.memory_space<vmem>>, vector<1x16xf32>,
      %get3A_516 = vector.shape_cast %get3A_515 : vector<1x16xf32> to vector<16xf32>
      %mul3A_517 = arith.constant 11.3137083 : f32
      %mul3A_518 = vector.broadcast %mul3A_517 : f32 to vector<16xf32>
      %mul3A_519 = arith.mulf %get3A_516, %mul3A_518 : vector<16xf32>
      %add3A_520 = arith.addf %mul3A_519, %get3A_229 : vector<16xf32>
      %swap3A_521 = arith.index_cast %add3A_460 : i32 to index
      %swap3A_522 = arith.constant 64 : index
      %swap3A_523 = tpu.vector_load %arg7[%swap3A_521, %swap3A_522] {strides = array<i32>} : memref<256x128xf32, #tpu.memory_space<vmem>>, vector<1x16xf32>,
      %swap3A_524 = vector.shape_cast %swap3A_523 : vector<1x16xf32> to vector<16xf32>
      %swap3A_525 = vector.shape_cast %add3A_520 : vector<16xf32> to vector<1x16xf32>
      tpu.vector_store %arg7[%swap3A_521, %swap3A_522], %swap3A_525 {strides = array<i32>} : memref<256x128xf32, #tpu.memory_space<vmem>>, vector<1x16xf32>,
      %get3A_526 = arith.index_cast %add3A_460 : i32 to index
      %get3A_527 = arith.constant 80 : index
      %get3A_528 = tpu.vector_load %arg7[%get3A_526, %get3A_527] {strides = array<i32>} : memref<256x128xf32, #tpu.memory_space<vmem>>, vector<1x16xf32>,
      %get3A_529 = vector.shape_cast %get3A_528 : vector<1x16xf32> to vector<16xf32>
      %mul3A_530 = arith.constant 11.3137083 : f32
      %mul3A_531 = vector.broadcast %mul3A_530 : f32 to vector<16xf32>
      %mul3A_532 = arith.mulf %get3A_529, %mul3A_531 : vector<16xf32>
      %add3A_533 = arith.addf %mul3A_532, %get3A_233 : vector<16xf32>
      %swap3A_534 = arith.index_cast %add3A_460 : i32 to index
      %swap3A_535 = arith.constant 80 : index
      %swap3A_536 = tpu.vector_load %arg7[%swap3A_534, %swap3A_535] {strides = array<i32>} : memref<256x128xf32, #tpu.memory_space<vmem>>, vector<1x16xf32>,
      %swap3A_537 = vector.shape_cast %swap3A_536 : vector<1x16xf32> to vector<16xf32>
      %swap3A_538 = vector.shape_cast %add3A_533 : vector<16xf32> to vector<1x16xf32>
      tpu.vector_store %arg7[%swap3A_534, %swap3A_535], %swap3A_538 {strides = array<i32>} : memref<256x128xf32, #tpu.memory_space<vmem>>, vector<1x16xf32>,
      %get3A_539 = arith.index_cast %add3A_460 : i32 to index
      %get3A_540 = arith.constant 96 : index
      %get3A_541 = tpu.vector_load %arg7[%get3A_539, %get3A_540] {strides = array<i32>} : memref<256x128xf32, #tpu.memory_space<vmem>>, vector<1x16xf32>,
      %get3A_542 = vector.shape_cast %get3A_541 : vector<1x16xf32> to vector<16xf32>
      %mul3A_543 = arith.constant 11.3137083 : f32
      %mul3A_544 = vector.broadcast %mul3A_543 : f32 to vector<16xf32>
      %mul3A_545 = arith.mulf %get3A_542, %mul3A_544 : vector<16xf32>
      %add3A_546 = arith.addf %mul3A_545, %get3A_237 : vector<16xf32>
      %swap3A_547 = arith.index_cast %add3A_460 : i32 to index
      %swap3A_548 = arith.constant 96 : index
      %swap3A_549 = tpu.vector_load %arg7[%swap3A_547, %swap3A_548] {strides = array<i32>} : memref<256x128xf32, #tpu.memory_space<vmem>>, vector<1x16xf32>,
      %swap3A_550 = vector.shape_cast %swap3A_549 : vector<1x16xf32> to vector<16xf32>
      %swap3A_551 = vector.shape_cast %add3A_546 : vector<16xf32> to vector<1x16xf32>
      tpu.vector_store %arg7[%swap3A_547, %swap3A_548], %swap3A_551 {strides = array<i32>} : memref<256x128xf32, #tpu.memory_space<vmem>>, vector<1x16xf32>,
      %get3A_552 = arith.index_cast %add3A_460 : i32 to index
      %get3A_553 = arith.constant 112 : index
      %get3A_554 = tpu.vector_load %arg7[%get3A_552, %get3A_553] {strides = array<i32>} : memref<256x128xf32, #tpu.memory_space<vmem>>, vector<1x16xf32>,
      %get3A_555 = vector.shape_cast %get3A_554 : vector<1x16xf32> to vector<16xf32>
      %mul3A_556 = arith.constant 11.3137083 : f32
      %mul3A_557 = vector.broadcast %mul3A_556 : f32 to vector<16xf32>
      %mul3A_558 = arith.mulf %get3A_555, %mul3A_557 : vector<16xf32>
      %add3A_559 = arith.addf %mul3A_558, %get3A_241 : vector<16xf32>
      %swap3A_560 = arith.index_cast %add3A_460 : i32 to index
      %swap3A_561 = arith.constant 112 : index
      %swap3A_562 = tpu.vector_load %arg7[%swap3A_560, %swap3A_561] {strides = array<i32>} : memref<256x128xf32, #tpu.memory_space<vmem>>, vector<1x16xf32>,
      %swap3A_563 = vector.shape_cast %swap3A_562 : vector<1x16xf32> to vector<16xf32>
      %swap3A_564 = vector.shape_cast %add3A_559 : vector<16xf32> to vector<1x16xf32>
      tpu.vector_store %arg7[%swap3A_560, %swap3A_561], %swap3A_564 {strides = array<i32>} : memref<256x128xf32, #tpu.memory_space<vmem>>, vector<1x16xf32>,
      %mul3A_565 = arith.constant 4 : i32
      %mul3A_566 = arith.muli %add3A_210, %mul3A_565 : i32
      %add3A_567 = arith.constant 3 : i32
      %add3A_568 = arith.addi %mul3A_566, %add3A_567 : i32
      %get3A_569 = arith.index_cast %add3A_568 : i32 to index
      %get3A_570 = arith.constant 0 : index
      %get3A_571 = tpu.vector_load %arg7[%get3A_569, %get3A_570] {strides = array<i32>} : memref<256x128xf32, #tpu.memory_space<vmem>>, vector<1x16xf32>,
      %get3A_572 = vector.shape_cast %get3A_571 : vector<1x16xf32> to vector<16xf32>
      %mul3A_573 = arith.constant 11.3137083 : f32
      %mul3A_574 = vector.broadcast %mul3A_573 : f32 to vector<16xf32>
      %mul3A_575 = arith.mulf %get3A_572, %mul3A_574 : vector<16xf32>
      %add3A_576 = arith.addf %mul3A_575, %get3A_213 : vector<16xf32>
      %swap3A_577 = arith.index_cast %add3A_568 : i32 to index
      %swap3A_578 = arith.constant 0 : index
      %swap3A_579 = tpu.vector_load %arg7[%swap3A_577, %swap3A_578] {strides = array<i32>} : memref<256x128xf32, #tpu.memory_space<vmem>>, vector<1x16xf32>,
      %swap3A_580 = vector.shape_cast %swap3A_579 : vector<1x16xf32> to vector<16xf32>
      %swap3A_581 = vector.shape_cast %add3A_576 : vector<16xf32> to vector<1x16xf32>
      tpu.vector_store %arg7[%swap3A_577, %swap3A_578], %swap3A_581 {strides = array<i32>} : memref<256x128xf32, #tpu.memory_space<vmem>>, vector<1x16xf32>,
      %get3A_582 = arith.index_cast %add3A_568 : i32 to index
      %get3A_583 = arith.constant 16 : index
      %get3A_584 = tpu.vector_load %arg7[%get3A_582, %get3A_583] {strides = array<i32>} : memref<256x128xf32, #tpu.memory_space<vmem>>, vector<1x16xf32>,
      %get3A_585 = vector.shape_cast %get3A_584 : vector<1x16xf32> to vector<16xf32>
      %mul3A_586 = arith.constant 11.3137083 : f32
      %mul3A_587 = vector.broadcast %mul3A_586 : f32 to vector<16xf32>
      %mul3A_588 = arith.mulf %get3A_585, %mul3A_587 : vector<16xf32>
      %add3A_589 = arith.addf %mul3A_588, %get3A_217 : vector<16xf32>
      %swap3A_590 = arith.index_cast %add3A_568 : i32 to index
      %swap3A_591 = arith.constant 16 : index
      %swap3A_592 = tpu.vector_load %arg7[%swap3A_590, %swap3A_591] {strides = array<i32>} : memref<256x128xf32, #tpu.memory_space<vmem>>, vector<1x16xf32>,
      %swap3A_593 = vector.shape_cast %swap3A_592 : vector<1x16xf32> to vector<16xf32>
      %swap3A_594 = vector.shape_cast %add3A_589 : vector<16xf32> to vector<1x16xf32>
      tpu.vector_store %arg7[%swap3A_590, %swap3A_591], %swap3A_594 {strides = array<i32>} : memref<256x128xf32, #tpu.memory_space<vmem>>, vector<1x16xf32>,
      %get3A_595 = arith.index_cast %add3A_568 : i32 to index
      %get3A_596 = arith.constant 32 : index
      %get3A_597 = tpu.vector_load %arg7[%get3A_595, %get3A_596] {strides = array<i32>} : memref<256x128xf32, #tpu.memory_space<vmem>>, vector<1x16xf32>,
      %get3A_598 = vector.shape_cast %get3A_597 : vector<1x16xf32> to vector<16xf32>
      %mul3A_599 = arith.constant 11.3137083 : f32
      %mul3A_600 = vector.broadcast %mul3A_599 : f32 to vector<16xf32>
      %mul3A_601 = arith.mulf %get3A_598, %mul3A_600 : vector<16xf32>
      %add3A_602 = arith.addf %mul3A_601, %get3A_221 : vector<16xf32>
      %swap3A_603 = arith.index_cast %add3A_568 : i32 to index
      %swap3A_604 = arith.constant 32 : index
      %swap3A_605 = tpu.vector_load %arg7[%swap3A_603, %swap3A_604] {strides = array<i32>} : memref<256x128xf32, #tpu.memory_space<vmem>>, vector<1x16xf32>,
      %swap3A_606 = vector.shape_cast %swap3A_605 : vector<1x16xf32> to vector<16xf32>
      %swap3A_607 = vector.shape_cast %add3A_602 : vector<16xf32> to vector<1x16xf32>
      tpu.vector_store %arg7[%swap3A_603, %swap3A_604], %swap3A_607 {strides = array<i32>} : memref<256x128xf32, #tpu.memory_space<vmem>>, vector<1x16xf32>,
      %get3A_608 = arith.index_cast %add3A_568 : i32 to index
      %get3A_609 = arith.constant 48 : index
      %get3A_610 = tpu.vector_load %arg7[%get3A_608, %get3A_609] {strides = array<i32>} : memref<256x128xf32, #tpu.memory_space<vmem>>, vector<1x16xf32>,
      %get3A_611 = vector.shape_cast %get3A_610 : vector<1x16xf32> to vector<16xf32>
      %mul3A_612 = arith.constant 11.3137083 : f32
      %mul3A_613 = vector.broadcast %mul3A_612 : f32 to vector<16xf32>
      %mul3A_614 = arith.mulf %get3A_611, %mul3A_613 : vector<16xf32>
      %add3A_615 = arith.addf %mul3A_614, %get3A_225 : vector<16xf32>
      %swap3A_616 = arith.index_cast %add3A_568 : i32 to index
      %swap3A_617 = arith.constant 48 : index
      %swap3A_618 = tpu.vector_load %arg7[%swap3A_616, %swap3A_617] {strides = array<i32>} : memref<256x128xf32, #tpu.memory_space<vmem>>, vector<1x16xf32>,
      %swap3A_619 = vector.shape_cast %swap3A_618 : vector<1x16xf32> to vector<16xf32>
      %swap3A_620 = vector.shape_cast %add3A_615 : vector<16xf32> to vector<1x16xf32>
      tpu.vector_store %arg7[%swap3A_616, %swap3A_617], %swap3A_620 {strides = array<i32>} : memref<256x128xf32, #tpu.memory_space<vmem>>, vector<1x16xf32>,
      %get3A_621 = arith.index_cast %add3A_568 : i32 to index
      %get3A_622 = arith.constant 64 : index
      %get3A_623 = tpu.vector_load %arg7[%get3A_621, %get3A_622] {strides = array<i32>} : memref<256x128xf32, #tpu.memory_space<vmem>>, vector<1x16xf32>,
      %get3A_624 = vector.shape_cast %get3A_623 : vector<1x16xf32> to vector<16xf32>
      %mul3A_625 = arith.constant 11.3137083 : f32
      %mul3A_626 = vector.broadcast %mul3A_625 : f32 to vector<16xf32>
      %mul3A_627 = arith.mulf %get3A_624, %mul3A_626 : vector<16xf32>
      %add3A_628 = arith.addf %mul3A_627, %get3A_229 : vector<16xf32>
      %swap3A_629 = arith.index_cast %add3A_568 : i32 to index
      %swap3A_630 = arith.constant 64 : index
      %swap3A_631 = tpu.vector_load %arg7[%swap3A_629, %swap3A_630] {strides = array<i32>} : memref<256x128xf32, #tpu.memory_space<vmem>>, vector<1x16xf32>,
      %swap3A_632 = vector.shape_cast %swap3A_631 : vector<1x16xf32> to vector<16xf32>
      %swap3A_633 = vector.shape_cast %add3A_628 : vector<16xf32> to vector<1x16xf32>
      tpu.vector_store %arg7[%swap3A_629, %swap3A_630], %swap3A_633 {strides = array<i32>} : memref<256x128xf32, #tpu.memory_space<vmem>>, vector<1x16xf32>,
      %get3A_634 = arith.index_cast %add3A_568 : i32 to index
      %get3A_635 = arith.constant 80 : index
      %get3A_636 = tpu.vector_load %arg7[%get3A_634, %get3A_635] {strides = array<i32>} : memref<256x128xf32, #tpu.memory_space<vmem>>, vector<1x16xf32>,
      %get3A_637 = vector.shape_cast %get3A_636 : vector<1x16xf32> to vector<16xf32>
      %mul3A_638 = arith.constant 11.3137083 : f32
      %mul3A_639 = vector.broadcast %mul3A_638 : f32 to vector<16xf32>
      %mul3A_640 = arith.mulf %get3A_637, %mul3A_639 : vector<16xf32>
      %add3A_641 = arith.addf %mul3A_640, %get3A_233 : vector<16xf32>
      %swap3A_642 = arith.index_cast %add3A_568 : i32 to index
      %swap3A_643 = arith.constant 80 : index
      %swap3A_644 = tpu.vector_load %arg7[%swap3A_642, %swap3A_643] {strides = array<i32>} : memref<256x128xf32, #tpu.memory_space<vmem>>, vector<1x16xf32>,
      %swap3A_645 = vector.shape_cast %swap3A_644 : vector<1x16xf32> to vector<16xf32>
      %swap3A_646 = vector.shape_cast %add3A_641 : vector<16xf32> to vector<1x16xf32>
      tpu.vector_store %arg7[%swap3A_642, %swap3A_643], %swap3A_646 {strides = array<i32>} : memref<256x128xf32, #tpu.memory_space<vmem>>, vector<1x16xf32>,
      %get3A_647 = arith.index_cast %add3A_568 : i32 to index
      %get3A_648 = arith.constant 96 : index
      %get3A_649 = tpu.vector_load %arg7[%get3A_647, %get3A_648] {strides = array<i32>} : memref<256x128xf32, #tpu.memory_space<vmem>>, vector<1x16xf32>,
      %get3A_650 = vector.shape_cast %get3A_649 : vector<1x16xf32> to vector<16xf32>
      %mul3A_651 = arith.constant 11.3137083 : f32
      %mul3A_652 = vector.broadcast %mul3A_651 : f32 to vector<16xf32>
      %mul3A_653 = arith.mulf %get3A_650, %mul3A_652 : vector<16xf32>
      %add3A_654 = arith.addf %mul3A_653, %get3A_237 : vector<16xf32>
      %swap3A_655 = arith.index_cast %add3A_568 : i32 to index
      %swap3A_656 = arith.constant 96 : index
      %swap3A_657 = tpu.vector_load %arg7[%swap3A_655, %swap3A_656] {strides = array<i32>} : memref<256x128xf32, #tpu.memory_space<vmem>>, vector<1x16xf32>,
      %swap3A_658 = vector.shape_cast %swap3A_657 : vector<1x16xf32> to vector<16xf32>
      %swap3A_659 = vector.shape_cast %add3A_654 : vector<16xf32> to vector<1x16xf32>
      tpu.vector_store %arg7[%swap3A_655, %swap3A_656], %swap3A_659 {strides = array<i32>} : memref<256x128xf32, #tpu.memory_space<vmem>>, vector<1x16xf32>,
      %get3A_660 = arith.index_cast %add3A_568 : i32 to index
      %get3A_661 = arith.constant 112 : index
      %get3A_662 = tpu.vector_load %arg7[%get3A_660, %get3A_661] {strides = array<i32>} : memref<256x128xf32, #tpu.memory_space<vmem>>, vector<1x16xf32>,
      %get3A_663 = vector.shape_cast %get3A_662 : vector<1x16xf32> to vector<16xf32>
      %mul3A_664 = arith.constant 11.3137083 : f32
      %mul3A_665 = vector.broadcast %mul3A_664 : f32 to vector<16xf32>
      %mul3A_666 = arith.mulf %get3A_663, %mul3A_665 : vector<16xf32>
      %add3A_667 = arith.addf %mul3A_666, %get3A_241 : vector<16xf32>
      %swap3A_668 = arith.index_cast %add3A_568 : i32 to index
      %swap3A_669 = arith.constant 112 : index
      %swap3A_670 = tpu.vector_load %arg7[%swap3A_668, %swap3A_669] {strides = array<i32>} : memref<256x128xf32, #tpu.memory_space<vmem>>, vector<1x16xf32>,
      %swap3A_671 = vector.shape_cast %swap3A_670 : vector<1x16xf32> to vector<16xf32>
      %swap3A_672 = vector.shape_cast %add3A_667 : vector<16xf32> to vector<1x16xf32>
      tpu.vector_store %arg7[%swap3A_668, %swap3A_669], %swap3A_672 {strides = array<i32>} : memref<256x128xf32, #tpu.memory_space<vmem>>, vector<1x16xf32>,
    }
    %scan3A_122 = arith.constant 16 : i32
    %mul3A_123 = arith.constant 256 : i32
    %mul3A_124 = arith.muli %add3A, %mul3A_123 : i32
    %add3A_125 = arith.constant 128 : i32
    %add3A_126 = arith.addi %mul3A_124, %add3A_125 : i32
    %dma_start3A_127 = arith.constant 128 : i32
    %dma_start3A_128 = arith.constant 0 : i32
    %dma_start3A_129 = tpu.memref_slice %arg7[%dma_start3A_127, %dma_start3A_128] : memref<256x128xf32, #tpu.memory_space<vmem>> -> memref<64x128xf32, #tpu.memory_space<vmem>>
    %dma_start3A_130 = arith.constant 0 : i32
    %dma_start3A_131 = tpu.memref_slice %arg5[%add3A_126, %dma_start3A_130] : memref<8192x128xf32, #tpu.memory_space<hbm>> -> memref<64x128xf32, #tpu.memory_space<hbm>>
    %dma_start3A_132 = arith.constant 0 : i32
    %dma_start3A_133 = tpu.memref_slice %arg5[%add3A_126, %dma_start3A_132] : memref<8192x128xf32, #tpu.memory_space<hbm>> -> memref<64x128xf32, #tpu.memory_space<hbm>>
    %dma_start3A_134 = arith.constant 128 : i32
    %dma_start3A_135 = arith.constant 0 : i32
    %dma_start3A_136 = tpu.memref_slice %arg7[%dma_start3A_134, %dma_start3A_135] : memref<256x128xf32, #tpu.memory_space<vmem>> -> memref<64x128xf32, #tpu.memory_space<vmem>>
    tpu.enqueue_dma source(%dma_start3A_136 : memref<64x128xf32, #tpu.memory_space<vmem>>) target(%dma_start3A_133 : memref<64x128xf32, #tpu.memory_space<hbm>>) target_semaphore(%arg13 : memref<!tpu.dma_semaphore, #tpu.memory_space<semaphore_mem>>)
    %dma_wait3A_137 = arith.constant 1 : i32
    %dma_wait3A_138 = arith.constant 192 : i32
    %dma_wait3A_139 = arith.constant 0 : i32
    %dma_wait3A_140 = tpu.memref_slice %arg7[%dma_wait3A_138, %dma_wait3A_139] : memref<256x128xf32, #tpu.memory_space<vmem>> -> memref<64x128xf32, #tpu.memory_space<vmem>>
    %dma_wait3A_141 = arith.constant 64 : i32
    %dma_wait3A_142 = tpu.memref_slice %arg6[%dma_wait3A_137, %dma_wait3A_141] : memref<2x128xi32, #tpu.memory_space<vmem>> -> memref<1x64xi32, #tpu.memory_space<vmem>>
    %dma_wait3A_143 = tpu.memref_squeeze %dma_wait3A_142 : memref<1x64xi32, #tpu.memory_space<vmem>> -> memref<64xi32, #tpu.memory_space<vmem>>
    %dma_wait3A_144 = arith.constant 0 : i32
    %dma_wait3A_145 = arith.constant 0 : i32
    %dma_wait3A_146 = tpu.memref_slice %arg3[%dma_wait3A_144, %dma_wait3A_145] : memref<100000x128xf32, #tpu.memory_space<hbm>> -> memref<100000x128xf32, #tpu.memory_space<hbm>>
    tpu.wait_indirect_dma semaphore(%arg12 : memref<!tpu.dma_semaphore, #tpu.memory_space<semaphore_mem>>) src(%dma_wait3A_146 : memref<100000x128xf32, #tpu.memory_space<hbm>>) dst(%dma_wait3A_140 : memref<64x128xf32, #tpu.memory_space<vmem>>)
    %scan3A_147 = arith.constant 0 : i32
    %scan3A_148 = arith.constant 16 : i32
    %scan3A_149 = arith.addi %scan3A_147, %scan3A_148 : i32
    %scan3A_150 = arith.constant 1 : i32
    scf.for %scan3A_206 = %scan3A_147 to %scan3A_149 step %scan3A_150  : i32 {
      %mul3A_207 = arith.constant 1 : i32
      %mul3A_208 = arith.muli %scan3A_206, %mul3A_207 : i32
      %add3A_209 = arith.constant 48 : i32
      %add3A_210 = arith.addi %add3A_209, %mul3A_208 : i32
      %get3A = arith.index_cast %add3A_210 : i32 to index
      %get3A_211 = arith.constant 0 : index
      %get3A_212 = tpu.vector_load %arg8[%get3A, %get3A_211] {strides = array<i32>} : memref<64x128xf32, #tpu.memory_space<vmem>>, vector<1x16xf32>,
      %get3A_213 = vector.shape_cast %get3A_212 : vector<1x16xf32> to vector<16xf32>
      %get3A_214 = arith.index_cast %add3A_210 : i32 to index
      %get3A_215 = arith.constant 16 : index
      %get3A_216 = tpu.vector_load %arg8[%get3A_214, %get3A_215] {strides = array<i32>} : memref<64x128xf32, #tpu.memory_space<vmem>>, vector<1x16xf32>,
      %get3A_217 = vector.shape_cast %get3A_216 : vector<1x16xf32> to vector<16xf32>
      %get3A_218 = arith.index_cast %add3A_210 : i32 to index
      %get3A_219 = arith.constant 32 : index
      %get3A_220 = tpu.vector_load %arg8[%get3A_218, %get3A_219] {strides = array<i32>} : memref<64x128xf32, #tpu.memory_space<vmem>>, vector<1x16xf32>,
      %get3A_221 = vector.shape_cast %get3A_220 : vector<1x16xf32> to vector<16xf32>
      %get3A_222 = arith.index_cast %add3A_210 : i32 to index
      %get3A_223 = arith.constant 48 : index
      %get3A_224 = tpu.vector_load %arg8[%get3A_222, %get3A_223] {strides = array<i32>} : memref<64x128xf32, #tpu.memory_space<vmem>>, vector<1x16xf32>,
      %get3A_225 = vector.shape_cast %get3A_224 : vector<1x16xf32> to vector<16xf32>
      %get3A_226 = arith.index_cast %add3A_210 : i32 to index
      %get3A_227 = arith.constant 64 : index
      %get3A_228 = tpu.vector_load %arg8[%get3A_226, %get3A_227] {strides = array<i32>} : memref<64x128xf32, #tpu.memory_space<vmem>>, vector<1x16xf32>,
      %get3A_229 = vector.shape_cast %get3A_228 : vector<1x16xf32> to vector<16xf32>
      %get3A_230 = arith.index_cast %add3A_210 : i32 to index
      %get3A_231 = arith.constant 80 : index
      %get3A_232 = tpu.vector_load %arg8[%get3A_230, %get3A_231] {strides = array<i32>} : memref<64x128xf32, #tpu.memory_space<vmem>>, vector<1x16xf32>,
      %get3A_233 = vector.shape_cast %get3A_232 : vector<1x16xf32> to vector<16xf32>
      %get3A_234 = arith.index_cast %add3A_210 : i32 to index
      %get3A_235 = arith.constant 96 : index
      %get3A_236 = tpu.vector_load %arg8[%get3A_234, %get3A_235] {strides = array<i32>} : memref<64x128xf32, #tpu.memory_space<vmem>>, vector<1x16xf32>,
      %get3A_237 = vector.shape_cast %get3A_236 : vector<1x16xf32> to vector<16xf32>
      %get3A_238 = arith.index_cast %add3A_210 : i32 to index
      %get3A_239 = arith.constant 112 : index
      %get3A_240 = tpu.vector_load %arg8[%get3A_238, %get3A_239] {strides = array<i32>} : memref<64x128xf32, #tpu.memory_space<vmem>>, vector<1x16xf32>,
      %get3A_241 = vector.shape_cast %get3A_240 : vector<1x16xf32> to vector<16xf32>
      %mul3A_242 = arith.constant 4 : i32
      %mul3A_243 = arith.muli %add3A_210, %mul3A_242 : i32
      %add3A_244 = arith.constant 0 : i32
      %add3A_245 = arith.addi %mul3A_243, %add3A_244 : i32
      %get3A_246 = arith.index_cast %add3A_245 : i32 to index
      %get3A_247 = arith.constant 0 : index
      %get3A_248 = tpu.vector_load %arg7[%get3A_246, %get3A_247] {strides = array<i32>} : memref<256x128xf32, #tpu.memory_space<vmem>>, vector<1x16xf32>,
      %get3A_249 = vector.shape_cast %get3A_248 : vector<1x16xf32> to vector<16xf32>
      %mul3A_250 = arith.constant 11.3137083 : f32
      %mul3A_251 = vector.broadcast %mul3A_250 : f32 to vector<16xf32>
      %mul3A_252 = arith.mulf %get3A_249, %mul3A_251 : vector<16xf32>
      %add3A_253 = arith.addf %mul3A_252, %get3A_213 : vector<16xf32>
      %swap3A = arith.index_cast %add3A_245 : i32 to index
      %swap3A_254 = arith.constant 0 : index
      %swap3A_255 = tpu.vector_load %arg7[%swap3A, %swap3A_254] {strides = array<i32>} : memref<256x128xf32, #tpu.memory_space<vmem>>, vector<1x16xf32>,
      %swap3A_256 = vector.shape_cast %swap3A_255 : vector<1x16xf32> to vector<16xf32>
      %swap3A_257 = vector.shape_cast %add3A_253 : vector<16xf32> to vector<1x16xf32>
      tpu.vector_store %arg7[%swap3A, %swap3A_254], %swap3A_257 {strides = array<i32>} : memref<256x128xf32, #tpu.memory_space<vmem>>, vector<1x16xf32>,
      %get3A_258 = arith.index_cast %add3A_245 : i32 to index
      %get3A_259 = arith.constant 16 : index
      %get3A_260 = tpu.vector_load %arg7[%get3A_258, %get3A_259] {strides = array<i32>} : memref<256x128xf32, #tpu.memory_space<vmem>>, vector<1x16xf32>,
      %get3A_261 = vector.shape_cast %get3A_260 : vector<1x16xf32> to vector<16xf32>
      %mul3A_262 = arith.constant 11.3137083 : f32
      %mul3A_263 = vector.broadcast %mul3A_262 : f32 to vector<16xf32>
      %mul3A_264 = arith.mulf %get3A_261, %mul3A_263 : vector<16xf32>
      %add3A_265 = arith.addf %mul3A_264, %get3A_217 : vector<16xf32>
      %swap3A_266 = arith.index_cast %add3A_245 : i32 to index
      %swap3A_267 = arith.constant 16 : index
      %swap3A_268 = tpu.vector_load %arg7[%swap3A_266, %swap3A_267] {strides = array<i32>} : memref<256x128xf32, #tpu.memory_space<vmem>>, vector<1x16xf32>,
      %swap3A_269 = vector.shape_cast %swap3A_268 : vector<1x16xf32> to vector<16xf32>
      %swap3A_270 = vector.shape_cast %add3A_265 : vector<16xf32> to vector<1x16xf32>
      tpu.vector_store %arg7[%swap3A_266, %swap3A_267], %swap3A_270 {strides = array<i32>} : memref<256x128xf32, #tpu.memory_space<vmem>>, vector<1x16xf32>,
      %get3A_271 = arith.index_cast %add3A_245 : i32 to index
      %get3A_272 = arith.constant 32 : index
      %get3A_273 = tpu.vector_load %arg7[%get3A_271, %get3A_272] {strides = array<i32>} : memref<256x128xf32, #tpu.memory_space<vmem>>, vector<1x16xf32>,
      %get3A_274 = vector.shape_cast %get3A_273 : vector<1x16xf32> to vector<16xf32>
      %mul3A_275 = arith.constant 11.3137083 : f32
      %mul3A_276 = vector.broadcast %mul3A_275 : f32 to vector<16xf32>
      %mul3A_277 = arith.mulf %get3A_274, %mul3A_276 : vector<16xf32>
      %add3A_278 = arith.addf %mul3A_277, %get3A_221 : vector<16xf32>
      %swap3A_279 = arith.index_cast %add3A_245 : i32 to index
      %swap3A_280 = arith.constant 32 : index
      %swap3A_281 = tpu.vector_load %arg7[%swap3A_279, %swap3A_280] {strides = array<i32>} : memref<256x128xf32, #tpu.memory_space<vmem>>, vector<1x16xf32>,
      %swap3A_282 = vector.shape_cast %swap3A_281 : vector<1x16xf32> to vector<16xf32>
      %swap3A_283 = vector.shape_cast %add3A_278 : vector<16xf32> to vector<1x16xf32>
      tpu.vector_store %arg7[%swap3A_279, %swap3A_280], %swap3A_283 {strides = array<i32>} : memref<256x128xf32, #tpu.memory_space<vmem>>, vector<1x16xf32>,
      %get3A_284 = arith.index_cast %add3A_245 : i32 to index
      %get3A_285 = arith.constant 48 : index
      %get3A_286 = tpu.vector_load %arg7[%get3A_284, %get3A_285] {strides = array<i32>} : memref<256x128xf32, #tpu.memory_space<vmem>>, vector<1x16xf32>,
      %get3A_287 = vector.shape_cast %get3A_286 : vector<1x16xf32> to vector<16xf32>
      %mul3A_288 = arith.constant 11.3137083 : f32
      %mul3A_289 = vector.broadcast %mul3A_288 : f32 to vector<16xf32>
      %mul3A_290 = arith.mulf %get3A_287, %mul3A_289 : vector<16xf32>
      %add3A_291 = arith.addf %mul3A_290, %get3A_225 : vector<16xf32>
      %swap3A_292 = arith.index_cast %add3A_245 : i32 to index
      %swap3A_293 = arith.constant 48 : index
      %swap3A_294 = tpu.vector_load %arg7[%swap3A_292, %swap3A_293] {strides = array<i32>} : memref<256x128xf32, #tpu.memory_space<vmem>>, vector<1x16xf32>,
      %swap3A_295 = vector.shape_cast %swap3A_294 : vector<1x16xf32> to vector<16xf32>
      %swap3A_296 = vector.shape_cast %add3A_291 : vector<16xf32> to vector<1x16xf32>
      tpu.vector_store %arg7[%swap3A_292, %swap3A_293], %swap3A_296 {strides = array<i32>} : memref<256x128xf32, #tpu.memory_space<vmem>>, vector<1x16xf32>,
      %get3A_297 = arith.index_cast %add3A_245 : i32 to index
      %get3A_298 = arith.constant 64 : index
      %get3A_299 = tpu.vector_load %arg7[%get3A_297, %get3A_298] {strides = array<i32>} : memref<256x128xf32, #tpu.memory_space<vmem>>, vector<1x16xf32>,
      %get3A_300 = vector.shape_cast %get3A_299 : vector<1x16xf32> to vector<16xf32>
      %mul3A_301 = arith.constant 11.3137083 : f32
      %mul3A_302 = vector.broadcast %mul3A_301 : f32 to vector<16xf32>
      %mul3A_303 = arith.mulf %get3A_300, %mul3A_302 : vector<16xf32>
      %add3A_304 = arith.addf %mul3A_303, %get3A_229 : vector<16xf32>
      %swap3A_305 = arith.index_cast %add3A_245 : i32 to index
      %swap3A_306 = arith.constant 64 : index
      %swap3A_307 = tpu.vector_load %arg7[%swap3A_305, %swap3A_306] {strides = array<i32>} : memref<256x128xf32, #tpu.memory_space<vmem>>, vector<1x16xf32>,
      %swap3A_308 = vector.shape_cast %swap3A_307 : vector<1x16xf32> to vector<16xf32>
      %swap3A_309 = vector.shape_cast %add3A_304 : vector<16xf32> to vector<1x16xf32>
      tpu.vector_store %arg7[%swap3A_305, %swap3A_306], %swap3A_309 {strides = array<i32>} : memref<256x128xf32, #tpu.memory_space<vmem>>, vector<1x16xf32>,
      %get3A_310 = arith.index_cast %add3A_245 : i32 to index
      %get3A_311 = arith.constant 80 : index
      %get3A_312 = tpu.vector_load %arg7[%get3A_310, %get3A_311] {strides = array<i32>} : memref<256x128xf32, #tpu.memory_space<vmem>>, vector<1x16xf32>,
      %get3A_313 = vector.shape_cast %get3A_312 : vector<1x16xf32> to vector<16xf32>
      %mul3A_314 = arith.constant 11.3137083 : f32
      %mul3A_315 = vector.broadcast %mul3A_314 : f32 to vector<16xf32>
      %mul3A_316 = arith.mulf %get3A_313, %mul3A_315 : vector<16xf32>
      %add3A_317 = arith.addf %mul3A_316, %get3A_233 : vector<16xf32>
      %swap3A_318 = arith.index_cast %add3A_245 : i32 to index
      %swap3A_319 = arith.constant 80 : index
      %swap3A_320 = tpu.vector_load %arg7[%swap3A_318, %swap3A_319] {strides = array<i32>} : memref<256x128xf32, #tpu.memory_space<vmem>>, vector<1x16xf32>,
      %swap3A_321 = vector.shape_cast %swap3A_320 : vector<1x16xf32> to vector<16xf32>
      %swap3A_322 = vector.shape_cast %add3A_317 : vector<16xf32> to vector<1x16xf32>
      tpu.vector_store %arg7[%swap3A_318, %swap3A_319], %swap3A_322 {strides = array<i32>} : memref<256x128xf32, #tpu.memory_space<vmem>>, vector<1x16xf32>,
      %get3A_323 = arith.index_cast %add3A_245 : i32 to index
      %get3A_324 = arith.constant 96 : index
      %get3A_325 = tpu.vector_load %arg7[%get3A_323, %get3A_324] {strides = array<i32>} : memref<256x128xf32, #tpu.memory_space<vmem>>, vector<1x16xf32>,
      %get3A_326 = vector.shape_cast %get3A_325 : vector<1x16xf32> to vector<16xf32>
      %mul3A_327 = arith.constant 11.3137083 : f32
      %mul3A_328 = vector.broadcast %mul3A_327 : f32 to vector<16xf32>
      %mul3A_329 = arith.mulf %get3A_326, %mul3A_328 : vector<16xf32>
      %add3A_330 = arith.addf %mul3A_329, %get3A_237 : vector<16xf32>
      %swap3A_331 = arith.index_cast %add3A_245 : i32 to index
      %swap3A_332 = arith.constant 96 : index
      %swap3A_333 = tpu.vector_load %arg7[%swap3A_331, %swap3A_332] {strides = array<i32>} : memref<256x128xf32, #tpu.memory_space<vmem>>, vector<1x16xf32>,
      %swap3A_334 = vector.shape_cast %swap3A_333 : vector<1x16xf32> to vector<16xf32>
      %swap3A_335 = vector.shape_cast %add3A_330 : vector<16xf32> to vector<1x16xf32>
      tpu.vector_store %arg7[%swap3A_331, %swap3A_332], %swap3A_335 {strides = array<i32>} : memref<256x128xf32, #tpu.memory_space<vmem>>, vector<1x16xf32>,
      %get3A_336 = arith.index_cast %add3A_245 : i32 to index
      %get3A_337 = arith.constant 112 : index
      %get3A_338 = tpu.vector_load %arg7[%get3A_336, %get3A_337] {strides = array<i32>} : memref<256x128xf32, #tpu.memory_space<vmem>>, vector<1x16xf32>,
      %get3A_339 = vector.shape_cast %get3A_338 : vector<1x16xf32> to vector<16xf32>
      %mul3A_340 = arith.constant 11.3137083 : f32
      %mul3A_341 = vector.broadcast %mul3A_340 : f32 to vector<16xf32>
      %mul3A_342 = arith.mulf %get3A_339, %mul3A_341 : vector<16xf32>
      %add3A_343 = arith.addf %mul3A_342, %get3A_241 : vector<16xf32>
      %swap3A_344 = arith.index_cast %add3A_245 : i32 to index
      %swap3A_345 = arith.constant 112 : index
      %swap3A_346 = tpu.vector_load %arg7[%swap3A_344, %swap3A_345] {strides = array<i32>} : memref<256x128xf32, #tpu.memory_space<vmem>>, vector<1x16xf32>,
      %swap3A_347 = vector.shape_cast %swap3A_346 : vector<1x16xf32> to vector<16xf32>
      %swap3A_348 = vector.shape_cast %add3A_343 : vector<16xf32> to vector<1x16xf32>
      tpu.vector_store %arg7[%swap3A_344, %swap3A_345], %swap3A_348 {strides = array<i32>} : memref<256x128xf32, #tpu.memory_space<vmem>>, vector<1x16xf32>,
      %mul3A_349 = arith.constant 4 : i32
      %mul3A_350 = arith.muli %add3A_210, %mul3A_349 : i32
      %add3A_351 = arith.constant 1 : i32
      %add3A_352 = arith.addi %mul3A_350, %add3A_351 : i32
      %get3A_353 = arith.index_cast %add3A_352 : i32 to index
      %get3A_354 = arith.constant 0 : index
      %get3A_355 = tpu.vector_load %arg7[%get3A_353, %get3A_354] {strides = array<i32>} : memref<256x128xf32, #tpu.memory_space<vmem>>, vector<1x16xf32>,
      %get3A_356 = vector.shape_cast %get3A_355 : vector<1x16xf32> to vector<16xf32>
      %mul3A_357 = arith.constant 11.3137083 : f32
      %mul3A_358 = vector.broadcast %mul3A_357 : f32 to vector<16xf32>
      %mul3A_359 = arith.mulf %get3A_356, %mul3A_358 : vector<16xf32>
      %add3A_360 = arith.addf %mul3A_359, %get3A_213 : vector<16xf32>
      %swap3A_361 = arith.index_cast %add3A_352 : i32 to index
      %swap3A_362 = arith.constant 0 : index
      %swap3A_363 = tpu.vector_load %arg7[%swap3A_361, %swap3A_362] {strides = array<i32>} : memref<256x128xf32, #tpu.memory_space<vmem>>, vector<1x16xf32>,
      %swap3A_364 = vector.shape_cast %swap3A_363 : vector<1x16xf32> to vector<16xf32>
      %swap3A_365 = vector.shape_cast %add3A_360 : vector<16xf32> to vector<1x16xf32>
      tpu.vector_store %arg7[%swap3A_361, %swap3A_362], %swap3A_365 {strides = array<i32>} : memref<256x128xf32, #tpu.memory_space<vmem>>, vector<1x16xf32>,
      %get3A_366 = arith.index_cast %add3A_352 : i32 to index
      %get3A_367 = arith.constant 16 : index
      %get3A_368 = tpu.vector_load %arg7[%get3A_366, %get3A_367] {strides = array<i32>} : memref<256x128xf32, #tpu.memory_space<vmem>>, vector<1x16xf32>,
      %get3A_369 = vector.shape_cast %get3A_368 : vector<1x16xf32> to vector<16xf32>
      %mul3A_370 = arith.constant 11.3137083 : f32
      %mul3A_371 = vector.broadcast %mul3A_370 : f32 to vector<16xf32>
      %mul3A_372 = arith.mulf %get3A_369, %mul3A_371 : vector<16xf32>
      %add3A_373 = arith.addf %mul3A_372, %get3A_217 : vector<16xf32>
      %swap3A_374 = arith.index_cast %add3A_352 : i32 to index
      %swap3A_375 = arith.constant 16 : index
      %swap3A_376 = tpu.vector_load %arg7[%swap3A_374, %swap3A_375] {strides = array<i32>} : memref<256x128xf32, #tpu.memory_space<vmem>>, vector<1x16xf32>,
      %swap3A_377 = vector.shape_cast %swap3A_376 : vector<1x16xf32> to vector<16xf32>
      %swap3A_378 = vector.shape_cast %add3A_373 : vector<16xf32> to vector<1x16xf32>
      tpu.vector_store %arg7[%swap3A_374, %swap3A_375], %swap3A_378 {strides = array<i32>} : memref<256x128xf32, #tpu.memory_space<vmem>>, vector<1x16xf32>,
      %get3A_379 = arith.index_cast %add3A_352 : i32 to index
      %get3A_380 = arith.constant 32 : index
      %get3A_381 = tpu.vector_load %arg7[%get3A_379, %get3A_380] {strides = array<i32>} : memref<256x128xf32, #tpu.memory_space<vmem>>, vector<1x16xf32>,
      %get3A_382 = vector.shape_cast %get3A_381 : vector<1x16xf32> to vector<16xf32>
      %mul3A_383 = arith.constant 11.3137083 : f32
      %mul3A_384 = vector.broadcast %mul3A_383 : f32 to vector<16xf32>
      %mul3A_385 = arith.mulf %get3A_382, %mul3A_384 : vector<16xf32>
      %add3A_386 = arith.addf %mul3A_385, %get3A_221 : vector<16xf32>
      %swap3A_387 = arith.index_cast %add3A_352 : i32 to index
      %swap3A_388 = arith.constant 32 : index
      %swap3A_389 = tpu.vector_load %arg7[%swap3A_387, %swap3A_388] {strides = array<i32>} : memref<256x128xf32, #tpu.memory_space<vmem>>, vector<1x16xf32>,
      %swap3A_390 = vector.shape_cast %swap3A_389 : vector<1x16xf32> to vector<16xf32>
      %swap3A_391 = vector.shape_cast %add3A_386 : vector<16xf32> to vector<1x16xf32>
      tpu.vector_store %arg7[%swap3A_387, %swap3A_388], %swap3A_391 {strides = array<i32>} : memref<256x128xf32, #tpu.memory_space<vmem>>, vector<1x16xf32>,
      %get3A_392 = arith.index_cast %add3A_352 : i32 to index
      %get3A_393 = arith.constant 48 : index
      %get3A_394 = tpu.vector_load %arg7[%get3A_392, %get3A_393] {strides = array<i32>} : memref<256x128xf32, #tpu.memory_space<vmem>>, vector<1x16xf32>,
      %get3A_395 = vector.shape_cast %get3A_394 : vector<1x16xf32> to vector<16xf32>
      %mul3A_396 = arith.constant 11.3137083 : f32
      %mul3A_397 = vector.broadcast %mul3A_396 : f32 to vector<16xf32>
      %mul3A_398 = arith.mulf %get3A_395, %mul3A_397 : vector<16xf32>
      %add3A_399 = arith.addf %mul3A_398, %get3A_225 : vector<16xf32>
      %swap3A_400 = arith.index_cast %add3A_352 : i32 to index
      %swap3A_401 = arith.constant 48 : index
      %swap3A_402 = tpu.vector_load %arg7[%swap3A_400, %swap3A_401] {strides = array<i32>} : memref<256x128xf32, #tpu.memory_space<vmem>>, vector<1x16xf32>,
      %swap3A_403 = vector.shape_cast %swap3A_402 : vector<1x16xf32> to vector<16xf32>
      %swap3A_404 = vector.shape_cast %add3A_399 : vector<16xf32> to vector<1x16xf32>
      tpu.vector_store %arg7[%swap3A_400, %swap3A_401], %swap3A_404 {strides = array<i32>} : memref<256x128xf32, #tpu.memory_space<vmem>>, vector<1x16xf32>,
      %get3A_405 = arith.index_cast %add3A_352 : i32 to index
      %get3A_406 = arith.constant 64 : index
      %get3A_407 = tpu.vector_load %arg7[%get3A_405, %get3A_406] {strides = array<i32>} : memref<256x128xf32, #tpu.memory_space<vmem>>, vector<1x16xf32>,
      %get3A_408 = vector.shape_cast %get3A_407 : vector<1x16xf32> to vector<16xf32>
      %mul3A_409 = arith.constant 11.3137083 : f32
      %mul3A_410 = vector.broadcast %mul3A_409 : f32 to vector<16xf32>
      %mul3A_411 = arith.mulf %get3A_408, %mul3A_410 : vector<16xf32>
      %add3A_412 = arith.addf %mul3A_411, %get3A_229 : vector<16xf32>
      %swap3A_413 = arith.index_cast %add3A_352 : i32 to index
      %swap3A_414 = arith.constant 64 : index
      %swap3A_415 = tpu.vector_load %arg7[%swap3A_413, %swap3A_414] {strides = array<i32>} : memref<256x128xf32, #tpu.memory_space<vmem>>, vector<1x16xf32>,
      %swap3A_416 = vector.shape_cast %swap3A_415 : vector<1x16xf32> to vector<16xf32>
      %swap3A_417 = vector.shape_cast %add3A_412 : vector<16xf32> to vector<1x16xf32>
      tpu.vector_store %arg7[%swap3A_413, %swap3A_414], %swap3A_417 {strides = array<i32>} : memref<256x128xf32, #tpu.memory_space<vmem>>, vector<1x16xf32>,
      %get3A_418 = arith.index_cast %add3A_352 : i32 to index
      %get3A_419 = arith.constant 80 : index
      %get3A_420 = tpu.vector_load %arg7[%get3A_418, %get3A_419] {strides = array<i32>} : memref<256x128xf32, #tpu.memory_space<vmem>>, vector<1x16xf32>,
      %get3A_421 = vector.shape_cast %get3A_420 : vector<1x16xf32> to vector<16xf32>
      %mul3A_422 = arith.constant 11.3137083 : f32
      %mul3A_423 = vector.broadcast %mul3A_422 : f32 to vector<16xf32>
      %mul3A_424 = arith.mulf %get3A_421, %mul3A_423 : vector<16xf32>
      %add3A_425 = arith.addf %mul3A_424, %get3A_233 : vector<16xf32>
      %swap3A_426 = arith.index_cast %add3A_352 : i32 to index
      %swap3A_427 = arith.constant 80 : index
      %swap3A_428 = tpu.vector_load %arg7[%swap3A_426, %swap3A_427] {strides = array<i32>} : memref<256x128xf32, #tpu.memory_space<vmem>>, vector<1x16xf32>,
      %swap3A_429 = vector.shape_cast %swap3A_428 : vector<1x16xf32> to vector<16xf32>
      %swap3A_430 = vector.shape_cast %add3A_425 : vector<16xf32> to vector<1x16xf32>
      tpu.vector_store %arg7[%swap3A_426, %swap3A_427], %swap3A_430 {strides = array<i32>} : memref<256x128xf32, #tpu.memory_space<vmem>>, vector<1x16xf32>,
      %get3A_431 = arith.index_cast %add3A_352 : i32 to index
      %get3A_432 = arith.constant 96 : index
      %get3A_433 = tpu.vector_load %arg7[%get3A_431, %get3A_432] {strides = array<i32>} : memref<256x128xf32, #tpu.memory_space<vmem>>, vector<1x16xf32>,
      %get3A_434 = vector.shape_cast %get3A_433 : vector<1x16xf32> to vector<16xf32>
      %mul3A_435 = arith.constant 11.3137083 : f32
      %mul3A_436 = vector.broadcast %mul3A_435 : f32 to vector<16xf32>
      %mul3A_437 = arith.mulf %get3A_434, %mul3A_436 : vector<16xf32>
      %add3A_438 = arith.addf %mul3A_437, %get3A_237 : vector<16xf32>
      %swap3A_439 = arith.index_cast %add3A_352 : i32 to index
      %swap3A_440 = arith.constant 96 : index
      %swap3A_441 = tpu.vector_load %arg7[%swap3A_439, %swap3A_440] {strides = array<i32>} : memref<256x128xf32, #tpu.memory_space<vmem>>, vector<1x16xf32>,
      %swap3A_442 = vector.shape_cast %swap3A_441 : vector<1x16xf32> to vector<16xf32>
      %swap3A_443 = vector.shape_cast %add3A_438 : vector<16xf32> to vector<1x16xf32>
      tpu.vector_store %arg7[%swap3A_439, %swap3A_440], %swap3A_443 {strides = array<i32>} : memref<256x128xf32, #tpu.memory_space<vmem>>, vector<1x16xf32>,
      %get3A_444 = arith.index_cast %add3A_352 : i32 to index
      %get3A_445 = arith.constant 112 : index
      %get3A_446 = tpu.vector_load %arg7[%get3A_444, %get3A_445] {strides = array<i32>} : memref<256x128xf32, #tpu.memory_space<vmem>>, vector<1x16xf32>,
      %get3A_447 = vector.shape_cast %get3A_446 : vector<1x16xf32> to vector<16xf32>
      %mul3A_448 = arith.constant 11.3137083 : f32
      %mul3A_449 = vector.broadcast %mul3A_448 : f32 to vector<16xf32>
      %mul3A_450 = arith.mulf %get3A_447, %mul3A_449 : vector<16xf32>
      %add3A_451 = arith.addf %mul3A_450, %get3A_241 : vector<16xf32>
      %swap3A_452 = arith.index_cast %add3A_352 : i32 to index
      %swap3A_453 = arith.constant 112 : index
      %swap3A_454 = tpu.vector_load %arg7[%swap3A_452, %swap3A_453] {strides = array<i32>} : memref<256x128xf32, #tpu.memory_space<vmem>>, vector<1x16xf32>,
      %swap3A_455 = vector.shape_cast %swap3A_454 : vector<1x16xf32> to vector<16xf32>
      %swap3A_456 = vector.shape_cast %add3A_451 : vector<16xf32> to vector<1x16xf32>
      tpu.vector_store %arg7[%swap3A_452, %swap3A_453], %swap3A_456 {strides = array<i32>} : memref<256x128xf32, #tpu.memory_space<vmem>>, vector<1x16xf32>,
      %mul3A_457 = arith.constant 4 : i32
      %mul3A_458 = arith.muli %add3A_210, %mul3A_457 : i32
      %add3A_459 = arith.constant 2 : i32
      %add3A_460 = arith.addi %mul3A_458, %add3A_459 : i32
      %get3A_461 = arith.index_cast %add3A_460 : i32 to index
      %get3A_462 = arith.constant 0 : index
      %get3A_463 = tpu.vector_load %arg7[%get3A_461, %get3A_462] {strides = array<i32>} : memref<256x128xf32, #tpu.memory_space<vmem>>, vector<1x16xf32>,
      %get3A_464 = vector.shape_cast %get3A_463 : vector<1x16xf32> to vector<16xf32>
      %mul3A_465 = arith.constant 11.3137083 : f32
      %mul3A_466 = vector.broadcast %mul3A_465 : f32 to vector<16xf32>
      %mul3A_467 = arith.mulf %get3A_464, %mul3A_466 : vector<16xf32>
      %add3A_468 = arith.addf %mul3A_467, %get3A_213 : vector<16xf32>
      %swap3A_469 = arith.index_cast %add3A_460 : i32 to index
      %swap3A_470 = arith.constant 0 : index
      %swap3A_471 = tpu.vector_load %arg7[%swap3A_469, %swap3A_470] {strides = array<i32>} : memref<256x128xf32, #tpu.memory_space<vmem>>, vector<1x16xf32>,
      %swap3A_472 = vector.shape_cast %swap3A_471 : vector<1x16xf32> to vector<16xf32>
      %swap3A_473 = vector.shape_cast %add3A_468 : vector<16xf32> to vector<1x16xf32>
      tpu.vector_store %arg7[%swap3A_469, %swap3A_470], %swap3A_473 {strides = array<i32>} : memref<256x128xf32, #tpu.memory_space<vmem>>, vector<1x16xf32>,
      %get3A_474 = arith.index_cast %add3A_460 : i32 to index
      %get3A_475 = arith.constant 16 : index
      %get3A_476 = tpu.vector_load %arg7[%get3A_474, %get3A_475] {strides = array<i32>} : memref<256x128xf32, #tpu.memory_space<vmem>>, vector<1x16xf32>,
      %get3A_477 = vector.shape_cast %get3A_476 : vector<1x16xf32> to vector<16xf32>
      %mul3A_478 = arith.constant 11.3137083 : f32
      %mul3A_479 = vector.broadcast %mul3A_478 : f32 to vector<16xf32>
      %mul3A_480 = arith.mulf %get3A_477, %mul3A_479 : vector<16xf32>
      %add3A_481 = arith.addf %mul3A_480, %get3A_217 : vector<16xf32>
      %swap3A_482 = arith.index_cast %add3A_460 : i32 to index
      %swap3A_483 = arith.constant 16 : index
      %swap3A_484 = tpu.vector_load %arg7[%swap3A_482, %swap3A_483] {strides = array<i32>} : memref<256x128xf32, #tpu.memory_space<vmem>>, vector<1x16xf32>,
      %swap3A_485 = vector.shape_cast %swap3A_484 : vector<1x16xf32> to vector<16xf32>
      %swap3A_486 = vector.shape_cast %add3A_481 : vector<16xf32> to vector<1x16xf32>
      tpu.vector_store %arg7[%swap3A_482, %swap3A_483], %swap3A_486 {strides = array<i32>} : memref<256x128xf32, #tpu.memory_space<vmem>>, vector<1x16xf32>,
      %get3A_487 = arith.index_cast %add3A_460 : i32 to index
      %get3A_488 = arith.constant 32 : index
      %get3A_489 = tpu.vector_load %arg7[%get3A_487, %get3A_488] {strides = array<i32>} : memref<256x128xf32, #tpu.memory_space<vmem>>, vector<1x16xf32>,
      %get3A_490 = vector.shape_cast %get3A_489 : vector<1x16xf32> to vector<16xf32>
      %mul3A_491 = arith.constant 11.3137083 : f32
      %mul3A_492 = vector.broadcast %mul3A_491 : f32 to vector<16xf32>
      %mul3A_493 = arith.mulf %get3A_490, %mul3A_492 : vector<16xf32>
      %add3A_494 = arith.addf %mul3A_493, %get3A_221 : vector<16xf32>
      %swap3A_495 = arith.index_cast %add3A_460 : i32 to index
      %swap3A_496 = arith.constant 32 : index
      %swap3A_497 = tpu.vector_load %arg7[%swap3A_495, %swap3A_496] {strides = array<i32>} : memref<256x128xf32, #tpu.memory_space<vmem>>, vector<1x16xf32>,
      %swap3A_498 = vector.shape_cast %swap3A_497 : vector<1x16xf32> to vector<16xf32>
      %swap3A_499 = vector.shape_cast %add3A_494 : vector<16xf32> to vector<1x16xf32>
      tpu.vector_store %arg7[%swap3A_495, %swap3A_496], %swap3A_499 {strides = array<i32>} : memref<256x128xf32, #tpu.memory_space<vmem>>, vector<1x16xf32>,
      %get3A_500 = arith.index_cast %add3A_460 : i32 to index
      %get3A_501 = arith.constant 48 : index
      %get3A_502 = tpu.vector_load %arg7[%get3A_500, %get3A_501] {strides = array<i32>} : memref<256x128xf32, #tpu.memory_space<vmem>>, vector<1x16xf32>,
      %get3A_503 = vector.shape_cast %get3A_502 : vector<1x16xf32> to vector<16xf32>
      %mul3A_504 = arith.constant 11.3137083 : f32
      %mul3A_505 = vector.broadcast %mul3A_504 : f32 to vector<16xf32>
      %mul3A_506 = arith.mulf %get3A_503, %mul3A_505 : vector<16xf32>
      %add3A_507 = arith.addf %mul3A_506, %get3A_225 : vector<16xf32>
      %swap3A_508 = arith.index_cast %add3A_460 : i32 to index
      %swap3A_509 = arith.constant 48 : index
      %swap3A_510 = tpu.vector_load %arg7[%swap3A_508, %swap3A_509] {strides = array<i32>} : memref<256x128xf32, #tpu.memory_space<vmem>>, vector<1x16xf32>,
      %swap3A_511 = vector.shape_cast %swap3A_510 : vector<1x16xf32> to vector<16xf32>
      %swap3A_512 = vector.shape_cast %add3A_507 : vector<16xf32> to vector<1x16xf32>
      tpu.vector_store %arg7[%swap3A_508, %swap3A_509], %swap3A_512 {strides = array<i32>} : memref<256x128xf32, #tpu.memory_space<vmem>>, vector<1x16xf32>,
      %get3A_513 = arith.index_cast %add3A_460 : i32 to index
      %get3A_514 = arith.constant 64 : index
      %get3A_515 = tpu.vector_load %arg7[%get3A_513, %get3A_514] {strides = array<i32>} : memref<256x128xf32, #tpu.memory_space<vmem>>, vector<1x16xf32>,
      %get3A_516 = vector.shape_cast %get3A_515 : vector<1x16xf32> to vector<16xf32>
      %mul3A_517 = arith.constant 11.3137083 : f32
      %mul3A_518 = vector.broadcast %mul3A_517 : f32 to vector<16xf32>
      %mul3A_519 = arith.mulf %get3A_516, %mul3A_518 : vector<16xf32>
      %add3A_520 = arith.addf %mul3A_519, %get3A_229 : vector<16xf32>
      %swap3A_521 = arith.index_cast %add3A_460 : i32 to index
      %swap3A_522 = arith.constant 64 : index
      %swap3A_523 = tpu.vector_load %arg7[%swap3A_521, %swap3A_522] {strides = array<i32>} : memref<256x128xf32, #tpu.memory_space<vmem>>, vector<1x16xf32>,
      %swap3A_524 = vector.shape_cast %swap3A_523 : vector<1x16xf32> to vector<16xf32>
      %swap3A_525 = vector.shape_cast %add3A_520 : vector<16xf32> to vector<1x16xf32>
      tpu.vector_store %arg7[%swap3A_521, %swap3A_522], %swap3A_525 {strides = array<i32>} : memref<256x128xf32, #tpu.memory_space<vmem>>, vector<1x16xf32>,
      %get3A_526 = arith.index_cast %add3A_460 : i32 to index
      %get3A_527 = arith.constant 80 : index
      %get3A_528 = tpu.vector_load %arg7[%get3A_526, %get3A_527] {strides = array<i32>} : memref<256x128xf32, #tpu.memory_space<vmem>>, vector<1x16xf32>,
      %get3A_529 = vector.shape_cast %get3A_528 : vector<1x16xf32> to vector<16xf32>
      %mul3A_530 = arith.constant 11.3137083 : f32
      %mul3A_531 = vector.broadcast %mul3A_530 : f32 to vector<16xf32>
      %mul3A_532 = arith.mulf %get3A_529, %mul3A_531 : vector<16xf32>
      %add3A_533 = arith.addf %mul3A_532, %get3A_233 : vector<16xf32>
      %swap3A_534 = arith.index_cast %add3A_460 : i32 to index
      %swap3A_535 = arith.constant 80 : index
      %swap3A_536 = tpu.vector_load %arg7[%swap3A_534, %swap3A_535] {strides = array<i32>} : memref<256x128xf32, #tpu.memory_space<vmem>>, vector<1x16xf32>,
      %swap3A_537 = vector.shape_cast %swap3A_536 : vector<1x16xf32> to vector<16xf32>
      %swap3A_538 = vector.shape_cast %add3A_533 : vector<16xf32> to vector<1x16xf32>
      tpu.vector_store %arg7[%swap3A_534, %swap3A_535], %swap3A_538 {strides = array<i32>} : memref<256x128xf32, #tpu.memory_space<vmem>>, vector<1x16xf32>,
      %get3A_539 = arith.index_cast %add3A_460 : i32 to index
      %get3A_540 = arith.constant 96 : index
      %get3A_541 = tpu.vector_load %arg7[%get3A_539, %get3A_540] {strides = array<i32>} : memref<256x128xf32, #tpu.memory_space<vmem>>, vector<1x16xf32>,
      %get3A_542 = vector.shape_cast %get3A_541 : vector<1x16xf32> to vector<16xf32>
      %mul3A_543 = arith.constant 11.3137083 : f32
      %mul3A_544 = vector.broadcast %mul3A_543 : f32 to vector<16xf32>
      %mul3A_545 = arith.mulf %get3A_542, %mul3A_544 : vector<16xf32>
      %add3A_546 = arith.addf %mul3A_545, %get3A_237 : vector<16xf32>
      %swap3A_547 = arith.index_cast %add3A_460 : i32 to index
      %swap3A_548 = arith.constant 96 : index
      %swap3A_549 = tpu.vector_load %arg7[%swap3A_547, %swap3A_548] {strides = array<i32>} : memref<256x128xf32, #tpu.memory_space<vmem>>, vector<1x16xf32>,
      %swap3A_550 = vector.shape_cast %swap3A_549 : vector<1x16xf32> to vector<16xf32>
      %swap3A_551 = vector.shape_cast %add3A_546 : vector<16xf32> to vector<1x16xf32>
      tpu.vector_store %arg7[%swap3A_547, %swap3A_548], %swap3A_551 {strides = array<i32>} : memref<256x128xf32, #tpu.memory_space<vmem>>, vector<1x16xf32>,
      %get3A_552 = arith.index_cast %add3A_460 : i32 to index
      %get3A_553 = arith.constant 112 : index
      %get3A_554 = tpu.vector_load %arg7[%get3A_552, %get3A_553] {strides = array<i32>} : memref<256x128xf32, #tpu.memory_space<vmem>>, vector<1x16xf32>,
      %get3A_555 = vector.shape_cast %get3A_554 : vector<1x16xf32> to vector<16xf32>
      %mul3A_556 = arith.constant 11.3137083 : f32
      %mul3A_557 = vector.broadcast %mul3A_556 : f32 to vector<16xf32>
      %mul3A_558 = arith.mulf %get3A_555, %mul3A_557 : vector<16xf32>
      %add3A_559 = arith.addf %mul3A_558, %get3A_241 : vector<16xf32>
      %swap3A_560 = arith.index_cast %add3A_460 : i32 to index
      %swap3A_561 = arith.constant 112 : index
      %swap3A_562 = tpu.vector_load %arg7[%swap3A_560, %swap3A_561] {strides = array<i32>} : memref<256x128xf32, #tpu.memory_space<vmem>>, vector<1x16xf32>,
      %swap3A_563 = vector.shape_cast %swap3A_562 : vector<1x16xf32> to vector<16xf32>
      %swap3A_564 = vector.shape_cast %add3A_559 : vector<16xf32> to vector<1x16xf32>
      tpu.vector_store %arg7[%swap3A_560, %swap3A_561], %swap3A_564 {strides = array<i32>} : memref<256x128xf32, #tpu.memory_space<vmem>>, vector<1x16xf32>,
      %mul3A_565 = arith.constant 4 : i32
      %mul3A_566 = arith.muli %add3A_210, %mul3A_565 : i32
      %add3A_567 = arith.constant 3 : i32
      %add3A_568 = arith.addi %mul3A_566, %add3A_567 : i32
      %get3A_569 = arith.index_cast %add3A_568 : i32 to index
      %get3A_570 = arith.constant 0 : index
      %get3A_571 = tpu.vector_load %arg7[%get3A_569, %get3A_570] {strides = array<i32>} : memref<256x128xf32, #tpu.memory_space<vmem>>, vector<1x16xf32>,
      %get3A_572 = vector.shape_cast %get3A_571 : vector<1x16xf32> to vector<16xf32>
      %mul3A_573 = arith.constant 11.3137083 : f32
      %mul3A_574 = vector.broadcast %mul3A_573 : f32 to vector<16xf32>
      %mul3A_575 = arith.mulf %get3A_572, %mul3A_574 : vector<16xf32>
      %add3A_576 = arith.addf %mul3A_575, %get3A_213 : vector<16xf32>
      %swap3A_577 = arith.index_cast %add3A_568 : i32 to index
      %swap3A_578 = arith.constant 0 : index
      %swap3A_579 = tpu.vector_load %arg7[%swap3A_577, %swap3A_578] {strides = array<i32>} : memref<256x128xf32, #tpu.memory_space<vmem>>, vector<1x16xf32>,
      %swap3A_580 = vector.shape_cast %swap3A_579 : vector<1x16xf32> to vector<16xf32>
      %swap3A_581 = vector.shape_cast %add3A_576 : vector<16xf32> to vector<1x16xf32>
      tpu.vector_store %arg7[%swap3A_577, %swap3A_578], %swap3A_581 {strides = array<i32>} : memref<256x128xf32, #tpu.memory_space<vmem>>, vector<1x16xf32>,
      %get3A_582 = arith.index_cast %add3A_568 : i32 to index
      %get3A_583 = arith.constant 16 : index
      %get3A_584 = tpu.vector_load %arg7[%get3A_582, %get3A_583] {strides = array<i32>} : memref<256x128xf32, #tpu.memory_space<vmem>>, vector<1x16xf32>,
      %get3A_585 = vector.shape_cast %get3A_584 : vector<1x16xf32> to vector<16xf32>
      %mul3A_586 = arith.constant 11.3137083 : f32
      %mul3A_587 = vector.broadcast %mul3A_586 : f32 to vector<16xf32>
      %mul3A_588 = arith.mulf %get3A_585, %mul3A_587 : vector<16xf32>
      %add3A_589 = arith.addf %mul3A_588, %get3A_217 : vector<16xf32>
      %swap3A_590 = arith.index_cast %add3A_568 : i32 to index
      %swap3A_591 = arith.constant 16 : index
      %swap3A_592 = tpu.vector_load %arg7[%swap3A_590, %swap3A_591] {strides = array<i32>} : memref<256x128xf32, #tpu.memory_space<vmem>>, vector<1x16xf32>,
      %swap3A_593 = vector.shape_cast %swap3A_592 : vector<1x16xf32> to vector<16xf32>
      %swap3A_594 = vector.shape_cast %add3A_589 : vector<16xf32> to vector<1x16xf32>
      tpu.vector_store %arg7[%swap3A_590, %swap3A_591], %swap3A_594 {strides = array<i32>} : memref<256x128xf32, #tpu.memory_space<vmem>>, vector<1x16xf32>,
      %get3A_595 = arith.index_cast %add3A_568 : i32 to index
      %get3A_596 = arith.constant 32 : index
      %get3A_597 = tpu.vector_load %arg7[%get3A_595, %get3A_596] {strides = array<i32>} : memref<256x128xf32, #tpu.memory_space<vmem>>, vector<1x16xf32>,
      %get3A_598 = vector.shape_cast %get3A_597 : vector<1x16xf32> to vector<16xf32>
      %mul3A_599 = arith.constant 11.3137083 : f32
      %mul3A_600 = vector.broadcast %mul3A_599 : f32 to vector<16xf32>
      %mul3A_601 = arith.mulf %get3A_598, %mul3A_600 : vector<16xf32>
      %add3A_602 = arith.addf %mul3A_601, %get3A_221 : vector<16xf32>
      %swap3A_603 = arith.index_cast %add3A_568 : i32 to index
      %swap3A_604 = arith.constant 32 : index
      %swap3A_605 = tpu.vector_load %arg7[%swap3A_603, %swap3A_604] {strides = array<i32>} : memref<256x128xf32, #tpu.memory_space<vmem>>, vector<1x16xf32>,
      %swap3A_606 = vector.shape_cast %swap3A_605 : vector<1x16xf32> to vector<16xf32>
      %swap3A_607 = vector.shape_cast %add3A_602 : vector<16xf32> to vector<1x16xf32>
      tpu.vector_store %arg7[%swap3A_603, %swap3A_604], %swap3A_607 {strides = array<i32>} : memref<256x128xf32, #tpu.memory_space<vmem>>, vector<1x16xf32>,
      %get3A_608 = arith.index_cast %add3A_568 : i32 to index
      %get3A_609 = arith.constant 48 : index
      %get3A_610 = tpu.vector_load %arg7[%get3A_608, %get3A_609] {strides = array<i32>} : memref<256x128xf32, #tpu.memory_space<vmem>>, vector<1x16xf32>,
      %get3A_611 = vector.shape_cast %get3A_610 : vector<1x16xf32> to vector<16xf32>
      %mul3A_612 = arith.constant 11.3137083 : f32
      %mul3A_613 = vector.broadcast %mul3A_612 : f32 to vector<16xf32>
      %mul3A_614 = arith.mulf %get3A_611, %mul3A_613 : vector<16xf32>
      %add3A_615 = arith.addf %mul3A_614, %get3A_225 : vector<16xf32>
      %swap3A_616 = arith.index_cast %add3A_568 : i32 to index
      %swap3A_617 = arith.constant 48 : index
      %swap3A_618 = tpu.vector_load %arg7[%swap3A_616, %swap3A_617] {strides = array<i32>} : memref<256x128xf32, #tpu.memory_space<vmem>>, vector<1x16xf32>,
      %swap3A_619 = vector.shape_cast %swap3A_618 : vector<1x16xf32> to vector<16xf32>
      %swap3A_620 = vector.shape_cast %add3A_615 : vector<16xf32> to vector<1x16xf32>
      tpu.vector_store %arg7[%swap3A_616, %swap3A_617], %swap3A_620 {strides = array<i32>} : memref<256x128xf32, #tpu.memory_space<vmem>>, vector<1x16xf32>,
      %get3A_621 = arith.index_cast %add3A_568 : i32 to index
      %get3A_622 = arith.constant 64 : index
      %get3A_623 = tpu.vector_load %arg7[%get3A_621, %get3A_622] {strides = array<i32>} : memref<256x128xf32, #tpu.memory_space<vmem>>, vector<1x16xf32>,
      %get3A_624 = vector.shape_cast %get3A_623 : vector<1x16xf32> to vector<16xf32>
      %mul3A_625 = arith.constant 11.3137083 : f32
      %mul3A_626 = vector.broadcast %mul3A_625 : f32 to vector<16xf32>
      %mul3A_627 = arith.mulf %get3A_624, %mul3A_626 : vector<16xf32>
      %add3A_628 = arith.addf %mul3A_627, %get3A_229 : vector<16xf32>
      %swap3A_629 = arith.index_cast %add3A_568 : i32 to index
      %swap3A_630 = arith.constant 64 : index
      %swap3A_631 = tpu.vector_load %arg7[%swap3A_629, %swap3A_630] {strides = array<i32>} : memref<256x128xf32, #tpu.memory_space<vmem>>, vector<1x16xf32>,
      %swap3A_632 = vector.shape_cast %swap3A_631 : vector<1x16xf32> to vector<16xf32>
      %swap3A_633 = vector.shape_cast %add3A_628 : vector<16xf32> to vector<1x16xf32>
      tpu.vector_store %arg7[%swap3A_629, %swap3A_630], %swap3A_633 {strides = array<i32>} : memref<256x128xf32, #tpu.memory_space<vmem>>, vector<1x16xf32>,
      %get3A_634 = arith.index_cast %add3A_568 : i32 to index
      %get3A_635 = arith.constant 80 : index
      %get3A_636 = tpu.vector_load %arg7[%get3A_634, %get3A_635] {strides = array<i32>} : memref<256x128xf32, #tpu.memory_space<vmem>>, vector<1x16xf32>,
      %get3A_637 = vector.shape_cast %get3A_636 : vector<1x16xf32> to vector<16xf32>
      %mul3A_638 = arith.constant 11.3137083 : f32
      %mul3A_639 = vector.broadcast %mul3A_638 : f32 to vector<16xf32>
      %mul3A_640 = arith.mulf %get3A_637, %mul3A_639 : vector<16xf32>
      %add3A_641 = arith.addf %mul3A_640, %get3A_233 : vector<16xf32>
      %swap3A_642 = arith.index_cast %add3A_568 : i32 to index
      %swap3A_643 = arith.constant 80 : index
      %swap3A_644 = tpu.vector_load %arg7[%swap3A_642, %swap3A_643] {strides = array<i32>} : memref<256x128xf32, #tpu.memory_space<vmem>>, vector<1x16xf32>,
      %swap3A_645 = vector.shape_cast %swap3A_644 : vector<1x16xf32> to vector<16xf32>
      %swap3A_646 = vector.shape_cast %add3A_641 : vector<16xf32> to vector<1x16xf32>
      tpu.vector_store %arg7[%swap3A_642, %swap3A_643], %swap3A_646 {strides = array<i32>} : memref<256x128xf32, #tpu.memory_space<vmem>>, vector<1x16xf32>,
      %get3A_647 = arith.index_cast %add3A_568 : i32 to index
      %get3A_648 = arith.constant 96 : index
      %get3A_649 = tpu.vector_load %arg7[%get3A_647, %get3A_648] {strides = array<i32>} : memref<256x128xf32, #tpu.memory_space<vmem>>, vector<1x16xf32>,
      %get3A_650 = vector.shape_cast %get3A_649 : vector<1x16xf32> to vector<16xf32>
      %mul3A_651 = arith.constant 11.3137083 : f32
      %mul3A_652 = vector.broadcast %mul3A_651 : f32 to vector<16xf32>
      %mul3A_653 = arith.mulf %get3A_650, %mul3A_652 : vector<16xf32>
      %add3A_654 = arith.addf %mul3A_653, %get3A_237 : vector<16xf32>
      %swap3A_655 = arith.index_cast %add3A_568 : i32 to index
      %swap3A_656 = arith.constant 96 : index
      %swap3A_657 = tpu.vector_load %arg7[%swap3A_655, %swap3A_656] {strides = array<i32>} : memref<256x128xf32, #tpu.memory_space<vmem>>, vector<1x16xf32>,
      %swap3A_658 = vector.shape_cast %swap3A_657 : vector<1x16xf32> to vector<16xf32>
      %swap3A_659 = vector.shape_cast %add3A_654 : vector<16xf32> to vector<1x16xf32>
      tpu.vector_store %arg7[%swap3A_655, %swap3A_656], %swap3A_659 {strides = array<i32>} : memref<256x128xf32, #tpu.memory_space<vmem>>, vector<1x16xf32>,
      %get3A_660 = arith.index_cast %add3A_568 : i32 to index
      %get3A_661 = arith.constant 112 : index
      %get3A_662 = tpu.vector_load %arg7[%get3A_660, %get3A_661] {strides = array<i32>} : memref<256x128xf32, #tpu.memory_space<vmem>>, vector<1x16xf32>,
      %get3A_663 = vector.shape_cast %get3A_662 : vector<1x16xf32> to vector<16xf32>
      %mul3A_664 = arith.constant 11.3137083 : f32
      %mul3A_665 = vector.broadcast %mul3A_664 : f32 to vector<16xf32>
      %mul3A_666 = arith.mulf %get3A_663, %mul3A_665 : vector<16xf32>
      %add3A_667 = arith.addf %mul3A_666, %get3A_241 : vector<16xf32>
      %swap3A_668 = arith.index_cast %add3A_568 : i32 to index
      %swap3A_669 = arith.constant 112 : index
      %swap3A_670 = tpu.vector_load %arg7[%swap3A_668, %swap3A_669] {strides = array<i32>} : memref<256x128xf32, #tpu.memory_space<vmem>>, vector<1x16xf32>,
      %swap3A_671 = vector.shape_cast %swap3A_670 : vector<1x16xf32> to vector<16xf32>
      %swap3A_672 = vector.shape_cast %add3A_667 : vector<16xf32> to vector<1x16xf32>
      tpu.vector_store %arg7[%swap3A_668, %swap3A_669], %swap3A_672 {strides = array<i32>} : memref<256x128xf32, #tpu.memory_space<vmem>>, vector<1x16xf32>,
    }
    %scan3A_151 = arith.constant 16 : i32
    %mul3A_152 = arith.constant 256 : i32
    %mul3A_153 = arith.muli %add3A, %mul3A_152 : i32
    %add3A_154 = arith.constant 192 : i32
    %add3A_155 = arith.addi %mul3A_153, %add3A_154 : i32
    %dma_start3A_156 = arith.constant 192 : i32
    %dma_start3A_157 = arith.constant 0 : i32
    %dma_start3A_158 = tpu.memref_slice %arg7[%dma_start3A_156, %dma_start3A_157] : memref<256x128xf32, #tpu.memory_space<vmem>> -> memref<64x128xf32, #tpu.memory_space<vmem>>
    %dma_start3A_159 = arith.constant 0 : i32
    %dma_start3A_160 = tpu.memref_slice %arg5[%add3A_155, %dma_start3A_159] : memref<8192x128xf32, #tpu.memory_space<hbm>> -> memref<64x128xf32, #tpu.memory_space<hbm>>
    %dma_start3A_161 = arith.constant 0 : i32
    %dma_start3A_162 = tpu.memref_slice %arg5[%add3A_155, %dma_start3A_161] : memref<8192x128xf32, #tpu.memory_space<hbm>> -> memref<64x128xf32, #tpu.memory_space<hbm>>
    %dma_start3A_163 = arith.constant 192 : i32
    %dma_start3A_164 = arith.constant 0 : i32
    %dma_start3A_165 = tpu.memref_slice %arg7[%dma_start3A_163, %dma_start3A_164] : memref<256x128xf32, #tpu.memory_space<vmem>> -> memref<64x128xf32, #tpu.memory_space<vmem>>
    tpu.enqueue_dma source(%dma_start3A_165 : memref<64x128xf32, #tpu.memory_space<vmem>>) target(%dma_start3A_162 : memref<64x128xf32, #tpu.memory_space<hbm>>) target_semaphore(%arg13 : memref<!tpu.dma_semaphore, #tpu.memory_space<semaphore_mem>>)
    %dma_wait3A_166 = arith.constant 0 : i32
    %dma_wait3A_167 = arith.constant 0 : i32
    %dma_wait3A_168 = tpu.memref_slice %arg7[%dma_wait3A_166, %dma_wait3A_167] : memref<256x128xf32, #tpu.memory_space<vmem>> -> memref<64x128xf32, #tpu.memory_space<vmem>>
    %dma_wait3A_169 = arith.constant 0 : i32
    %dma_wait3A_170 = tpu.memref_slice %arg5[%add3A_68, %dma_wait3A_169] : memref<8192x128xf32, #tpu.memory_space<hbm>> -> memref<64x128xf32, #tpu.memory_space<hbm>>
    %dma_wait3A_171 = arith.constant 0 : i32
    %dma_wait3A_172 = tpu.memref_slice %arg5[%add3A_68, %dma_wait3A_171] : memref<8192x128xf32, #tpu.memory_space<hbm>> -> memref<64x128xf32, #tpu.memory_space<hbm>>
    %dma_wait3A_173 = arith.constant 0 : i32
    %dma_wait3A_174 = arith.constant 0 : i32
    %dma_wait3A_175 = tpu.memref_slice %arg7[%dma_wait3A_173, %dma_wait3A_174] : memref<256x128xf32, #tpu.memory_space<vmem>> -> memref<64x128xf32, #tpu.memory_space<vmem>>
    tpu.wait_dma2 semaphore(%arg13 : memref<!tpu.dma_semaphore, #tpu.memory_space<semaphore_mem>>) src(%dma_wait3A_175 : memref<64x128xf32, #tpu.memory_space<vmem>>) dst(%dma_wait3A_172 : memref<64x128xf32, #tpu.memory_space<hbm>>)
    %dma_wait3A_176 = arith.constant 64 : i32
    %dma_wait3A_177 = arith.constant 0 : i32
    %dma_wait3A_178 = tpu.memref_slice %arg7[%dma_wait3A_176, %dma_wait3A_177] : memref<256x128xf32, #tpu.memory_space<vmem>> -> memref<64x128xf32, #tpu.memory_space<vmem>>
    %dma_wait3A_179 = arith.constant 0 : i32
    %dma_wait3A_180 = tpu.memref_slice %arg5[%add3A_97, %dma_wait3A_179] : memref<8192x128xf32, #tpu.memory_space<hbm>> -> memref<64x128xf32, #tpu.memory_space<hbm>>
    %dma_wait3A_181 = arith.constant 0 : i32
    %dma_wait3A_182 = tpu.memref_slice %arg5[%add3A_97, %dma_wait3A_181] : memref<8192x128xf32, #tpu.memory_space<hbm>> -> memref<64x128xf32, #tpu.memory_space<hbm>>
    %dma_wait3A_183 = arith.constant 64 : i32
    %dma_wait3A_184 = arith.constant 0 : i32
    %dma_wait3A_185 = tpu.memref_slice %arg7[%dma_wait3A_183, %dma_wait3A_184] : memref<256x128xf32, #tpu.memory_space<vmem>> -> memref<64x128xf32, #tpu.memory_space<vmem>>
    tpu.wait_dma2 semaphore(%arg13 : memref<!tpu.dma_semaphore, #tpu.memory_space<semaphore_mem>>) src(%dma_wait3A_185 : memref<64x128xf32, #tpu.memory_space<vmem>>) dst(%dma_wait3A_182 : memref<64x128xf32, #tpu.memory_space<hbm>>)
    %dma_wait3A_186 = arith.constant 128 : i32
    %dma_wait3A_187 = arith.constant 0 : i32
    %dma_wait3A_188 = tpu.memref_slice %arg7[%dma_wait3A_186, %dma_wait3A_187] : memref<256x128xf32, #tpu.memory_space<vmem>> -> memref<64x128xf32, #tpu.memory_space<vmem>>
    %dma_wait3A_189 = arith.constant 0 : i32
    %dma_wait3A_190 = tpu.memref_slice %arg5[%add3A_126, %dma_wait3A_189] : memref<8192x128xf32, #tpu.memory_space<hbm>> -> memref<64x128xf32, #tpu.memory_space<hbm>>
    %dma_wait3A_191 = arith.constant 0 : i32
    %dma_wait3A_192 = tpu.memref_slice %arg5[%add3A_126, %dma_wait3A_191] : memref<8192x128xf32, #tpu.memory_space<hbm>> -> memref<64x128xf32, #tpu.memory_space<hbm>>
    %dma_wait3A_193 = arith.constant 128 : i32
    %dma_wait3A_194 = arith.constant 0 : i32
    %dma_wait3A_195 = tpu.memref_slice %arg7[%dma_wait3A_193, %dma_wait3A_194] : memref<256x128xf32, #tpu.memory_space<vmem>> -> memref<64x128xf32, #tpu.memory_space<vmem>>
    tpu.wait_dma2 semaphore(%arg13 : memref<!tpu.dma_semaphore, #tpu.memory_space<semaphore_mem>>) src(%dma_wait3A_195 : memref<64x128xf32, #tpu.memory_space<vmem>>) dst(%dma_wait3A_192 : memref<64x128xf32, #tpu.memory_space<hbm>>)
    %dma_wait3A_196 = arith.constant 192 : i32
    %dma_wait3A_197 = arith.constant 0 : i32
    %dma_wait3A_198 = tpu.memref_slice %arg7[%dma_wait3A_196, %dma_wait3A_197] : memref<256x128xf32, #tpu.memory_space<vmem>> -> memref<64x128xf32, #tpu.memory_space<vmem>>
    %dma_wait3A_199 = arith.constant 0 : i32
    %dma_wait3A_200 = tpu.memref_slice %arg5[%add3A_155, %dma_wait3A_199] : memref<8192x128xf32, #tpu.memory_space<hbm>> -> memref<64x128xf32, #tpu.memory_space<hbm>>
    %dma_wait3A_201 = arith.constant 0 : i32
    %dma_wait3A_202 = tpu.memref_slice %arg5[%add3A_155, %dma_wait3A_201] : memref<8192x128xf32, #tpu.memory_space<hbm>> -> memref<64x128xf32, #tpu.memory_space<hbm>>
    %dma_wait3A_203 = arith.constant 192 : i32
    %dma_wait3A_204 = arith.constant 0 : i32
    %dma_wait3A_205 = tpu.memref_slice %arg7[%dma_wait3A_203, %dma_wait3A_204] : memref<256x128xf32, #tpu.memory_space<vmem>> -> memref<64x128xf32, #tpu.memory_space<vmem>>
    tpu.wait_dma2 semaphore(%arg13 : memref<!tpu.dma_semaphore, #tpu.memory_space<semaphore_mem>>) src(%dma_wait3A_205 : memref<64x128xf32, #tpu.memory_space<vmem>>) dst(%dma_wait3A_202 : memref<64x128xf32, #tpu.memory_space<hbm>>)
    return
  }
}

</mosaic_0001>

<sc_bundles>
// kernel: _run.3.cloned.1.call-start
scs
__scs_entry_jumppad:
0x0: {  	(pc) =	sbr.rel $0x88, $3  }
0x1: {  	(tag) =	ssettag $0x0;
	lr =	simm.s32 $0x1  }
0x2: {  	[smem:$0x3F9E] =	sst lr;
	_ =	strace $0xD0000000  }
0x3: {  	_ = 	snop  }
0x4: {  	_ = 	snop  }
0x5: {  	_ = 	snop  }
0x6: {  	_ = 	snop  }
0x7: {  	_ = 	snop  }
__scs_overlays_trampoline_lowered:
0x8: {  	[smem:$0x3FAD] =	sst s0  }
0x9: {  	[smem:$0x3FAE] =	sst s1  }
0xa: {  	[smem:$0x3FAF] =	sst s2  }
0xb: {  	[smem:$0x3FB0] =	sst s3  }
0xc: {  	[smem:$0x3FB1] =	sst s4  }
0xd: {  	[smem:$0x3FB2] =	sst s5  }
0xe: {  	[smem:$0x3FB3] =	sst s6  }
0xf: {  	[smem:$0x3FB4] =	sst s7  }
0x10: {  	[smem:$0x3FB5] =	sst s8  }
0x11: {  	[smem:$0x3FB6] =	sst s9;
	s0 =	simm.s32 @!p0 $0x0  }
0x12: {  	s1 =	sld [smem:$0x3F9C];
	s0 =	simm.s32 @p0 $0x1  }
0x13: {  	[smem:$0x3FB7] =	sst s0;
	s0 =	simm.s32 @!p1 $0x0  }
0x14: {  	s2 =	sld [smem:$0x3F9B];
	s0 =	simm.s32 @p1 $0x1  }
0x15: {  	[smem:$0x3FB8] =	sst s0;
	s0 =	simm.s32 @!p2 $0x0  }
0x16: {  	s3 =	sld [smem:$0x3FDB];
	s0 =	simm.s32 @p2 $0x1  }
0x17: {  	s4 =	simm.s32 $0x1BF5;
	[smem:$0x3FBA] =	sst s0  }
0x18: {  	s0 =	sld [smem:$0x3F9D];
	_ =	swait.ge [sflag:s4], $0x0  }
0x19: {  	s7 =	sld [smem:$0x3F9E]  }
0x1a: {  	s8 =	sadd.s32 $0xFFFFE003, lr  }
0x1b: {  	s9 =	sadd.s32 $0xFFFFFEF7, lr;
	s5 =	simm.s32 $0xFFFFFFFF;
	p2 =	slt.u32 s8, $0xFFFFF086  }
0x1c: {  	p1 =	slt.u32 s9, $0xF7A;
	s5 =	simm.s32 @!p2 $0x0  }
0x1d: {  	s5 =	simm.s32 @p1 $0x1;
	p0 =	seq.s32 s7, s2  }
0x1e: {  	s7 =	smul.u32 @!p0 $0xF7A, s2;
	p2 =	seq.s32 @!p0 s5, $0x0  }
0x1f: {  	s9 =	smul.u32 $0xF7A, s1;
	s8 =	simm.s32 @!p0 $0x1BF5;
	p2 =	por !p2, p0  }
0x20: {  	[sflag:s8] =	ssyncset.s32 @!p0 $0xFFFFF086;
	s6 =	sadd.s32 @!p0 s3, s7;
	s7 =	simm.s32 @!p0 $0x108  }
0x21: {  	s3 =	sadd.s32 s3, s9;
	s6 =	sadd.s32 @!p0 $0x88, s6;
	s7 =	simm.s32 @p2 $0x1082  }
0x22: {  	[simem:s7], [sflag:s8] =	dma.local @!p0 [hbm:s6], $0xF7A  }
0x23: {  	s9 =	sor.u32 $0xD0000000, s2;
	s6 =	simm.s32 $0x108;
	_ =	swait.ge @!p0 [sflag:s8], $0x0  }
0x24: {  	s3 =	sadd.s32 $0x88, s3;
	s6 =	simm.s32 @!p1 $0x1082;
	[sflag:s4] =	ssyncset.s32 $0xFFFFF086  }
0x25: {  	[simem:s6], [sflag:s4] =	dma.local [hbm:s3], $0xF7A  }
0x26: {  	[smem:$0x3F9E] =	sst s1;
	(tag) =	ssettag s2;
	_ =	strace s9  }
0x27: {  	s1 =	sld [smem:$0x3FAE]  }
0x28: {  	s2 =	sld [smem:$0x3FAF]  }
0x29: {  	s4 =	sld [smem:$0x3FB1]  }
0x2a: {  	p0 =	seq.s32 s5, $0x0;
	s5 =	sld [smem:$0x3FB2]  }
0x2b: {  	s6 =	sld [smem:$0x3FB3]  }
0x2c: {  	s7 =	sld [smem:$0x3FB4]  }
0x2d: {  	s3 =	simm.s32 $0x108;
	s8 =	sld [smem:$0x3FB5]  }
0x2e: {  	s3 =	simm.s32 @!p0 $0x1082;
	s9 =	sld [smem:$0x3FB6]  }
0x2f: {  	lr =	sadd.s32 s0, s3;
	s0 =	sld [smem:$0x3FAD]  }
0x30: {  	s3 =	sld [smem:$0x3FB0]  }
0x31: {  	[smem:$0x3FB9] =	sst s10  }
0x32: {  	s10 =	sld [smem:$0x3FB7];
	_ =	sdelay $0x3  }
0x33: {  	p0 =	seq.s32 s10, $0x1;
	s10 =	sld [smem:$0x3FB9];
	_ =	sdelay $0x3  }
0x34: {  	[smem:$0x3FB9] =	sst s10  }
0x35: {  	s10 =	sld [smem:$0x3FB8];
	_ =	sdelay $0x3  }
0x36: {  	p1 =	seq.s32 s10, $0x1;
	s10 =	sld [smem:$0x3FB9];
	_ =	sdelay $0x3  }
0x37: {  	[smem:$0x3FB9] =	sst s10  }
0x38: {  	s10 =	sld [smem:$0x3FBA]  }
0x39: {  	_ = 	snop;
	(pc) =	sbr.ind lr, $3  }
0x3a: {  	_ = 	snop  }
0x3b: {  	_ = 	snop  }
0x3c: {  	p2 =	seq.s32 s10, $0x1;
	s10 =	sld [smem:$0x3FB9]  }
0x3d: {  	_ =	shalt  }
0x3e: {  	_ =	shalt  }
0x3f: {  	_ =	shalt  }
0x40: {  	_ =	shalt  }
0x41: {  	_ =	shalt  }
0x42: {  	_ =	shalt  }
0x43: {  	_ =	shalt  }
0x44: {  	_ =	shalt  }
0x45: {  	_ =	shalt  }
0x46: {  	_ =	shalt  }
0x47: {  	_ =	shalt  }
0x48: {  	_ =	shalt  }
0x49: {  	_ =	shalt  }
0x4a: {  	_ =	shalt  }
0x4b: {  	_ =	shalt  }
0x4c: {  	_ =	shalt  }
0x4d: {  	_ =	shalt  }
0x4e: {  	_ =	shalt  }
0x4f: {  	_ =	shalt  }
0x50: {  	_ =	shalt  }
0x51: {  	_ =	shalt  }
0x52: {  	_ =	shalt  }
0x53: {  	_ =	shalt  }
0x54: {  	_ =	shalt  }
0x55: {  	_ =	shalt  }
0x56: {  	_ =	shalt  }
0x57: {  	_ =	shalt  }
0x58: {  	_ =	shalt  }
0x59: {  	_ =	shalt  }
0x5a: {  	_ =	shalt  }
0x5b: {  	_ =	shalt  }
0x5c: {  	_ =	shalt  }
0x5d: {  	_ =	shalt  }
0x5e: {  	_ =	shalt  }
0x5f: {  	_ =	shalt  }
0x60: {  	_ =	shalt  }
0x61: {  	_ =	shalt  }
0x62: {  	_ =	shalt  }
0x63: {  	_ =	shalt  }
0x64: {  	_ =	shalt  }
0x65: {  	_ =	shalt  }
0x66: {  	_ =	shalt  }
0x67: {  	_ =	shalt  }
0x68: {  	_ =	shalt  }
0x69: {  	_ =	shalt  }
0x6a: {  	_ =	shalt  }
0x6b: {  	_ =	shalt  }
0x6c: {  	_ =	shalt  }
0x6d: {  	_ =	shalt  }
0x6e: {  	_ =	shalt  }
0x6f: {  	_ =	shalt  }
0x70: {  	_ =	shalt  }
0x71: {  	_ =	shalt  }
0x72: {  	_ =	shalt  }
0x73: {  	_ =	shalt  }
0x74: {  	_ =	shalt  }
0x75: {  	_ =	shalt  }
0x76: {  	_ =	shalt  }
0x77: {  	_ =	shalt  }
0x78: {  	_ =	shalt  }
0x79: {  	_ =	shalt  }
0x7a: {  	_ =	shalt  }
0x7b: {  	_ =	shalt  }
0x7c: {  	_ =	shalt  }
0x7d: {  	_ =	shalt  }
0x7e: {  	_ =	shalt  }
0x7f: {  	_ =	shalt  }
0x80: {  	_ =	shalt  }
0x81: {  	_ =	shalt  }
0x82: {  	_ =	shalt  }
0x83: {  	_ =	shalt  }
0x84: {  	_ =	shalt  }
0x85: {  	_ =	shalt  }
0x86: {  	_ =	shalt  }
0x87: {  	_ =	shalt  }
.Lfunc_end0:
.L_simem_size_0:
called_computation_lowered:
.L_overlay_start_0:
0x88: {  	s2 =	sld [smem:$0x3FD9]  }
0x89: {  	s3 =	sld [smem:$0x3FFE];
	_ =	sdelay $0x1  }
0x8a: {  	s1 =	srdreg.scid  }
0x8b: {  	s0 =	sand.u32 $0x1, s1  }
0x8c: {  	s18 =	sshll.u32 s0, $0xA;
	s2 =	sadd.s32 s3, s2  }
0x8d: {  	s2 =	sadd.s32 s2, s18  }
0x8e: {  	[smem:$0x3FC5] =	sst s2  }
0x8f: {  	_ = 	snop  }
0x90: {  	s2 =	sld [smem:$0x3FC9]  }
0x91: {  	s19 =	sld [smem:$0x3FC8]  }
0x92: {  	s4 =	sld [smem:$0x3FC7]  }
0x93: {  	s5 =	sld [smem:$0x3FD0];
	(tm) =	ssettm $0x1  }
0x94: {  	s6 =	sld [smem:$0x3FFB];
	_ =	sdelay $0x3  }
0x95: {  	_ =	strace s6  }
0x96: {  	s6 =	sld [smem:$0x3FFC];
	_ =	sdelay $0x3  }
0x97: {  	_ =	strace s6  }
0x98: {  	s6 =	sld [smem:$0x3FFD];
	_ =	sdelay $0x3  }
0x99: {  	_ =	strace s6  }
0x9a: {  	_ =	strace $0x8FFFFFFF  }
0x9b: {  	s20 =	sld [smem:$0x3FDB];
	_ =	sdelay $0x1  }
0x9c: {  	s7 =	simm.s32 $_scs_section_size  }
0x9d: {  	s8 =	simm.s32 $_size__tile_overlayer_lowered;
	s9 =	simm.s32 $_tile_overlayer_lowered  }
0x9e: {  	s23 =	simm.s32 $0x1BFF;
	s22 =	sshll.u32 s9, $0x1;
	s6 =	sadd.s32 s7, s20  }
0x9f: {  	s10 =	simm.s32 $0x0;
	s21 =	sshll.u32 s8, $0x1;
	s8 =	sadd.s32 s22, s6  }
0xa0: {  	[timem:s10], [sflag:s23] =	dma.local [hbm:s8], s21  }
0xa1: {  	_ =	swait.ge [sflag:s23], s21  }
0xa2: {  	s7 =	ssub.s32 $0x0, s21;
	[sflag:s23] =	ssyncset.done $0x0  }
0xa3: {  	[sflag:s23] =	ssyncadd.s32 s7;
	_ =	sdelay $0x1  }
0xa4: {  	s24 =	simm.s32 $0x1B8B  }
0xa5: {  	_ =	swait.ge [sflag:s24], $0x1  }
0xa6: {  	[sflag:s24] =	ssyncset.done $0x0  }
0xa7: {  	s25 =	simm.s32 $0x1B8E;
	[sflag:s24] =	ssyncadd.s32 $0xFFFFFFFF  }
0xa8: {  	s26 =	simm.s32 $execute0_lowered;
	[smem:$0x3FD2] =	sst s25  }
0xa9: {  	s7 =	sshll.u32 s26, $0x1;
	_ =	strace $0x80000046;
	[dreg:$0x1] =	wrdreg $0xFFFFFFFF  }
0xaa: {  	s28 =	simm.s32 $_size_execute0_lowered;
	s6 =	sadd.s32 s6, s7;
	[dreg:$0x0] =	wrdreg $0x0  }
0xab: {  	s7 =	sshll.u32 s28, $0x1;
	[dreg:$0x2] =	wrdreg s6  }
0xac: {  	[dreg:$0x3] =	wrdreg s7  }
0xad: {  	[dreg:$0x4] =	wrdreg $0xC0  }
0xae: {  	_ =	task [dreg:s10], $0x5FFFF  }
0xaf: {  	[dreg:$0x1] =	wrdreg $0xFFFFFFFF  }
0xb0: {  	[dreg:$0x0] =	wrdreg $0x60  }
0xb1: {  	[dreg:$0x2] =	wrdreg s2  }
0xb2: {  	[dreg:$0x3] =	wrdreg s19  }
0xb3: {  	[dreg:$0x4] =	wrdreg s4  }
0xb4: {  	[dreg:$0x5] =	wrdreg s5  }
0xb5: {  	[dreg:$0x6] =	wrdreg $0x9  }
0xb6: {  	_ =	task.clear_ibuf [dreg:s10], $0x7FFFF;
	_ =	strace $0x90000046  }
0xb7: {  	s29 =	simm.s32 $0x9;
	_ =	strace $0x80000048  }
0xb8: {  	_ =	swait.ge [sflag:s29], $0x1  }
0xb9: {  	[sflag:s29] =	ssyncadd.s32 $0xFFFFFFFF  }
0xba: {  	_ =	strace $0x90000048  }
0xbb: {  	_ =	sfence  }
0xbc: {  	s30 =	sld [smem:$0x0];
	_ =	sdelay $0x2  }
0xbd: {  	s31 =	sshll.u32 s1, $0xD;
	s1 =	sshrl.u32 s1, $0x2  }
0xbe: {  	s3 =	sand.u32 $0x4000, s31;
	s1 =	sadd.s32 s1, s30  }
0xbf: {  	s0 =	sor.u32 s3, s0;
	s1 =	sshll.u32 s1, $0x11  }
0xc0: {  	s0 =	sor.u32 s1, s0  }
0xc1: {  	s0 =	sadd.s32 $0x8F2B, s0  }
0xc2: {  	[sflag:s0] =	ssyncadd.remote.s32 $0x1  }
0xc3: {  	_ =	sfence.sel $0xFFFF  }
0xc4: {  	[dreg:$0x0] =	wrdreg $0xFFFFFFFF;
	(pc) =	sbr.abs _section_cstart, $3  }
0xc5: {  	[dreg:$0x1] =	wrdreg $0xFFFFFFFF  }
0xc6: {  	_ =	task.clear_ibuf [dreg:s10], $0x2FFFF;
	_ =	strace $0x9FFFFFFF  }
0xc7: {  	(tm) =	ssettm $0x7FFFFFFF  }
tec
execute0_lowered:
.L_overlay_start_1:
0x0: {  	(tag) =	ssettag $0x1  }
0x1: {  	s4 =	rddreg [dreg:$0x0]  }
0x2: {  	s1 =	rddreg [dreg:$0x1]  }
0x3: {  	s6 =	rddreg [dreg:$0x2]  }
0x4: {  	s5 =	rddreg [dreg:$0x3]  }
0x5: {  	s0 =	rddreg [dreg:$0x4];
	s7 =	srdreg.scid  }
0x6: {  	s3 =	simm.s32 $0x0;
	s2 =	stileid.u32;
	s11 =	simm.s32 $0x7  }
0x7: {  	s12 =	simm.s32 $0x8100;
	s13 =	simm.s32 $0x40;
	s14 =	simm.s32 $0x100  }
0x8: {  	s15 =	simm.s32 $0x2100;
	s16 =	simm.s32 $0x80;
	s17 =	simm.s32 $0x4100  }
0x9: {  	s18 =	simm.s32 $0xC0;
	s19 =	simm.s32 $0x6100;
	s20 =	simm.s32 $0x6  }
0xa: {  	s21 =	simm.s32 $0x1;
	s22 =	simm.s32 $0x2;
	s23 =	simm.s32 $0x3  }
0xb: {  	s24 =	simm.s32 $0x4;
	s25 =	simm.s32 $0x5;
	s26 =	simm.s32 $0x0  }
0xc: {  	s7 =	sand.u32 $0x1, s7;
	[smem:$0x7FF] =	sst s3;
	s9 =	sshll.u32 s2, $0x1  }
0xd: {  	s8 =	ssub.s32 $0x2, s7;
	_ =	strace $0x80000047;
	s7 =	sor.u32 s7, s9  }
0xe: {  	s10 =	sshrl.u32 s8, $0x1;
	s31 =	sshll.u32 s7, $0x5;
	s9 =	sshll.u32 s7, $0xC  }
0xf: {  	s7 =	sshll.u32 s7, $0xA;
	s10 =	ssub.s32 s8, s10;
	s5 =	sadd.s32 s5, s9  }
0x10: {  	s4 =	sadd.s32 s4, s31;
	s6 =	sadd.s32 s6, s7;
	s7 =	sadd.s32 $0x400, s5  }
0x11: {  	s8 =	sadd.s32 $0x800, s5;
	s9 =	sadd.s32 $0xC00, s5;
	s10 =	smax.u32 s10, $0x1  }
.LBB2_1:
0x12: {  	[tilespmem:s3], [sflag:$0x7] =	stream.linear.gather [hbm4b:s4+s3], $0x100, $0x38;
	[tilespmem:$0xA100] =	vst v63  }
0x13: {  	_ =	swait.ge [sflag:s11], $0x100  }
0x14: {  	[sflag:s11] =	ssyncset.done $0x0  }
0x15: {  	[sflag:s11] =	ssyncadd.s32 $0xFFFFFF00  }
0x16: {  	[tilespmem:s12], [sflag:$0x6] =	stream.linear.gather [hbm4b:s6+s3], $0x2000, $0x38;
	[tilespmem:$0xA100] =	vst v63  }
0x17: {  	_ = 	snop  }
0x18: {  	[tilespmem:s14], [sflag:$0x1] =	stream.indirect.gather [hbm4b:s1+s13], $0x80, s3, s13, $0xb8;
	[tilespmem:$0xA100] =	vst v63  }
0x19: {  	_ = 	snop  }
0x1a: {  	[tilespmem:s15], [sflag:$0x2] =	stream.indirect.gather [hbm4b:s1+s13], $0x80, s13, s13, $0xb8;
	[tilespmem:$0xA100] =	vst v63  }
0x1b: {  	_ = 	snop  }
0x1c: {  	[tilespmem:s17], [sflag:$0x3] =	stream.indirect.gather [hbm4b:s1+s13], $0x80, s16, s13, $0xb8;
	[tilespmem:$0xA100] =	vst v63  }
0x1d: {  	_ = 	snop  }
0x1e: {  	[tilespmem:s19], [sflag:$0x4] =	stream.indirect.gather [hbm4b:s1+s13], $0x80, s18, s13, $0xb8;
	[tilespmem:$0xA100] =	vst v63  }
0x1f: {  	_ =	swait.ge [sflag:s20], $0x2000  }
0x20: {  	[sflag:s20] =	ssyncset.done $0x0  }
0x21: {  	[sflag:s20] =	ssyncadd.s32 $0xFFFFE000  }
0x22: {  	_ =	swait.ge [sflag:s21], $0x2000  }
0x23: {  	[sflag:s21] =	ssyncset.done $0x0  }
0x24: {  	s28 =	simm.s32 $0x200;
	[sflag:s21] =	ssyncadd.s32 $0xFFFFE000  }
0x25: {  	v2 =	vld [tilespmem:s28+$0xB0]  }
0x26: {  	v5 =	vld [tilespmem:s28+$0xFFFFFFA0]  }
0x27: {  	v6 =	vld [tilespmem:s28+$0xFFFFFFB0]  }
0x28: {  	v7 =	vld [tilespmem:s28+$0xF0]  }
0x29: {  	v8 =	vld [tilespmem:s28+$0xFFFFFFC0]  }
0x2a: {  	v4 =	vld [tilespmem:s28+$0xE0]  }
0x2b: {  	v9 =	vld [tilespmem:s28+$0x90]  }
0x2c: {  	v10 =	vld [tilespmem:s28+$0xC0]  }
0x2d: {  	v11 =	vld [tilespmem:s28+$0xD0]  }
0x2e: {  	v12 =	vld [tilespmem:s28+$0xFFFFFFD0]  }
0x2f: {  	v13 =	vld [tilespmem:s28+$0xFFFFFFE0]  }
0x30: {  	v14 =	vld [tilespmem:s28+$0x30]  }
0x31: {  	v15 =	vld [tilespmem:s28+$0xFFFFFFF0]  }
0x32: {  	s29 =	simm.s32 $0x0;
	v16 =	vld [tilespmem:s28+$0x40]  }
0x33: {  	v0 =	vld [tilespmem:s29+$0x8170]  }
0x34: {  	v3 =	vld [tilespmem:s29+$0x8160]  }
0x35: {  	v17 =	vld [tilespmem:s29+$0x8130]  }
0x36: {  	v1 =	vld [tilespmem:s29+$0x8120]  }
0x37: {  	v18 =	vld [tilespmem:s28+$0x80]  }
0x38: {  	v20 =	vld [tilespmem:s29+$0x8140];
	v19 =	vmul.f32 $1.131370830e+01, v2  }
0x39: {  	v22 =	vld [tilespmem:s29+$0x8100];
	v14 =	vmul.f32 $1.131370830e+01, v14  }
0x3a: {  	v23 =	vld [tilespmem:s28+$0xFFFFFF90];
	v7 =	vmul.f32 $1.131370830e+01, v7;
	v19 =	vadd.f32 v19, v17  }
0x3b: {  	v2 =	vld [tilespmem:s29+$0x8110];
	v16 =	vmul.f32 $1.131370830e+01, v16;
	v14 =	vadd.f32 v14, v17  }
0x3c: {  	v21 =	vmul.f32 $1.131370830e+01, v4;
	v4 =	vld [tilespmem:s29+$0x8150];
	v13 =	vmul.f32 $1.131370830e+01, v13;
	v7 =	vadd.f32 v7, v0;
	[tilespmem:s28+$0xB0] =	vst v19  }
0x3d: {  	v62 =	vld [tilespmem:s28+$0xFFFFFF80];
	v15 =	vmul.f32 $1.131370830e+01, v15;
	v16 =	vadd.f32 v16, v20;
	[tilespmem:s28+$0x30] =	vst v14  }
0x3e: {  	v24 =	vld [tilespmem:s28+$0xFFFFFF20];
	v13 =	vadd.f32 v13, v3;
	[tilespmem:s28+$0xF0] =	vst v7  }
0x3f: {  	v9 =	vmul.f32 $1.131370830e+01, v9;
	v19 =	vadd.f32 v21, v3;
	v14 =	vadd.f32 v15, v0;
	v15 =	vld [tilespmem:s28+$0xFFFFFF70];
	[tilespmem:s28+$0x40] =	vst v16  }
0x40: {  	v10 =	vmul.f32 $1.131370830e+01, v10;
	v16 =	vld [tilespmem:s28+$0xFFFFFF30];
	[tilespmem:s28+$0xFFFFFFE0] =	vst v13  }
0x41: {  	v11 =	vmul.f32 $1.131370830e+01, v11;
	v7 =	vmul.f32 $1.131370830e+01, v8;
	v8 =	vadd.f32 v9, v2;
	[tilespmem:s28+$0xE0] =	vst v19;
	v19 =	vld [tilespmem:s28+$0xFFFFFF60]  }
0x42: {  	v12 =	vmul.f32 $1.131370830e+01, v12;
	v6 =	vmul.f32 $1.131370830e+01, v6;
	v10 =	vadd.f32 v10, v20;
	v9 =	vld [tilespmem:s28+$0xFFFFFF50];
	[tilespmem:s28+$0xFFFFFFF0] =	vst v14  }
0x43: {  	v14 =	vld [tilespmem:s28+$0xFFFFFF40];
	v7 =	vadd.f32 v7, v20;
	[tilespmem:s28+$0x90] =	vst v8;
	v8 =	vmul.f32 $1.131370830e+01, v18;
	v18 =	vmul.f32 $1.131370830e+01, v5  }
0x44: {  	v63 =	vld [tilespmem:s28+$0xFFFFFF10];
	v6 =	vadd.f32 v6, v17;
	v13 =	vmul.f32 $1.131370830e+01, v23;
	[tilespmem:s28+$0xC0] =	vst v10;
	v12 =	vadd.f32 v12, v4  }
0x45: {  	v5 =	vadd.f32 v11, v4;
	[tilespmem:s28+$0xFFFFFFC0] =	vst v7;
	v7 =	vmul.f32 $1.131370830e+01, v62;
	v11 =	vadd.f32 v18, v1;
	v18 =	vld [tilespmem:s28+$0xFFFFFF00]  }
0x46: {  	v10 =	vadd.f32 v13, v2;
	[tilespmem:s28+$0xFFFFFFD0] =	vst v12;
	v12 =	vmul.f32 $1.131370830e+01, v15;
	v15 =	vmul.f32 $1.131370830e+01, v19;
	v19 =	vld [tilespmem:s28+$0x0]  }
0x47: {  	[tilespmem:s28+$0xFFFFFFB0] =	vst v6;
	v6 =	vld [tilespmem:s28+$0x10];
	v8 =	vadd.f32 v8, v22;
	v13 =	vmul.f32 $1.131370830e+01, v16;
	v21 =	vadd.f32 v7, v22  }
0x48: {  	v26 =	vld [tilespmem:s28+$0x20];
	[tilespmem:s28+$0xFFFFFF90] =	vst v10;
	v7 =	vmul.f32 $1.131370830e+01, v9;
	v9 =	vadd.f32 v12, v0;
	v12 =	vmul.f32 $1.131370830e+01, v14  }
0x49: {  	[tilespmem:s28+$0x80] =	vst v8;
	v14 =	vmul.f32 $1.131370830e+01, v24;
	v25 =	vadd.f32 v15, v3;
	v15 =	vld [tilespmem:s28+$0x60]  }
0x4a: {  	[tilespmem:s28+$0xFFFFFFA0] =	vst v11;
	v11 =	vadd.f32 v13, v17;
	v13 =	vld [tilespmem:s28+$0x70];
	v8 =	vadd.f32 v12, v20;
	v12 =	vmul.f32 $1.131370830e+01, v63  }
0x4b: {  	v16 =	vld [tilespmem:s28+$0xA0];
	v7 =	vadd.f32 v7, v4;
	[tilespmem:s28+$0xFFFFFF80] =	vst v21;
	v18 =	vmul.f32 $1.131370830e+01, v18;
	v19 =	vmul.f32 $1.131370830e+01, v19  }
0x4c: {  	v17 =	vld [tilespmem:s28+$0x50];
	v10 =	vadd.f32 v14, v1;
	[tilespmem:s28+$0xFFFFFF70] =	vst v9;
	v9 =	vmul.f32 $1.131370830e+01, v6;
	v12 =	vadd.f32 v12, v2  }
0x4d: {  	s30 =	simm.s32 $0x400;
	s29 =	simm.s32 $0x200;
	[tilespmem:s28+$0xFFFFFF60] =	vst v25;
	v14 =	vadd.f32 v18, v22;
	v18 =	vmul.f32 $1.131370830e+01, v26;
	v6 =	vadd.f32 v19, v22  }
.LBB2_2:
0x4e: {  	s31 =	sshra.s32 s29, $0x2;
	v19 =	vld [tilespmem:s30+$0xB0];
	p0 =	sne.s32 s29, $0x1E00;
	s29 =	sadd.s32 $0x200, s29;
	[tilespmem:s28+$0xFFFFFF50] =	vst v7;
	v7 =	vmul.f32 $1.131370830e+01, v15  }
0x4f: {  	v15 =	vld [tilespmem:s30+$0xFFFFFFA0];
	[tilespmem:s28+$0xFFFFFF40] =	vst v8;
	v8 =	vadd.f32 v18, v1;
	v13 =	vmul.f32 $1.131370830e+01, v13  }
0x50: {  	v18 =	vld [tilespmem:s30+$0xFFFFFFB0];
	[tilespmem:s28+$0xFFFFFF30] =	vst v11;
	v3 =	vadd.f32 v7, v3;
	v7 =	vmul.f32 $1.131370830e+01, v16  }
0x51: {  	v11 =	vld [tilespmem:s30+$0xF0];
	[tilespmem:s28+$0xFFFFFF20] =	vst v10;
	v10 =	vmul.f32 $1.131370830e+01, v17;
	v0 =	vadd.f32 v13, v0  }
0x52: {  	v13 =	vld [tilespmem:s30+$0xFFFFFFC0];
	[tilespmem:s28+$0xFFFFFF10] =	vst v12;
	v1 =	vadd.f32 v7, v1  }
0x53: {  	v2 =	vadd.f32 v9, v2;
	v7 =	vld [tilespmem:s30+$0xE0];
	[tilespmem:s28+$0xFFFFFF00] =	vst v14;
	v4 =	vadd.f32 v10, v4  }
0x54: {  	v9 =	vld [tilespmem:s30+$0x90];
	[tilespmem:s28+$0xD0] =	vst v5  }
0x55: {  	v5 =	vld [tilespmem:s30+$0xC0];
	[tilespmem:s28+$0x60] =	vst v3  }
0x56: {  	v10 =	vld [tilespmem:s30+$0xD0];
	[tilespmem:s28+$0x20] =	vst v8  }
0x57: {  	v8 =	vld [tilespmem:s30+$0xFFFFFFD0];
	[tilespmem:s28+$0x0] =	vst v6  }
0x58: {  	v6 =	vld [tilespmem:s30+$0xFFFFFFE0];
	[tilespmem:s28+$0xA0] =	vst v1  }
0x59: {  	v12 =	vld [tilespmem:s30+$0x30];
	[tilespmem:s28+$0x10] =	vst v2  }
0x5a: {  	v14 =	vld [tilespmem:s30+$0xFFFFFFF0];
	[tilespmem:s28+$0x70] =	vst v0  }
0x5b: {  	v16 =	vld [tilespmem:s30+$0x40];
	[tilespmem:s28+$0x50] =	vst v4;
	s28 =	smov.u32 s30  }
0x5c: {  	v0 =	vld [tilespmem:s31+$0x8170]  }
0x5d: {  	v3 =	vld [tilespmem:s31+$0x8160]  }
0x5e: {  	v17 =	vld [tilespmem:s31+$0x8130]  }
0x5f: {  	v1 =	vld [tilespmem:s31+$0x8120]  }
0x60: {  	v4 =	vmul.f32 $1.131370830e+01, v19;
	v20 =	vld [tilespmem:s30+$0x80]  }
0x61: {  	v7 =	vmul.f32 $1.131370830e+01, v7;
	v10 =	vmul.f32 $1.131370830e+01, v10;
	v2 =	vld [tilespmem:s31+$0x8110]  }
0x62: {  	v5 =	vmul.f32 $1.131370830e+01, v5;
	v12 =	vmul.f32 $1.131370830e+01, v12;
	v19 =	vld [tilespmem:s31+$0x8140]  }
0x63: {  	v9 =	vmul.f32 $1.131370830e+01, v9;
	v16 =	vmul.f32 $1.131370830e+01, v16;
	v21 =	vld [tilespmem:s31+$0x8100];
	v22 =	vadd.f32 v4, v17  }
0x64: {  	v11 =	vmul.f32 $1.131370830e+01, v11;
	v14 =	vmul.f32 $1.131370830e+01, v14;
	v12 =	vadd.f32 v12, v17;
	v4 =	vld [tilespmem:s31+$0x8150]  }
0x65: {  	v6 =	vmul.f32 $1.131370830e+01, v6;
	v7 =	vadd.f32 v7, v3;
	v23 =	vld [tilespmem:s30+$0xFFFFFF90];
	v20 =	vmul.f32 $1.131370830e+01, v20;
	[tilespmem:s30+$0xB0] =	vst v22  }
0x66: {  	v8 =	vmul.f32 $1.131370830e+01, v8;
	v14 =	vadd.f32 v14, v0;
	v11 =	vadd.f32 v11, v0;
	v22 =	vld [tilespmem:s30+$0xFFFFFF80];
	[tilespmem:s30+$0x30] =	vst v12  }
0x67: {  	v13 =	vmul.f32 $1.131370830e+01, v13;
	v6 =	vadd.f32 v6, v3;
	v12 =	vld [tilespmem:s30+$0xFFFFFF70];
	v16 =	vadd.f32 v16, v19;
	[tilespmem:s30+$0xE0] =	vst v7  }
0x68: {  	v18 =	vmul.f32 $1.131370830e+01, v18;
	v9 =	vadd.f32 v9, v2;
	v24 =	vadd.f32 v5, v19;
	v7 =	vld [tilespmem:s30+$0xFFFFFF60];
	[tilespmem:s30+$0xF0] =	vst v11  }
0x69: {  	v15 =	vmul.f32 $1.131370830e+01, v15;
	v13 =	vadd.f32 v13, v19;
	v11 =	vld [tilespmem:s30+$0xFFFFFF50];
	v8 =	vadd.f32 v8, v4;
	[tilespmem:s30+$0xFFFFFFF0] =	vst v14  }
0x6a: {  	v18 =	vadd.f32 v18, v17;
	v5 =	vadd.f32 v10, v4;
	v14 =	vld [tilespmem:s30+$0xFFFFFF40];
	v23 =	vmul.f32 $1.131370830e+01, v23;
	[tilespmem:s30+$0x40] =	vst v16  }
0x6b: {  	v15 =	vadd.f32 v15, v1;
	v20 =	vadd.f32 v20, v21;
	v10 =	vld [tilespmem:s30+$0xFFFFFF30];
	v16 =	vmul.f32 $1.131370830e+01, v22;
	[tilespmem:s30+$0x90] =	vst v9  }
0x6c: {  	v9 =	vld [tilespmem:s30+$0xFFFFFF20];
	v12 =	vmul.f32 $1.131370830e+01, v12;
	v22 =	vadd.f32 v23, v2;
	[tilespmem:s30+$0xFFFFFFE0] =	vst v6  }
0x6d: {  	v6 =	vld [tilespmem:s30+$0xFFFFFF10];
	v7 =	vmul.f32 $1.131370830e+01, v7;
	v16 =	vadd.f32 v16, v21;
	[tilespmem:s30+$0xC0] =	vst v24  }
0x6e: {  	v23 =	vld [tilespmem:s30+$0xFFFFFF00];
	v11 =	vmul.f32 $1.131370830e+01, v11;
	v24 =	vadd.f32 v12, v0;
	[tilespmem:s30+$0xFFFFFFC0] =	vst v13  }
0x6f: {  	v12 =	vmul.f32 $1.131370830e+01, v14;
	v25 =	vadd.f32 v7, v3;
	[tilespmem:s30+$0xFFFFFFD0] =	vst v8;
	v14 =	vld [tilespmem:s30+$0x0]  }
0x70: {  	v10 =	vmul.f32 $1.131370830e+01, v10;
	v7 =	vadd.f32 v11, v4;
	[tilespmem:s30+$0xFFFFFFB0] =	vst v18;
	v18 =	vld [tilespmem:s30+$0x10]  }
0x71: {  	v9 =	vmul.f32 $1.131370830e+01, v9;
	v8 =	vadd.f32 v12, v19;
	v19 =	vld [tilespmem:s30+$0x20];
	[tilespmem:s30+$0x80] =	vst v20  }
.Ltmp0:
0x72: {  	v6 =	vmul.f32 $1.131370830e+01, v6;
	v11 =	vadd.f32 v10, v17;
	[tilespmem:s30+$0xFFFFFFA0] =	vst v15;
	v15 =	vld [tilespmem:s30+$0x60];
	(pc) =	sbr.rel @p0 .LBB2_2-.Ltmp0, $4  }
0x73: {  	v17 =	vmul.f32 $1.131370830e+01, v23;
	v10 =	vadd.f32 v9, v1;
	[tilespmem:s30+$0xFFFFFF90] =	vst v22;
	v13 =	vld [tilespmem:s30+$0x70]  }
0x74: {  	v12 =	vadd.f32 v6, v2;
	[tilespmem:s30+$0xFFFFFF80] =	vst v16;
	v6 =	vmul.f32 $1.131370830e+01, v14;
	v16 =	vld [tilespmem:s30+$0xA0]  }
0x75: {  	v14 =	vadd.f32 v17, v21;
	[tilespmem:s30+$0xFFFFFF70] =	vst v24;
	v9 =	vmul.f32 $1.131370830e+01, v18;
	v17 =	vld [tilespmem:s30+$0x50]  }
0x76: {  	s30 =	sadd.s32 $0x200, s30;
	[tilespmem:s28+$0xFFFFFF60] =	vst v25;
	v6 =	vadd.f32 v6, v21;
	v18 =	vmul.f32 $1.131370830e+01, v19  }
0x77: {  	[tilespmem:s28+$0xFFFFFF50] =	vst v7  }
0x78: {  	[tilespmem:s28+$0xFFFFFF40] =	vst v8  }
0x79: {  	[tilespmem:s28+$0xFFFFFF30] =	vst v11  }
0x7a: {  	[tilespmem:s28+$0xFFFFFF20] =	vst v10  }
0x7b: {  	v7 =	vmul.f32 $1.131370830e+01, v15;
	[tilespmem:s28+$0xFFFFFF10] =	vst v12  }
0x7c: {  	[tilespmem:s28+$0xFFFFFF00] =	vst v14  }
0x7d: {  	[tilespmem:s28+$0xD0] =	vst v5;
	v3 =	vadd.f32 v7, v3  }
0x7e: {  	v2 =	vadd.f32 v9, v2;
	[tilespmem:s28+$0x0] =	vst v6;
	v8 =	vmul.f32 $1.131370830e+01, v16  }
0x7f: {  	v7 =	vadd.f32 v18, v1;
	[tilespmem:s28+$0x60] =	vst v3;
	v3 =	vmul.f32 $1.131370830e+01, v13  }
0x80: {  	[tilespmem:s28+$0x10] =	vst v2;
	v5 =	vmul.f32 $1.131370830e+01, v17;
	v1 =	vadd.f32 v8, v1  }
0x81: {  	[tilespmem:s28+$0x20] =	vst v7;
	v0 =	vadd.f32 v3, v0  }
0x82: {  	[tilespmem:s28+$0xA0] =	vst v1;
	v1 =	vadd.f32 v5, v4  }
0x83: {  	[tilespmem:s28+$0x70] =	vst v0  }
0x84: {  	[tilespmem:s28+$0x50] =	vst v1;
	s28 =	simm.s32 $0x0  }
0x85: {  	[hbm4b:s5+s28] =	stream.linear.scatter [tilespmem:s14], [sflag:$0x5], $0x2000, $0x38;
	[tilespmem:$0xA100] =	vst v63  }
0x86: {  	_ =	swait.ge [sflag:s22], $0x2000  }
0x87: {  	[sflag:s22] =	ssyncset.done $0x0  }
0x88: {  	s28 =	simm.s32 $0x22F0;
	[sflag:s22] =	ssyncadd.s32 $0xFFFFE000  }
0x89: {  	v1 =	vld [tilespmem:s28+$0xFFFFFFC0]  }
0x8a: {  	v5 =	vld [tilespmem:s28+$0xFFFFFEB0]  }
0x8b: {  	v6 =	vld [tilespmem:s28+$0xFFFFFEC0]  }
0x8c: {  	v7 =	vld [tilespmem:s28+$0x0]  }
0x8d: {  	v8 =	vld [tilespmem:s28+$0xFFFFFED0]  }
0x8e: {  	v4 =	vld [tilespmem:s28+$0xFFFFFFF0]  }
0x8f: {  	v9 =	vld [tilespmem:s28+$0xFFFFFFA0]  }
0x90: {  	v10 =	vld [tilespmem:s28+$0xFFFFFFD0]  }
0x91: {  	v11 =	vld [tilespmem:s28+$0xFFFFFFE0]  }
0x92: {  	v12 =	vld [tilespmem:s28+$0xFFFFFEE0]  }
0x93: {  	v13 =	vld [tilespmem:s28+$0xFFFFFEF0]  }
0x94: {  	v14 =	vld [tilespmem:s28+$0xFFFFFF40]  }
0x95: {  	v15 =	vld [tilespmem:s28+$0xFFFFFF00]  }
0x96: {  	s29 =	simm.s32 $0x0;
	v16 =	vld [tilespmem:s28+$0xFFFFFF50]  }
0x97: {  	v0 =	vld [tilespmem:s29+$0x8970]  }
0x98: {  	v3 =	vld [tilespmem:s29+$0x8960]  }
0x99: {  	v17 =	vld [tilespmem:s29+$0x8930]  }
0x9a: {  	v2 =	vld [tilespmem:s29+$0x8920]  }
0x9b: {  	v18 =	vld [tilespmem:s28+$0xFFFFFF90]  }
0x9c: {  	v20 =	vld [tilespmem:s29+$0x8940];
	v19 =	vmul.f32 $1.131370830e+01, v1  }
0x9d: {  	v22 =	vld [tilespmem:s29+$0x8900];
	v14 =	vmul.f32 $1.131370830e+01, v14  }
0x9e: {  	v23 =	vld [tilespmem:s28+$0xFFFFFEA0];
	v7 =	vmul.f32 $1.131370830e+01, v7;
	v19 =	vadd.f32 v19, v17  }
0x9f: {  	v1 =	vld [tilespmem:s29+$0x8910];
	v16 =	vmul.f32 $1.131370830e+01, v16;
	v14 =	vadd.f32 v14, v17  }
0xa0: {  	v21 =	vmul.f32 $1.131370830e+01, v4;
	v4 =	vld [tilespmem:s29+$0x8950];
	v13 =	vmul.f32 $1.131370830e+01, v13;
	v7 =	vadd.f32 v7, v0;
	[tilespmem:s28+$0xFFFFFFC0] =	vst v19  }
0xa1: {  	v61 =	vld [tilespmem:s28+$0xFFFFFE90];
	v15 =	vmul.f32 $1.131370830e+01, v15;
	v16 =	vadd.f32 v16, v20;
	[tilespmem:s28+$0xFFFFFF40] =	vst v14  }
0xa2: {  	v24 =	vld [tilespmem:s28+$0xFFFFFE30];
	v9 =	vmul.f32 $1.131370830e+01, v9;
	v13 =	vadd.f32 v13, v3;
	[tilespmem:s28+$0x0] =	vst v7  }
0xa3: {  	v8 =	vmul.f32 $1.131370830e+01, v8;
	v19 =	vadd.f32 v21, v3;
	v14 =	vadd.f32 v15, v0;
	v15 =	vld [tilespmem:s28+$0xFFFFFE80];
	[tilespmem:s28+$0xFFFFFF50] =	vst v16  }
0xa4: {  	v6 =	vmul.f32 $1.131370830e+01, v6;
	v7 =	vmul.f32 $1.131370830e+01, v10;
	v10 =	vld [tilespmem:s28+$0xFFFFFE60];
	[tilespmem:s28+$0xFFFFFEF0] =	vst v13  }
0xa5: {  	v11 =	vmul.f32 $1.131370830e+01, v11;
	v12 =	vmul.f32 $1.131370830e+01, v12;
	v9 =	vadd.f32 v9, v1;
	[tilespmem:s28+$0xFFFFFFF0] =	vst v19;
	v19 =	vld [tilespmem:s28+$0xFFFFFE70]  }
0xa6: {  	v8 =	vadd.f32 v8, v20;
	v6 =	vadd.f32 v6, v17;
	v13 =	vmul.f32 $1.131370830e+01, v23;
	[tilespmem:s28+$0xFFFFFF00] =	vst v14;
	v14 =	vld [tilespmem:s28+$0xFFFFFE50]  }
0xa7: {  	v16 =	vld [tilespmem:s28+$0xFFFFFE40];
	v7 =	vadd.f32 v7, v20;
	[tilespmem:s28+$0xFFFFFFA0] =	vst v9;
	v9 =	vmul.f32 $1.131370830e+01, v18;
	v18 =	vmul.f32 $1.131370830e+01, v5  }
0xa8: {  	v62 =	vld [tilespmem:s28+$0xFFFFFE20];
	[tilespmem:s28+$0xFFFFFED0] =	vst v8;
	v12 =	vadd.f32 v12, v4;
	v13 =	vadd.f32 v13, v1  }
0xa9: {  	v8 =	vld [tilespmem:s28+$0xFFFFFF10];
	v5 =	vadd.f32 v11, v4;
	[tilespmem:s28+$0xFFFFFFD0] =	vst v7;
	v7 =	vmul.f32 $1.131370830e+01, v61;
	v11 =	vadd.f32 v18, v2  }
0xaa: {  	[tilespmem:s28+$0xFFFFFEE0] =	vst v12;
	v18 =	vld [tilespmem:s28+$0xFFFFFE10];
	v9 =	vadd.f32 v9, v22;
	v12 =	vmul.f32 $1.131370830e+01, v15;
	v15 =	vmul.f32 $1.131370830e+01, v19  }
0xab: {  	[tilespmem:s28+$0xFFFFFEC0] =	vst v6;
	v6 =	vld [tilespmem:s28+$0xFFFFFF20];
	v19 =	vadd.f32 v7, v22;
	v7 =	vmul.f32 $1.131370830e+01, v10;
	v10 =	vmul.f32 $1.131370830e+01, v14  }
0xac: {  	v26 =	vld [tilespmem:s28+$0xFFFFFF30];
	[tilespmem:s28+$0xFFFFFEA0] =	vst v13;
	v63 =	vadd.f32 v12, v0;
	v12 =	vmul.f32 $1.131370830e+01, v16;
	v14 =	vmul.f32 $1.131370830e+01, v24  }
0xad: {  	[tilespmem:s28+$0xFFFFFF90] =	vst v9;
	v16 =	vmul.f32 $1.131370830e+01, v62;
	v25 =	vadd.f32 v15, v3;
	v9 =	vadd.f32 v10, v20;
	v15 =	vld [tilespmem:s28+$0xFFFFFF70]  }
0xae: {  	[tilespmem:s28+$0xFFFFFEB0] =	vst v11;
	v11 =	vadd.f32 v12, v17;
	v10 =	vadd.f32 v14, v2;
	v14 =	vld [tilespmem:s28+$0xFFFFFF80]  }
0xaf: {  	[tilespmem:s28+$0xFFFFFE90] =	vst v19;
	v19 =	vmul.f32 $1.131370830e+01, v8;
	v12 =	vadd.f32 v16, v1;
	v16 =	vld [tilespmem:s28+$0xFFFFFFB0];
	v18 =	vmul.f32 $1.131370830e+01, v18  }
0xb0: {  	v7 =	vadd.f32 v7, v4;
	[tilespmem:s28+$0xFFFFFE80] =	vst v63;
	v8 =	vmul.f32 $1.131370830e+01, v6;
	v17 =	vld [tilespmem:s28+$0xFFFFFF60]  }
0xb1: {  	s30 =	simm.s32 $0x24F0;
	s29 =	simm.s32 $0x200;
	[tilespmem:s28+$0xFFFFFE70] =	vst v25;
	v6 =	vadd.f32 v19, v22;
	v13 =	vadd.f32 v18, v22;
	v18 =	vmul.f32 $1.131370830e+01, v26  }
.LBB2_4:
0xb2: {  	s31 =	sshra.s32 s29, $0x2;
	v19 =	vld [tilespmem:s30+$0xFFFFFFC0];
	p0 =	sne.s32 s29, $0x1E00;
	s29 =	sadd.s32 $0x200, s29;
	[tilespmem:s28+$0xFFFFFE60] =	vst v7;
	v7 =	vmul.f32 $1.131370830e+01, v15  }
0xb3: {  	v15 =	vld [tilespmem:s30+$0xFFFFFEB0];
	[tilespmem:s28+$0xFFFFFE50] =	vst v9;
	v9 =	vadd.f32 v18, v2;
	v14 =	vmul.f32 $1.131370830e+01, v14  }
0xb4: {  	v18 =	vld [tilespmem:s30+$0xFFFFFEC0];
	[tilespmem:s28+$0xFFFFFE40] =	vst v11;
	v3 =	vadd.f32 v7, v3;
	v7 =	vmul.f32 $1.131370830e+01, v16  }
0xb5: {  	v11 =	vld [tilespmem:s30+$0x0];
	[tilespmem:s28+$0xFFFFFE30] =	vst v10;
	v10 =	vmul.f32 $1.131370830e+01, v17;
	v0 =	vadd.f32 v14, v0  }
0xb6: {  	v14 =	vld [tilespmem:s30+$0xFFFFFED0];
	[tilespmem:s28+$0xFFFFFE20] =	vst v12;
	v2 =	vadd.f32 v7, v2  }
0xb7: {  	v1 =	vadd.f32 v8, v1;
	v7 =	vld [tilespmem:s30+$0xFFFFFFF0];
	[tilespmem:s28+$0xFFFFFE10] =	vst v13;
	v4 =	vadd.f32 v10, v4  }
0xb8: {  	v8 =	vld [tilespmem:s30+$0xFFFFFFA0];
	[tilespmem:s28+$0xFFFFFFE0] =	vst v5  }
0xb9: {  	v5 =	vld [tilespmem:s30+$0xFFFFFFD0];
	[tilespmem:s28+$0xFFFFFF70] =	vst v3  }
0xba: {  	v10 =	vld [tilespmem:s30+$0xFFFFFFE0];
	[tilespmem:s28+$0xFFFFFF30] =	vst v9  }
0xbb: {  	v9 =	vld [tilespmem:s30+$0xFFFFFEE0];
	[tilespmem:s28+$0xFFFFFF10] =	vst v6  }
0xbc: {  	v6 =	vld [tilespmem:s30+$0xFFFFFEF0];
	[tilespmem:s28+$0xFFFFFFB0] =	vst v2  }
0xbd: {  	v12 =	vld [tilespmem:s30+$0xFFFFFF40];
	[tilespmem:s28+$0xFFFFFF80] =	vst v0  }
0xbe: {  	v13 =	vld [tilespmem:s30+$0xFFFFFF00];
	[tilespmem:s28+$0xFFFFFF20] =	vst v1  }
0xbf: {  	v16 =	vld [tilespmem:s30+$0xFFFFFF50];
	[tilespmem:s28+$0xFFFFFF60] =	vst v4;
	s28 =	smov.u32 s30  }
0xc0: {  	v0 =	vld [tilespmem:s31+$0x8970]  }
0xc1: {  	v3 =	vld [tilespmem:s31+$0x8960]  }
0xc2: {  	v17 =	vld [tilespmem:s31+$0x8930]  }
0xc3: {  	v2 =	vld [tilespmem:s31+$0x8920]  }
0xc4: {  	v4 =	vmul.f32 $1.131370830e+01, v19;
	v20 =	vld [tilespmem:s30+$0xFFFFFF90]  }
0xc5: {  	v7 =	vmul.f32 $1.131370830e+01, v7;
	v10 =	vmul.f32 $1.131370830e+01, v10;
	v1 =	vld [tilespmem:s31+$0x8910]  }
0xc6: {  	v5 =	vmul.f32 $1.131370830e+01, v5;
	v12 =	vmul.f32 $1.131370830e+01, v12;
	v19 =	vld [tilespmem:s31+$0x8940]  }
0xc7: {  	v8 =	vmul.f32 $1.131370830e+01, v8;
	v16 =	vmul.f32 $1.131370830e+01, v16;
	v21 =	vld [tilespmem:s31+$0x8900];
	v22 =	vadd.f32 v4, v17  }
0xc8: {  	v11 =	vmul.f32 $1.131370830e+01, v11;
	v13 =	vmul.f32 $1.131370830e+01, v13;
	v12 =	vadd.f32 v12, v17;
	v4 =	vld [tilespmem:s31+$0x8950]  }
0xc9: {  	v6 =	vmul.f32 $1.131370830e+01, v6;
	v7 =	vadd.f32 v7, v3;
	v23 =	vld [tilespmem:s30+$0xFFFFFEA0];
	v20 =	vmul.f32 $1.131370830e+01, v20;
	[tilespmem:s30+$0xFFFFFFC0] =	vst v22  }
0xca: {  	v9 =	vmul.f32 $1.131370830e+01, v9;
	v13 =	vadd.f32 v13, v0;
	v11 =	vadd.f32 v11, v0;
	v22 =	vld [tilespmem:s30+$0xFFFFFE90];
	[tilespmem:s30+$0xFFFFFF40] =	vst v12  }
0xcb: {  	v14 =	vmul.f32 $1.131370830e+01, v14;
	v6 =	vadd.f32 v6, v3;
	v12 =	vld [tilespmem:s30+$0xFFFFFE80];
	v16 =	vadd.f32 v16, v19;
	[tilespmem:s30+$0xFFFFFFF0] =	vst v7  }
0xcc: {  	v18 =	vmul.f32 $1.131370830e+01, v18;
	v8 =	vadd.f32 v8, v1;
	v24 =	vadd.f32 v5, v19;
	v7 =	vld [tilespmem:s30+$0xFFFFFE70];
	[tilespmem:s30+$0x0] =	vst v11  }
0xcd: {  	v15 =	vmul.f32 $1.131370830e+01, v15;
	v14 =	vadd.f32 v14, v19;
	v11 =	vld [tilespmem:s30+$0xFFFFFE60];
	v9 =	vadd.f32 v9, v4;
	[tilespmem:s30+$0xFFFFFF00] =	vst v13  }
0xce: {  	v18 =	vadd.f32 v18, v17;
	v5 =	vadd.f32 v10, v4;
	v13 =	vld [tilespmem:s30+$0xFFFFFE50];
	v23 =	vmul.f32 $1.131370830e+01, v23;
	[tilespmem:s30+$0xFFFFFF50] =	vst v16  }
0xcf: {  	v15 =	vadd.f32 v15, v2;
	v20 =	vadd.f32 v20, v21;
	v10 =	vld [tilespmem:s30+$0xFFFFFE40];
	v16 =	vmul.f32 $1.131370830e+01, v22;
	[tilespmem:s30+$0xFFFFFFA0] =	vst v8  }
0xd0: {  	v8 =	vld [tilespmem:s30+$0xFFFFFE30];
	v12 =	vmul.f32 $1.131370830e+01, v12;
	v22 =	vadd.f32 v23, v1;
	[tilespmem:s30+$0xFFFFFEF0] =	vst v6  }
0xd1: {  	v6 =	vld [tilespmem:s30+$0xFFFFFE20];
	v7 =	vmul.f32 $1.131370830e+01, v7;
	v16 =	vadd.f32 v16, v21;
	[tilespmem:s30+$0xFFFFFFD0] =	vst v24  }
0xd2: {  	v23 =	vld [tilespmem:s30+$0xFFFFFE10];
	v11 =	vmul.f32 $1.131370830e+01, v11;
	v24 =	vadd.f32 v12, v0;
	[tilespmem:s30+$0xFFFFFEE0] =	vst v9  }
0xd3: {  	v9 =	vmul.f32 $1.131370830e+01, v13;
	v25 =	vadd.f32 v7, v3;
	[tilespmem:s30+$0xFFFFFED0] =	vst v14;
	v13 =	vld [tilespmem:s30+$0xFFFFFF10]  }
0xd4: {  	v10 =	vmul.f32 $1.131370830e+01, v10;
	v7 =	vadd.f32 v11, v4;
	[tilespmem:s30+$0xFFFFFEC0] =	vst v18;
	v18 =	vld [tilespmem:s30+$0xFFFFFF20]  }
0xd5: {  	v8 =	vmul.f32 $1.131370830e+01, v8;
	v9 =	vadd.f32 v9, v19;
	v19 =	vld [tilespmem:s30+$0xFFFFFF30];
	[tilespmem:s30+$0xFFFFFF90] =	vst v20  }
.Ltmp1:
0xd6: {  	v6 =	vmul.f32 $1.131370830e+01, v6;
	v11 =	vadd.f32 v10, v17;
	[tilespmem:s30+$0xFFFFFEB0] =	vst v15;
	v15 =	vld [tilespmem:s30+$0xFFFFFF70];
	(pc) =	sbr.rel @p0 .LBB2_4-.Ltmp1, $4  }
0xd7: {  	v17 =	vmul.f32 $1.131370830e+01, v23;
	v10 =	vadd.f32 v8, v2;
	[tilespmem:s30+$0xFFFFFEA0] =	vst v22;
	v14 =	vld [tilespmem:s30+$0xFFFFFF80]  }
0xd8: {  	v12 =	vadd.f32 v6, v1;
	[tilespmem:s30+$0xFFFFFE90] =	vst v16;
	v6 =	vmul.f32 $1.131370830e+01, v13;
	v16 =	vld [tilespmem:s30+$0xFFFFFFB0]  }
0xd9: {  	v13 =	vadd.f32 v17, v21;
	[tilespmem:s30+$0xFFFFFE80] =	vst v24;
	v8 =	vmul.f32 $1.131370830e+01, v18;
	v17 =	vld [tilespmem:s30+$0xFFFFFF60]  }
0xda: {  	s30 =	sadd.s32 $0x200, s30;
	[tilespmem:s28+$0xFFFFFE70] =	vst v25;
	v6 =	vadd.f32 v6, v21;
	v18 =	vmul.f32 $1.131370830e+01, v19  }
0xdb: {  	[tilespmem:s28+$0xFFFFFE60] =	vst v7  }
0xdc: {  	[tilespmem:s28+$0xFFFFFE50] =	vst v9  }
0xdd: {  	[tilespmem:s28+$0xFFFFFE40] =	vst v11  }
0xde: {  	[tilespmem:s28+$0xFFFFFE30] =	vst v10  }
0xdf: {  	[tilespmem:s28+$0xFFFFFE20] =	vst v12  }
0xe0: {  	v7 =	vmul.f32 $1.131370830e+01, v15;
	[tilespmem:s28+$0xFFFFFE10] =	vst v13  }
0xe1: {  	[tilespmem:s28+$0xFFFFFFE0] =	vst v5;
	v1 =	vadd.f32 v8, v1  }
0xe2: {  	[tilespmem:s28+$0xFFFFFF10] =	vst v6;
	v3 =	vadd.f32 v7, v3;
	v9 =	vmul.f32 $1.131370830e+01, v16  }
0xe3: {  	v5 =	vmul.f32 $1.131370830e+01, v14;
	v7 =	vadd.f32 v18, v2;
	[tilespmem:s28+$0xFFFFFF20] =	vst v1  }
0xe4: {  	[tilespmem:s28+$0xFFFFFF70] =	vst v3;
	v2 =	vadd.f32 v9, v2;
	v3 =	vmul.f32 $1.131370830e+01, v17  }
0xe5: {  	v0 =	vadd.f32 v5, v0;
	[tilespmem:s28+$0xFFFFFF30] =	vst v7  }
0xe6: {  	[tilespmem:s28+$0xFFFFFFB0] =	vst v2;
	v2 =	vadd.f32 v3, v4  }
0xe7: {  	[tilespmem:s28+$0xFFFFFF80] =	vst v0  }
0xe8: {  	[tilespmem:s28+$0xFFFFFF60] =	vst v2;
	s28 =	simm.s32 $0x0  }
0xe9: {  	[hbm4b:s7+s28] =	stream.linear.scatter [tilespmem:s15], [sflag:$0x5], $0x2000, $0x38;
	[tilespmem:$0xA100] =	vst v63  }
0xea: {  	_ =	swait.ge [sflag:s23], $0x2000  }
0xeb: {  	[sflag:s23] =	ssyncset.done $0x0  }
0xec: {  	s28 =	simm.s32 $0x0;
	[sflag:s23] =	ssyncadd.s32 $0xFFFFE000  }
0xed: {  	v6 =	vld [tilespmem:s28+$0x42A0]  }
0xee: {  	v7 =	vld [tilespmem:s28+$0x4270]  }
0xef: {  	v8 =	vld [tilespmem:s28+$0x4280]  }
0xf0: {  	v9 =	vld [tilespmem:s28+$0x4290]  }
0xf1: {  	v10 =	vld [tilespmem:s28+$0x4260]  }
0xf2: {  	v11 =	vld [tilespmem:s28+$0x4240]  }
0xf3: {  	v12 =	vld [tilespmem:s28+$0x4230]  }
0xf4: {  	v13 =	vld [tilespmem:s28+$0x4210]  }
0xf5: {  	v14 =	vld [tilespmem:s28+$0x4100]  }
0xf6: {  	v15 =	vld [tilespmem:s28+$0x42F0]  }
0xf7: {  	v16 =	vld [tilespmem:s28+$0x41C0]  }
0xf8: {  	v17 =	vld [tilespmem:s28+$0x41F0]  }
0xf9: {  	v18 =	vld [tilespmem:s28+$0x4220]  }
0xfa: {  	v19 =	vld [tilespmem:s28+$0x41E0]  }
0xfb: {  	v20 =	vld [tilespmem:s28+$0x41A0]  }
0xfc: {  	v21 =	vld [tilespmem:s28+$0x4200]  }
0xfd: {  	v23 =	vld [tilespmem:s28+$0x42B0]  }
0xfe: {  	v24 =	vld [tilespmem:s28+$0x4150]  }
0xff: {  	v26 =	vld [tilespmem:s28+$0x42D0]  }
0x100: {  	v25 =	vld [tilespmem:s28+$0x42C0]  }
0x101: {  	s29 =	simm.s32 $0x9170;
	v27 =	vld [tilespmem:s28+$0x42E0]  }
0x102: {  	v3 =	vld [tilespmem:s29+$0xFFFFFF90]  }
0x103: {  	v2 =	vld [tilespmem:s29+$0xFFFFFFB0];
	v29 =	vmul.f32 $1.131370830e+01, v7;
	v30 =	vmul.f32 $1.131370830e+01, v19  }
0x104: {  	v4 =	vld [tilespmem:s29+$0x0];
	v19 =	vmul.f32 $1.131370830e+01, v17;
	v8 =	vmul.f32 $1.131370830e+01, v8  }
0x105: {  	v28 =	vld [tilespmem:s28+$0x4250];
	v32 =	vmul.f32 $1.131370830e+01, v21;
	v33 =	vmul.f32 $1.131370830e+01, v13  }
0x106: {  	v0 =	vld [tilespmem:s29+$0xFFFFFFA0];
	v18 =	vmul.f32 $1.131370830e+01, v18;
	v6 =	vmul.f32 $1.131370830e+01, v6  }
0x107: {  	v5 =	vld [tilespmem:s29+$0xFFFFFFF0];
	v12 =	vmul.f32 $1.131370830e+01, v12;
	v15 =	vmul.f32 $1.131370830e+01, v15  }
0x108: {  	v34 =	vld [tilespmem:s28+$0x4140];
	v9 =	vmul.f32 $1.131370830e+01, v9;
	v11 =	vmul.f32 $1.131370830e+01, v11  }
0x109: {  	v1 =	vld [tilespmem:s29+$0xFFFFFFC0];
	v14 =	vmul.f32 $1.131370830e+01, v14;
	v10 =	vmul.f32 $1.131370830e+01, v10  }
0x10a: {  	v31 =	vld [tilespmem:s28+$0x41D0];
	v36 =	vmul.f32 $1.131370830e+01, v16;
	v23 =	vmul.f32 $1.131370830e+01, v23;
	v17 =	vadd.f32 v29, v4  }
0x10b: {  	v7 =	vld [tilespmem:s29+$0xFFFFFFD0];
	v16 =	vmul.f32 $1.131370830e+01, v26;
	v13 =	vadd.f32 v8, v3;
	v6 =	vadd.f32 v6, v2  }
0x10c: {  	v28 =	vmul.f32 $1.131370830e+01, v28;
	v29 =	vld [tilespmem:s29+$0xFFFFFFE0];
	v9 =	vadd.f32 v9, v0;
	v21 =	vadd.f32 v14, v3;
	[tilespmem:s28+$0x4270] =	vst v17  }
0x10d: {  	v22 =	vld [tilespmem:s28+$0x41B0];
	v63 =	vmul.f32 $1.131370830e+01, v34;
	v10 =	vadd.f32 v10, v5;
	v14 =	vadd.f32 v19, v4;
	[tilespmem:s28+$0x42A0] =	vst v6  }
0x10e: {  	v35 =	vld [tilespmem:s28+$0x4190];
	v8 =	vmul.f32 $1.131370830e+01, v20;
	v62 =	vadd.f32 v33, v0;
	v6 =	vadd.f32 v32, v3;
	[tilespmem:s28+$0x4290] =	vst v9  }
0x10f: {  	v20 =	vld [tilespmem:s28+$0x4110];
	v17 =	vadd.f32 v15, v4;
	v9 =	vmul.f32 $1.131370830e+01, v24;
	[tilespmem:s28+$0x4260] =	vst v10;
	v10 =	vmul.f32 $1.131370830e+01, v27  }
0x110: {  	v24 =	vmul.f32 $1.131370830e+01, v31;
	v31 =	vadd.f32 v18, v2;
	v11 =	vadd.f32 v11, v7  }
0x111: {  	v19 =	vmul.f32 $1.131370830e+01, v25;
	v25 =	vld [tilespmem:s28+$0x4170];
	[tilespmem:s28+$0x4280] =	vst v13;
	v15 =	vadd.f32 v9, v29;
	v16 =	vadd.f32 v16, v29  }
0x112: {  	v26 =	vld [tilespmem:s28+$0x4180];
	v13 =	vmul.f32 $1.131370830e+01, v22;
	[tilespmem:s28+$0x4240] =	vst v11;
	v9 =	vadd.f32 v24, v29;
	v11 =	vadd.f32 v10, v5  }
0x113: {  	v27 =	vld [tilespmem:s28+$0x4160];
	v18 =	vmul.f32 $1.131370830e+01, v35;
	[tilespmem:s28+$0x4210] =	vst v62;
	v24 =	vadd.f32 v36, v7;
	v10 =	vadd.f32 v28, v29  }
0x114: {  	s30 =	simm.s32 $0x91F0;
	s29 =	simm.s32 $0x800;
	v22 =	vld [tilespmem:s28+$0x4120];
	[tilespmem:s28+$0x4220] =	vst v31;
	v28 =	vmul.f32 $1.131370830e+01, v20;
	v20 =	vadd.f32 v63, v7;
	v29 =	vadd.f32 v30, v5  }
.LBB2_6:
0x115: {  	s31 =	sshra.s32 s29, $0x2;
	p0 =	sne.s32 s29, $0x7800;
	s29 =	sadd.s32 $0x800, s29;
	[tilespmem:s28+$0x4100] =	vst v21;
	v21 =	vld [tilespmem:s28+$0x4130];
	v12 =	vadd.f32 v12, v1;
	v23 =	vadd.f32 v23, v1  }
0x116: {  	v7 =	vadd.f32 v19, v7;
	v30 =	vld [tilespmem:s31+$0x42A0];
	v28 =	vadd.f32 v28, v0;
	v25 =	vmul.f32 $1.131370830e+01, v25;
	[tilespmem:s28+$0x41E0] =	vst v29  }
0x117: {  	v13 =	vadd.f32 v13, v1;
	v19 =	vld [tilespmem:s31+$0x4270];
	v26 =	vmul.f32 $1.131370830e+01, v26;
	[tilespmem:s28+$0x4230] =	vst v12  }
0x118: {  	v8 =	vadd.f32 v8, v2;
	v29 =	vld [tilespmem:s31+$0x4280];
	v12 =	vmul.f32 $1.131370830e+01, v27;
	v4 =	vadd.f32 v25, v4;
	[tilespmem:s28+$0x42B0] =	vst v23  }
0x119: {  	v23 =	vld [tilespmem:s31+$0x4290];
	v3 =	vadd.f32 v26, v3;
	[tilespmem:s28+$0x41B0] =	vst v13  }
0x11a: {  	v13 =	vmul.f32 $1.131370830e+01, v22;
	v25 =	vld [tilespmem:s31+$0x4260];
	v21 =	vmul.f32 $1.131370830e+01, v21;
	v5 =	vadd.f32 v12, v5;
	[tilespmem:s28+$0x41A0] =	vst v8  }
0x11b: {  	v22 =	vld [tilespmem:s31+$0x4240];
	[tilespmem:s28+$0x42F0] =	vst v17  }
0x11c: {  	v2 =	vadd.f32 v13, v2;
	v8 =	vld [tilespmem:s31+$0x4230];
	v1 =	vadd.f32 v21, v1;
	[tilespmem:s28+$0x4160] =	vst v5  }
0x11d: {  	v5 =	vld [tilespmem:s31+$0x4210];
	[tilespmem:s28+$0x41F0] =	vst v14  }
0x11e: {  	v13 =	vld [tilespmem:s31+$0x4100];
	[tilespmem:s28+$0x4120] =	vst v2  }
0x11f: {  	v14 =	vld [tilespmem:s31+$0x42F0];
	[tilespmem:s28+$0x41C0] =	vst v24  }
0x120: {  	v17 =	vld [tilespmem:s31+$0x41C0];
	[tilespmem:s28+$0x4200] =	vst v6  }
0x121: {  	v2 =	vld [tilespmem:s31+$0x41F0];
	[tilespmem:s28+$0x4180] =	vst v3  }
0x122: {  	v6 =	vld [tilespmem:s31+$0x4220];
	[tilespmem:s28+$0x4170] =	vst v4  }
0x123: {  	v3 =	vld [tilespmem:s31+$0x41E0];
	[tilespmem:s28+$0x4110] =	vst v28  }
0x124: {  	v21 =	vld [tilespmem:s31+$0x41A0];
	[tilespmem:s28+$0x4150] =	vst v15  }
0x125: {  	v0 =	vadd.f32 v18, v0;
	v4 =	vld [tilespmem:s31+$0x4200];
	[tilespmem:s28+$0x42D0] =	vst v16  }
0x126: {  	v15 =	vld [tilespmem:s31+$0x41B0];
	[tilespmem:s28+$0x4140] =	vst v20  }
0x127: {  	v16 =	vld [tilespmem:s31+$0x42B0];
	[tilespmem:s28+$0x42C0] =	vst v7  }
0x128: {  	[tilespmem:s28+$0x4130] =	vst v1  }
0x129: {  	v31 =	vmul.f32 $1.131370830e+01, v3;
	v18 =	vld [tilespmem:s31+$0x4150];
	[tilespmem:s28+$0x42E0] =	vst v11  }
0x12a: {  	v11 =	vmul.f32 $1.131370830e+01, v2;
	v20 =	vld [tilespmem:s31+$0x42D0];
	[tilespmem:s28+$0x41D0] =	vst v9  }
0x12b: {  	v7 =	vmul.f32 $1.131370830e+01, v4;
	v9 =	vld [tilespmem:s31+$0x42C0];
	[tilespmem:s28+$0x4190] =	vst v0  }
0x12c: {  	v24 =	vmul.f32 $1.131370830e+01, v5;
	v26 =	vld [tilespmem:s31+$0x42E0];
	[tilespmem:s28+$0x4250] =	vst v10;
	s28 =	smov.u32 s31  }
0x12d: {  	v10 =	vmul.f32 $1.131370830e+01, v6;
	v3 =	vld [tilespmem:s30+$0xFFFFFF90]  }
0x12e: {  	v12 =	vmul.f32 $1.131370830e+01, v8;
	v14 =	vmul.f32 $1.131370830e+01, v14;
	v2 =	vld [tilespmem:s30+$0xFFFFFFB0]  }
0x12f: {  	v27 =	vmul.f32 $1.131370830e+01, v22;
	v8 =	vmul.f32 $1.131370830e+01, v21;
	v4 =	vld [tilespmem:s30+$0x0]  }
0x130: {  	v5 =	vmul.f32 $1.131370830e+01, v13;
	v13 =	vmul.f32 $1.131370830e+01, v15;
	v28 =	vld [tilespmem:s28+$0x4250]  }
0x131: {  	v15 =	vmul.f32 $1.131370830e+01, v25;
	v0 =	vld [tilespmem:s30+$0xFFFFFFA0]  }
0x132: {  	v32 =	vmul.f32 $1.131370830e+01, v17;
	v17 =	vmul.f32 $1.131370830e+01, v19;
	v1 =	vld [tilespmem:s30+$0xFFFFFFC0];
	v21 =	vadd.f32 v5, v3  }
0x133: {  	v19 =	vmul.f32 $1.131370830e+01, v29;
	v6 =	vadd.f32 v7, v3;
	v5 =	vld [tilespmem:s30+$0xFFFFFFF0]  }
0x134: {  	v22 =	vmul.f32 $1.131370830e+01, v23;
	v7 =	vld [tilespmem:s30+$0xFFFFFFD0]  }
0x135: {  	v33 =	vadd.f32 v19, v3;
	v19 =	vmul.f32 $1.131370830e+01, v30;
	v29 =	vadd.f32 v17, v4;
	v25 =	vld [tilespmem:s28+$0x41D0]  }
0x136: {  	v23 =	vmul.f32 $1.131370830e+01, v16;
	v17 =	vadd.f32 v14, v4;
	v30 =	vld [tilespmem:s30+$0xFFFFFFE0];
	v34 =	vadd.f32 v22, v0  }
0x137: {  	v14 =	vadd.f32 v11, v4;
	v11 =	vadd.f32 v19, v2;
	v19 =	vmul.f32 $1.131370830e+01, v9;
	v35 =	vld [tilespmem:s28+$0x4140];
	[tilespmem:s28+$0x4270] =	vst v29  }
0x138: {  	v9 =	vmul.f32 $1.131370830e+01, v18;
	v29 =	vadd.f32 v24, v0;
	v18 =	vld [tilespmem:s28+$0x4190];
	[tilespmem:s28+$0x4280] =	vst v33  }
0x139: {  	v16 =	vadd.f32 v15, v5;
	v33 =	vld [tilespmem:s28+$0x4110];
	[tilespmem:s28+$0x42A0] =	vst v11;
	v11 =	vmul.f32 $1.131370830e+01, v20;
	v20 =	vmul.f32 $1.131370830e+01, v26  }
.Ltmp2:
0x13a: {  	v36 =	vadd.f32 v10, v2;
	v10 =	vadd.f32 v27, v7;
	v22 =	vld [tilespmem:s28+$0x4120];
	v24 =	vmul.f32 $1.131370830e+01, v25;
	[tilespmem:s28+$0x4290] =	vst v34;
	(pc) =	sbr.rel @p0 .LBB2_6-.Ltmp2, $4  }
0x13b: {  	v28 =	vmul.f32 $1.131370830e+01, v28;
	v15 =	vadd.f32 v9, v30;
	v25 =	vld [tilespmem:s28+$0x4170];
	[tilespmem:s28+$0x4260] =	vst v16;
	v16 =	vadd.f32 v11, v30  }
0x13c: {  	v11 =	vadd.f32 v20, v5;
	v34 =	vmul.f32 $1.131370830e+01, v35;
	v26 =	vld [tilespmem:s28+$0x4180];
	v9 =	vadd.f32 v24, v30;
	[tilespmem:s28+$0x4240] =	vst v10  }
0x13d: {  	v24 =	vadd.f32 v32, v7;
	v10 =	vadd.f32 v28, v30;
	v27 =	vld [tilespmem:s28+$0x4160];
	v18 =	vmul.f32 $1.131370830e+01, v18;
	[tilespmem:s28+$0x4210] =	vst v29  }
0x13e: {  	s30 =	sadd.s32 $0x80, s30;
	v29 =	vadd.f32 v31, v5;
	v28 =	vmul.f32 $1.131370830e+01, v33;
	v20 =	vadd.f32 v34, v7;
	[tilespmem:s28+$0x4220] =	vst v36  }
0x13f: {  	[tilespmem:s28+$0x4100] =	vst v21  }
0x140: {  	[tilespmem:s28+$0x42F0] =	vst v17  }
0x141: {  	[tilespmem:s28+$0x41F0] =	vst v14  }
0x142: {  	[tilespmem:s28+$0x41C0] =	vst v24  }
0x143: {  	[tilespmem:s28+$0x4200] =	vst v6  }
0x144: {  	[tilespmem:s28+$0x4150] =	vst v15  }
0x145: {  	[tilespmem:s28+$0x42D0] =	vst v16  }
0x146: {  	[tilespmem:s28+$0x42E0] =	vst v11  }
0x147: {  	v12 =	vadd.f32 v12, v1;
	[tilespmem:s28+$0x41D0] =	vst v9  }
0x148: {  	[tilespmem:s28+$0x4250] =	vst v10  }
0x149: {  	v13 =	vadd.f32 v13, v1;
	[tilespmem:s28+$0x4230] =	vst v12;
	v12 =	vmul.f32 $1.131370830e+01, v27  }
0x14a: {  	[tilespmem:s28+$0x41E0] =	vst v29  }
0x14b: {  	[tilespmem:s28+$0x41B0] =	vst v13;
	v13 =	vmul.f32 $1.131370830e+01, v22;
	v5 =	vadd.f32 v12, v5  }
0x14c: {  	v8 =	vadd.f32 v8, v2;
	[tilespmem:s28+$0x4140] =	vst v20  }
0x14d: {  	v21 =	vld [tilespmem:s28+$0x4130];
	v2 =	vadd.f32 v13, v2;
	[tilespmem:s28+$0x4160] =	vst v5;
	v5 =	vmul.f32 $1.131370830e+01, v26  }
0x14e: {  	v23 =	vadd.f32 v23, v1;
	[tilespmem:s28+$0x41A0] =	vst v8;
	v8 =	vmul.f32 $1.131370830e+01, v25  }
0x14f: {  	[tilespmem:s28+$0x4120] =	vst v2;
	v2 =	vadd.f32 v5, v3  }
0x150: {  	[tilespmem:s28+$0x42B0] =	vst v23;
	v3 =	vadd.f32 v8, v4  }
0x151: {  	v4 =	vadd.f32 v28, v0;
	[tilespmem:s28+$0x4180] =	vst v2  }
0x152: {  	v0 =	vadd.f32 v18, v0;
	[tilespmem:s28+$0x4170] =	vst v3;
	v2 =	vmul.f32 $1.131370830e+01, v21  }
0x153: {  	[tilespmem:s28+$0x4110] =	vst v4;
	v3 =	vadd.f32 v19, v7  }
0x154: {  	[tilespmem:s28+$0x4190] =	vst v0;
	v1 =	vadd.f32 v2, v1  }
0x155: {  	[tilespmem:s28+$0x42C0] =	vst v3  }
0x156: {  	[tilespmem:s28+$0x4130] =	vst v1;
	s28 =	simm.s32 $0x0  }
0x157: {  	[hbm4b:s8+s28] =	stream.linear.scatter [tilespmem:s17], [sflag:$0x5], $0x2000, $0x38;
	[tilespmem:$0xA100] =	vst v63  }
0x158: {  	_ =	swait.ge [sflag:s24], $0x2000  }
0x159: {  	[sflag:s24] =	ssyncset.done $0x0  }
0x15a: {  	s28 =	simm.s32 $0x0;
	[sflag:s24] =	ssyncadd.s32 $0xFFFFE000  }
0x15b: {  	v6 =	vld [tilespmem:s28+$0x62A0]  }
0x15c: {  	v7 =	vld [tilespmem:s28+$0x6270]  }
0x15d: {  	v8 =	vld [tilespmem:s28+$0x6280]  }
0x15e: {  	v9 =	vld [tilespmem:s28+$0x6290]  }
0x15f: {  	v10 =	vld [tilespmem:s28+$0x6260]  }
0x160: {  	v11 =	vld [tilespmem:s28+$0x6240]  }
0x161: {  	v12 =	vld [tilespmem:s28+$0x6230]  }
0x162: {  	v13 =	vld [tilespmem:s28+$0x6210]  }
0x163: {  	v14 =	vld [tilespmem:s28+$0x6100]  }
0x164: {  	v15 =	vld [tilespmem:s28+$0x62F0]  }
0x165: {  	v16 =	vld [tilespmem:s28+$0x61C0]  }
0x166: {  	v17 =	vld [tilespmem:s28+$0x61F0]  }
0x167: {  	v18 =	vld [tilespmem:s28+$0x6220]  }
0x168: {  	v19 =	vld [tilespmem:s28+$0x61E0]  }
0x169: {  	v20 =	vld [tilespmem:s28+$0x61A0]  }
0x16a: {  	v21 =	vld [tilespmem:s28+$0x6200]  }
0x16b: {  	v23 =	vld [tilespmem:s28+$0x62B0]  }
0x16c: {  	v24 =	vld [tilespmem:s28+$0x6150]  }
0x16d: {  	v26 =	vld [tilespmem:s28+$0x62D0]  }
0x16e: {  	v25 =	vld [tilespmem:s28+$0x62C0]  }
0x16f: {  	s29 =	simm.s32 $0x9970;
	v27 =	vld [tilespmem:s28+$0x62E0]  }
0x170: {  	v3 =	vld [tilespmem:s29+$0xFFFFFF90]  }
0x171: {  	v2 =	vld [tilespmem:s29+$0xFFFFFFB0];
	v29 =	vmul.f32 $1.131370830e+01, v7;
	v30 =	vmul.f32 $1.131370830e+01, v19  }
0x172: {  	v4 =	vld [tilespmem:s29+$0x0];
	v19 =	vmul.f32 $1.131370830e+01, v17;
	v8 =	vmul.f32 $1.131370830e+01, v8  }
0x173: {  	v28 =	vld [tilespmem:s28+$0x6250];
	v32 =	vmul.f32 $1.131370830e+01, v21;
	v33 =	vmul.f32 $1.131370830e+01, v13  }
0x174: {  	v0 =	vld [tilespmem:s29+$0xFFFFFFA0];
	v18 =	vmul.f32 $1.131370830e+01, v18;
	v6 =	vmul.f32 $1.131370830e+01, v6  }
0x175: {  	v5 =	vld [tilespmem:s29+$0xFFFFFFF0];
	v12 =	vmul.f32 $1.131370830e+01, v12;
	v15 =	vmul.f32 $1.131370830e+01, v15  }
0x176: {  	v34 =	vld [tilespmem:s28+$0x6140];
	v9 =	vmul.f32 $1.131370830e+01, v9;
	v11 =	vmul.f32 $1.131370830e+01, v11  }
0x177: {  	v1 =	vld [tilespmem:s29+$0xFFFFFFC0];
	v14 =	vmul.f32 $1.131370830e+01, v14;
	v10 =	vmul.f32 $1.131370830e+01, v10  }
0x178: {  	v31 =	vld [tilespmem:s28+$0x61D0];
	v36 =	vmul.f32 $1.131370830e+01, v16;
	v23 =	vmul.f32 $1.131370830e+01, v23;
	v17 =	vadd.f32 v29, v4  }
0x179: {  	v7 =	vld [tilespmem:s29+$0xFFFFFFD0];
	v16 =	vmul.f32 $1.131370830e+01, v26;
	v13 =	vadd.f32 v8, v3;
	v6 =	vadd.f32 v6, v2  }
0x17a: {  	v28 =	vmul.f32 $1.131370830e+01, v28;
	v29 =	vld [tilespmem:s29+$0xFFFFFFE0];
	v9 =	vadd.f32 v9, v0;
	v21 =	vadd.f32 v14, v3;
	[tilespmem:s28+$0x6270] =	vst v17  }
0x17b: {  	v22 =	vld [tilespmem:s28+$0x61B0];
	v63 =	vmul.f32 $1.131370830e+01, v34;
	v10 =	vadd.f32 v10, v5;
	v14 =	vadd.f32 v19, v4;
	[tilespmem:s28+$0x62A0] =	vst v6  }
0x17c: {  	v35 =	vld [tilespmem:s28+$0x6190];
	v8 =	vmul.f32 $1.131370830e+01, v20;
	v62 =	vadd.f32 v33, v0;
	v6 =	vadd.f32 v32, v3;
	[tilespmem:s28+$0x6290] =	vst v9  }
0x17d: {  	v20 =	vld [tilespmem:s28+$0x6110];
	v17 =	vadd.f32 v15, v4;
	v9 =	vmul.f32 $1.131370830e+01, v24;
	[tilespmem:s28+$0x6260] =	vst v10;
	v10 =	vmul.f32 $1.131370830e+01, v27  }
0x17e: {  	v24 =	vmul.f32 $1.131370830e+01, v31;
	v31 =	vadd.f32 v18, v2;
	v11 =	vadd.f32 v11, v7  }
0x17f: {  	v19 =	vmul.f32 $1.131370830e+01, v25;
	v25 =	vld [tilespmem:s28+$0x6170];
	[tilespmem:s28+$0x6280] =	vst v13;
	v15 =	vadd.f32 v9, v29;
	v16 =	vadd.f32 v16, v29  }
0x180: {  	v26 =	vld [tilespmem:s28+$0x6180];
	v13 =	vmul.f32 $1.131370830e+01, v22;
	[tilespmem:s28+$0x6240] =	vst v11;
	v9 =	vadd.f32 v24, v29;
	v11 =	vadd.f32 v10, v5  }
0x181: {  	v27 =	vld [tilespmem:s28+$0x6160];
	v18 =	vmul.f32 $1.131370830e+01, v35;
	[tilespmem:s28+$0x6210] =	vst v62;
	v24 =	vadd.f32 v36, v7;
	v10 =	vadd.f32 v28, v29  }
0x182: {  	s30 =	simm.s32 $0x99F0;
	s29 =	simm.s32 $0x800;
	v22 =	vld [tilespmem:s28+$0x6120];
	[tilespmem:s28+$0x6220] =	vst v31;
	v28 =	vmul.f32 $1.131370830e+01, v20;
	v20 =	vadd.f32 v63, v7;
	v29 =	vadd.f32 v30, v5  }
.LBB2_8:
0x183: {  	s31 =	sshra.s32 s29, $0x2;
	p0 =	sne.s32 s29, $0x7800;
	s29 =	sadd.s32 $0x800, s29;
	[tilespmem:s28+$0x6100] =	vst v21;
	v21 =	vld [tilespmem:s28+$0x6130];
	v12 =	vadd.f32 v12, v1;
	v23 =	vadd.f32 v23, v1  }
0x184: {  	v7 =	vadd.f32 v19, v7;
	v30 =	vld [tilespmem:s31+$0x62A0];
	v28 =	vadd.f32 v28, v0;
	v25 =	vmul.f32 $1.131370830e+01, v25;
	[tilespmem:s28+$0x61E0] =	vst v29  }
0x185: {  	v13 =	vadd.f32 v13, v1;
	v19 =	vld [tilespmem:s31+$0x6270];
	v26 =	vmul.f32 $1.131370830e+01, v26;
	[tilespmem:s28+$0x6230] =	vst v12  }
0x186: {  	v8 =	vadd.f32 v8, v2;
	v29 =	vld [tilespmem:s31+$0x6280];
	v12 =	vmul.f32 $1.131370830e+01, v27;
	v4 =	vadd.f32 v25, v4;
	[tilespmem:s28+$0x62B0] =	vst v23  }
0x187: {  	v23 =	vld [tilespmem:s31+$0x6290];
	v3 =	vadd.f32 v26, v3;
	[tilespmem:s28+$0x61B0] =	vst v13  }
0x188: {  	v13 =	vmul.f32 $1.131370830e+01, v22;
	v25 =	vld [tilespmem:s31+$0x6260];
	v21 =	vmul.f32 $1.131370830e+01, v21;
	v5 =	vadd.f32 v12, v5;
	[tilespmem:s28+$0x61A0] =	vst v8  }
0x189: {  	v22 =	vld [tilespmem:s31+$0x6240];
	[tilespmem:s28+$0x62F0] =	vst v17  }
0x18a: {  	v2 =	vadd.f32 v13, v2;
	v8 =	vld [tilespmem:s31+$0x6230];
	v1 =	vadd.f32 v21, v1;
	[tilespmem:s28+$0x6160] =	vst v5  }
0x18b: {  	v5 =	vld [tilespmem:s31+$0x6210];
	[tilespmem:s28+$0x61F0] =	vst v14  }
0x18c: {  	v13 =	vld [tilespmem:s31+$0x6100];
	[tilespmem:s28+$0x6120] =	vst v2  }
0x18d: {  	v14 =	vld [tilespmem:s31+$0x62F0];
	[tilespmem:s28+$0x61C0] =	vst v24  }
0x18e: {  	v17 =	vld [tilespmem:s31+$0x61C0];
	[tilespmem:s28+$0x6200] =	vst v6  }
0x18f: {  	v2 =	vld [tilespmem:s31+$0x61F0];
	[tilespmem:s28+$0x6180] =	vst v3  }
0x190: {  	v6 =	vld [tilespmem:s31+$0x6220];
	[tilespmem:s28+$0x6170] =	vst v4  }
0x191: {  	v3 =	vld [tilespmem:s31+$0x61E0];
	[tilespmem:s28+$0x6110] =	vst v28  }
0x192: {  	v21 =	vld [tilespmem:s31+$0x61A0];
	[tilespmem:s28+$0x6150] =	vst v15  }
0x193: {  	v0 =	vadd.f32 v18, v0;
	v4 =	vld [tilespmem:s31+$0x6200];
	[tilespmem:s28+$0x62D0] =	vst v16  }
0x194: {  	v15 =	vld [tilespmem:s31+$0x61B0];
	[tilespmem:s28+$0x6140] =	vst v20  }
0x195: {  	v16 =	vld [tilespmem:s31+$0x62B0];
	[tilespmem:s28+$0x62C0] =	vst v7  }
0x196: {  	[tilespmem:s28+$0x6130] =	vst v1  }
0x197: {  	v31 =	vmul.f32 $1.131370830e+01, v3;
	v18 =	vld [tilespmem:s31+$0x6150];
	[tilespmem:s28+$0x62E0] =	vst v11  }
0x198: {  	v11 =	vmul.f32 $1.131370830e+01, v2;
	v20 =	vld [tilespmem:s31+$0x62D0];
	[tilespmem:s28+$0x61D0] =	vst v9  }
0x199: {  	v7 =	vmul.f32 $1.131370830e+01, v4;
	v9 =	vld [tilespmem:s31+$0x62C0];
	[tilespmem:s28+$0x6190] =	vst v0  }
0x19a: {  	v24 =	vmul.f32 $1.131370830e+01, v5;
	v26 =	vld [tilespmem:s31+$0x62E0];
	[tilespmem:s28+$0x6250] =	vst v10;
	s28 =	smov.u32 s31  }
0x19b: {  	v10 =	vmul.f32 $1.131370830e+01, v6;
	v3 =	vld [tilespmem:s30+$0xFFFFFF90]  }
0x19c: {  	v12 =	vmul.f32 $1.131370830e+01, v8;
	v14 =	vmul.f32 $1.131370830e+01, v14;
	v2 =	vld [tilespmem:s30+$0xFFFFFFB0]  }
0x19d: {  	v27 =	vmul.f32 $1.131370830e+01, v22;
	v8 =	vmul.f32 $1.131370830e+01, v21;
	v4 =	vld [tilespmem:s30+$0x0]  }
0x19e: {  	v5 =	vmul.f32 $1.131370830e+01, v13;
	v13 =	vmul.f32 $1.131370830e+01, v15;
	v28 =	vld [tilespmem:s28+$0x6250]  }
0x19f: {  	v15 =	vmul.f32 $1.131370830e+01, v25;
	v0 =	vld [tilespmem:s30+$0xFFFFFFA0]  }
0x1a0: {  	v32 =	vmul.f32 $1.131370830e+01, v17;
	v17 =	vmul.f32 $1.131370830e+01, v19;
	v1 =	vld [tilespmem:s30+$0xFFFFFFC0];
	v21 =	vadd.f32 v5, v3  }
0x1a1: {  	v19 =	vmul.f32 $1.131370830e+01, v29;
	v6 =	vadd.f32 v7, v3;
	v5 =	vld [tilespmem:s30+$0xFFFFFFF0]  }
0x1a2: {  	v22 =	vmul.f32 $1.131370830e+01, v23;
	v7 =	vld [tilespmem:s30+$0xFFFFFFD0]  }
0x1a3: {  	v33 =	vadd.f32 v19, v3;
	v19 =	vmul.f32 $1.131370830e+01, v30;
	v29 =	vadd.f32 v17, v4;
	v25 =	vld [tilespmem:s28+$0x61D0]  }
0x1a4: {  	v23 =	vmul.f32 $1.131370830e+01, v16;
	v17 =	vadd.f32 v14, v4;
	v30 =	vld [tilespmem:s30+$0xFFFFFFE0];
	v34 =	vadd.f32 v22, v0  }
0x1a5: {  	v14 =	vadd.f32 v11, v4;
	v11 =	vadd.f32 v19, v2;
	v19 =	vmul.f32 $1.131370830e+01, v9;
	v35 =	vld [tilespmem:s28+$0x6140];
	[tilespmem:s28+$0x6270] =	vst v29  }
0x1a6: {  	v9 =	vmul.f32 $1.131370830e+01, v18;
	v29 =	vadd.f32 v24, v0;
	v18 =	vld [tilespmem:s28+$0x6190];
	[tilespmem:s28+$0x6280] =	vst v33  }
0x1a7: {  	v16 =	vadd.f32 v15, v5;
	v33 =	vld [tilespmem:s28+$0x6110];
	[tilespmem:s28+$0x62A0] =	vst v11;
	v11 =	vmul.f32 $1.131370830e+01, v20;
	v20 =	vmul.f32 $1.131370830e+01, v26  }
.Ltmp3:
0x1a8: {  	v36 =	vadd.f32 v10, v2;
	v10 =	vadd.f32 v27, v7;
	v22 =	vld [tilespmem:s28+$0x6120];
	v24 =	vmul.f32 $1.131370830e+01, v25;
	[tilespmem:s28+$0x6290] =	vst v34;
	(pc) =	sbr.rel @p0 .LBB2_8-.Ltmp3, $4  }
0x1a9: {  	v28 =	vmul.f32 $1.131370830e+01, v28;
	v15 =	vadd.f32 v9, v30;
	v25 =	vld [tilespmem:s28+$0x6170];
	[tilespmem:s28+$0x6260] =	vst v16;
	v16 =	vadd.f32 v11, v30  }
0x1aa: {  	v11 =	vadd.f32 v20, v5;
	v34 =	vmul.f32 $1.131370830e+01, v35;
	v26 =	vld [tilespmem:s28+$0x6180];
	v9 =	vadd.f32 v24, v30;
	[tilespmem:s28+$0x6240] =	vst v10  }
0x1ab: {  	v24 =	vadd.f32 v32, v7;
	v10 =	vadd.f32 v28, v30;
	v27 =	vld [tilespmem:s28+$0x6160];
	v18 =	vmul.f32 $1.131370830e+01, v18;
	[tilespmem:s28+$0x6210] =	vst v29  }
0x1ac: {  	s30 =	sadd.s32 $0x80, s30;
	v29 =	vadd.f32 v31, v5;
	v28 =	vmul.f32 $1.131370830e+01, v33;
	v20 =	vadd.f32 v34, v7;
	[tilespmem:s28+$0x6220] =	vst v36  }
0x1ad: {  	[tilespmem:s28+$0x6100] =	vst v21  }
0x1ae: {  	[tilespmem:s28+$0x62F0] =	vst v17  }
0x1af: {  	[tilespmem:s28+$0x61F0] =	vst v14  }
0x1b0: {  	[tilespmem:s28+$0x61C0] =	vst v24  }
0x1b1: {  	[tilespmem:s28+$0x6200] =	vst v6  }
0x1b2: {  	[tilespmem:s28+$0x6150] =	vst v15  }
0x1b3: {  	[tilespmem:s28+$0x62D0] =	vst v16  }
0x1b4: {  	[tilespmem:s28+$0x62E0] =	vst v11  }
0x1b5: {  	[tilespmem:s28+$0x61D0] =	vst v9  }
0x1b6: {  	[tilespmem:s28+$0x6250] =	vst v10  }
0x1b7: {  	v12 =	vadd.f32 v12, v1;
	[tilespmem:s28+$0x61E0] =	vst v29  }
0x1b8: {  	v23 =	vadd.f32 v23, v1;
	[tilespmem:s28+$0x6140] =	vst v20  }
0x1b9: {  	v13 =	vadd.f32 v13, v1;
	[tilespmem:s28+$0x6230] =	vst v12  }
0x1ba: {  	v8 =	vadd.f32 v8, v2;
	[tilespmem:s28+$0x62B0] =	vst v23  }
0x1bb: {  	v51 =	vld [tilespmem:s28+$0x6130];
	v61 =	vadd.f32 v19, v7;
	[tilespmem:s28+$0x61B0] =	vst v13  }
0x1bc: {  	v53 =	vmul.f32 $1.131370830e+01, v22;
	v63 =	vadd.f32 v18, v0;
	[tilespmem:s28+$0x61A0] =	vst v8  }
0x1bd: {  	v56 =	vmul.f32 $1.131370830e+01, v25;
	v59 =	vadd.f32 v28, v0;
	[tilespmem:s28+$0x62C0] =	vst v61  }
0x1be: {  	v54 =	vadd.f32 v53, v2;
	v55 =	vmul.f32 $1.131370830e+01, v26;
	[tilespmem:s28+$0x6190] =	vst v63  }
0x1bf: {  	v52 =	vmul.f32 $1.131370830e+01, v27;
	v58 =	vadd.f32 v56, v4;
	[tilespmem:s28+$0x6110] =	vst v59  }
0x1c0: {  	[tilespmem:s28+$0x6120] =	vst v54;
	v57 =	vadd.f32 v55, v3;
	v60 =	vmul.f32 $1.131370830e+01, v51  }
0x1c1: {  	v5 =	vadd.f32 v52, v5;
	[tilespmem:s28+$0x6170] =	vst v58  }
0x1c2: {  	[tilespmem:s28+$0x6180] =	vst v57;
	v62 =	vadd.f32 v60, v1  }
0x1c3: {  	[tilespmem:s28+$0x6160] =	vst v5  }
0x1c4: {  	[tilespmem:s28+$0x6130] =	vst v62  }
0x1c5: {  	[hbm4b:s9+s3] =	stream.linear.scatter [tilespmem:s19], [sflag:$0x5], $0x2000, $0x38;
	[tilespmem:$0xA100] =	vst v63  }
0x1c6: {  	_ =	swait.ge [sflag:s25], $0x2000  }
0x1c7: {  	[sflag:s25] =	ssyncset.done $0x0  }
0x1c8: {  	[sflag:s25] =	ssyncadd.s32 $0xFFFFE000  }
0x1c9: {  	_ =	swait.ge [sflag:s25], $0x2000  }
0x1ca: {  	[sflag:s25] =	ssyncset.done $0x0  }
0x1cb: {  	s26 =	sadd.s32 $0x1, s26;
	[sflag:s25] =	ssyncadd.s32 $0xFFFFE000  }
0x1cc: {  	p0 =	sne.s32 s26, s10;
	_ =	swait.ge [sflag:s25], $0x2000  }
.Ltmp4:
0x1cd: {  	[sflag:s25] =	ssyncset.done $0x0;
	(pc) =	sbr.rel @p0 .LBB2_1-.Ltmp4, $4  }
0x1ce: {  	[sflag:s25] =	ssyncadd.s32 $0xFFFFE000  }
0x1cf: {  	_ =	swait.ge [sflag:s25], $0x2000  }
0x1d0: {  	[sflag:s25] =	ssyncset.done $0x0  }
0x1d1: {  	[sflag:s25] =	ssyncadd.s32 $0xFFFFE000  }
0x1d2: {  	_ =	sfence.sel $0x180000  }
0x1d3: {  	[bflag:$0x0] =	sbarrier.arrive $0xFFFF  }
0x1d4: {  	p0 =	sne.s32 s2, $0x0;
	_ =	strace $0x90000047  }
0x1d5: {  	s0 =	sadd.s32 @!p0 $0x100000, s0;
	[bflag:$0x2] =	sbarrier.arrive $0xFFFF  }
0x1d6: {  	[sflag:s0] =	ssyncadd.tile.s32 @!p0 $0x1;
	_ =	shalt  }
.Lfunc_end2:
_tile_overlayer_lowered:
.L_overlay_start_2:
0x1d7: {  	(tag) =	ssettag $0x2  }
0x1d8: {  	s0 =	rddreg [dreg:$0x0];
	s2 =	stileid.u32  }
0x1d9: {  	s1 =	rddreg [dreg:$0x1];
	p0 =	sne.s32 s2, $0x0  }
0x1da: {  	s3 =	rddreg [dreg:$0x2];
	[bflag:$0x3] =	sbarrier.arrive $0xFFFF;
	s2 =	simm.s32 @!p0 $0x1C07  }
0x1db: {  	[timem:s3], [sflag:s2] =	dma.local @!p0 [hbm:s0], s1  }
0x1dc: {  	s0 =	simm.s32 @!p0 $0x7  }
0x1dd: {  	_ =	swait.ge @!p0 [sflag:s0], s1  }
0x1de: {  	s1 =	ssub.s32 @!p0 $0x0, s1;
	[sflag:s0] =	ssyncset.done @!p0 $0x0  }
0x1df: {  	[sflag:s0] =	ssyncadd.s32 @!p0 s1  }
0x1e0: {  	[bflag:$0x3] =	sbarrier.arrive $0xFFFF  }
0x1e1: {  	_ =	shalt  }

</sc_bundles>
